<compile_context>
chip_gen: v7x
topology: tpu7x:2x2x1
jax: 0.10.2.dev20260603
libtpu: 0.0.44.dev20260713+nightly
codegen_flags: <defaults>
</compile_context>

<pallas_src>
import functools

import jax
import jax.numpy as jnp
from jax import lax
from jax.experimental import pallas as pl
from jax.experimental.pallas import tpu as pltpu
from jax.experimental.pallas import tpu_sc as plsc

N = 10000
E = 320000
IN_CH = 128
HIDDEN = 64
NUM_GRAPHS = 64

NC = 2
NS = 16
NW = NC * NS
EPW = E // NW
CH = 80
NCHUNK = EPW // CH
RPT = N // NS
DEGW = 16

_mesh = plsc.VectorSubcoreMesh(core_axis_name="c", subcore_axis_name="s")
_sc_params = pltpu.CompilerParams(use_tc_tiling_on_sc=False)


NBUF = 5
DEGG = 25


@functools.partial(
    pl.kernel,
    out_type=jax.ShapeDtypeStruct((NC, N, DEGW), jnp.float32),
    mesh=_mesh,
    compiler_params=_sc_params,
    scratch_types=[
        pltpu.VMEM((NCHUNK, CH), jnp.int32),
        pltpu.VMEM((CH, DEGW), jnp.float32),
        pltpu.VMEM_SHARED((N, DEGW), jnp.float32),
        pltpu.SemaphoreType.DMA,
    ],
)
def _sc_degree(dst_hbm, ones_hbm, zeros_hbm, out_hbm, dst_v, ones_v, acc_sh,
               sem):
    cid = lax.axis_index("c")
    sid = lax.axis_index("s")
    wid = cid * NS + sid
    cps = [pltpu.async_copy(dst_hbm.at[wid], dst_v, sem),
           pltpu.async_copy(ones_hbm, ones_v, sem),
           pltpu.async_copy(zeros_hbm, acc_sh.at[pl.ds(sid * RPT, RPT)],
                            sem)]
    for cp in cps:
        cp.wait()
    plsc.subcore_barrier()

    @pl.loop(0, NCHUNK // DEGG)
    def _(j):
        cps = [pltpu.async_copy(ones_v, acc_sh.at[dst_v.at[j * DEGG + g]],
                                sem, add=True)
               for g in range(DEGG)]
        for cp in cps:
            cp.wait()

    plsc.subcore_barrier()
    pltpu.sync_copy(acc_sh.at[pl.ds(sid * RPT, RPT)],
                    out_hbm.at[cid, pl.ds(sid * RPT, RPT)])


@functools.partial(
    pl.kernel,
    out_type=jax.ShapeDtypeStruct((NC, N, HIDDEN), jnp.float32),
    mesh=_mesh,
    compiler_params=_sc_params,
    scratch_types=[
        pltpu.VMEM((NCHUNK, CH), jnp.int32),
        pltpu.VMEM((NCHUNK, CH), jnp.int32),
        [pltpu.VMEM((CH, HIDDEN), jnp.float32)] * NBUF,
        pltpu.VMEM_SHARED((N, HIDDEN), jnp.float32),
        [pltpu.SemaphoreType.DMA] * NBUF,
    ],
)
def _sc_scatter(y_hbm, src_hbm, dst_hbm, zeros_hbm, out_hbm,
                src_v, dst_v, rows_v, acc_sh, sems):
    cid = lax.axis_index("c")
    sid = lax.axis_index("s")
    wid = cid * NS + sid
    cps = [pltpu.async_copy(src_hbm.at[wid], src_v, sems[0]),
           pltpu.async_copy(dst_hbm.at[wid], dst_v, sems[1]),
           pltpu.async_copy(zeros_hbm, acc_sh.at[pl.ds(sid * RPT, RPT)],
                            sems[2])]
    for cp in cps:
        cp.wait()
    plsc.subcore_barrier()

    for b in range(NBUF):
        pltpu.async_copy(y_hbm.at[src_v.at[b]], rows_v[b], sems[b])

    @pl.loop(0, NCHUNK // NBUF - 1)
    def _(j):
        i0 = j * NBUF
        for b in range(NBUF):
            pltpu.make_async_copy(y_hbm.at[src_v.at[i0 + b]], rows_v[b],
                                  sems[b]).wait()
            pltpu.sync_copy(rows_v[b], acc_sh.at[dst_v.at[i0 + b]], add=True)
            pltpu.async_copy(y_hbm.at[src_v.at[i0 + NBUF + b]], rows_v[b],
                             sems[b])

    last = NCHUNK - NBUF
    for b in range(NBUF):
        pltpu.make_async_copy(y_hbm.at[src_v.at[last + b]], rows_v[b],
                              sems[b]).wait()
        pltpu.sync_copy(rows_v[b], acc_sh.at[dst_v.at[last + b]], add=True)

    plsc.subcore_barrier()
    pltpu.sync_copy(acc_sh.at[pl.ds(sid * RPT, RPT)],
                    out_hbm.at[cid, pl.ds(sid * RPT, RPT)])


def _tc_mm_scale_body(x_ref, w_ref, dp_ref, y_ref, dinv_ref):
    deg = dp_ref[0, :, 0:1] + dp_ref[1, :, 0:1] + 1.0
    dinv = lax.rsqrt(jnp.maximum(deg, 1.0))
    dinv_ref[...] = dinv
    y_ref[...] = jnp.dot(x_ref[...], w_ref[...],
                         preferred_element_type=jnp.float32) * dinv


def _tc_mid_body(z_ref, y1_ref, dinv_ref, b_ref, w_ref, y2_ref):
    dinv = dinv_ref[...]
    h = jnp.maximum(
        (z_ref[0] + z_ref[1] + y1_ref[...]) * dinv + b_ref[...], 0.0)
    y2_ref[...] = jnp.dot(h, w_ref[...],
                          preferred_element_type=jnp.float32) * dinv


def _tc_final_body(z_ref, y2_ref, dinv_ref, b_ref, batch_ref,
                   wh_ref, bh_ref, out_ref):
    h = jnp.maximum(
        (z_ref[0] + z_ref[1] + y2_ref[...]) * dinv_ref[...]
        + b_ref[...], 0.0)
    gids = lax.broadcasted_iota(jnp.int32, (NUM_GRAPHS, N), 0)
    oh = (batch_ref[...] == gids).astype(jnp.float32)
    sums = jnp.dot(oh, h, preferred_element_type=jnp.float32)
    counts = jnp.sum(oh, axis=1, keepdims=True)
    pooled = sums / jnp.maximum(counts, 1.0)
    out_ref[...] = jnp.dot(pooled, wh_ref[...],
                           preferred_element_type=jnp.float32) + bh_ref[...]


def kernel(x, edge_index, batch, W1, b1, W2, b2, Wh, bh):
    src = edge_index[0].astype(jnp.int32).reshape(NW, NCHUNK, CH)
    dst = edge_index[1].astype(jnp.int32).reshape(NW, NCHUNK, CH)
    batch2 = batch.astype(jnp.int32).reshape(1, N)
    ones_deg = jnp.ones((CH, DEGW), jnp.float32)
    zeros_deg = jnp.zeros((RPT, DEGW), jnp.float32)
    zeros_acc = jnp.zeros((RPT, HIDDEN), jnp.float32)

    degp = _sc_degree(dst, ones_deg, zeros_deg)
    y1, dinv = pl.pallas_call(
        _tc_mm_scale_body,
        out_shape=(jax.ShapeDtypeStruct((N, HIDDEN), jnp.float32),
                   jax.ShapeDtypeStruct((N, 1), jnp.float32)),
    )(x, W1, degp)

    z1 = _sc_scatter(y1, src, dst, zeros_acc)
    y2 = pl.pallas_call(
        _tc_mid_body,
        out_shape=jax.ShapeDtypeStruct((N, HIDDEN), jnp.float32),
    )(z1, y1, dinv, b1.reshape(1, HIDDEN), W2)

    z2 = _sc_scatter(y2, src, dst, zeros_acc)
    out = pl.pallas_call(
        _tc_final_body,
        out_shape=jax.ShapeDtypeStruct((NUM_GRAPHS, 2), jnp.float32),
    )(z2, y2, dinv, b2.reshape(1, HIDDEN), batch2,
      Wh, bh.reshape(1, 2))
    return out

# --- scband reference (transcript-rebuilt; emitter-appended) ---
"""Pipeline reference for scband-gcn-41437844472432 (READ-ONLY COPY).

The authoritative reference and input builder live on the scoring server;
editing this copy changes nothing except your own understanding.
"""

import jax, jax.numpy as jnp
import numpy as np

N = 10000
E = 320000
IN_CH = 128
HIDDEN = 64
NUM_GRAPHS = 64
OUT = 2


def setup_inputs(seed: int = 0) -> dict:
    key = jax.random.key(seed)
    ks = jax.random.split(key, 10)
    x = jax.random.normal(ks[0], (N, IN_CH), dtype=jnp.float32)
    edge_index = jax.random.randint(ks[1], (2, E), 0, N, dtype=jnp.int64)
    batch = jnp.sort(jax.random.randint(ks[2], (N,), 0, NUM_GRAPHS, dtype=jnp.int64))
    # GCNConv weights (glorot-ish scale) and biases
    W1 = jax.random.normal(ks[3], (IN_CH, HIDDEN), dtype=jnp.float32) * (1.0 / np.sqrt(IN_CH))
    b1 = jnp.zeros((HIDDEN,), dtype=jnp.float32)
    W2 = jax.random.normal(ks[4], (HIDDEN, HIDDEN), dtype=jnp.float32) * (1.0 / np.sqrt(HIDDEN))
    b2 = jnp.zeros((HIDDEN,), dtype=jnp.float32)
    Wh = jax.random.normal(ks[5], (HIDDEN, OUT), dtype=jnp.float32) * (1.0 / np.sqrt(HIDDEN))
    bh = jnp.zeros((OUT,), dtype=jnp.float32)
    return {"x": x, "edge_index": edge_index, "batch": batch,
            "W1": W1, "b1": b1, "W2": W2, "b2": b2, "Wh": Wh, "bh": bh}


def _gcn_conv(x, src, dst, W, b, num_nodes):
    # GCNConv with self-loops and symmetric normalization: D^-1/2 (A+I) D^-1/2 X W + b
    xw = x @ W
    loop = jnp.arange(num_nodes, dtype=src.dtype)
    s = jnp.concatenate([src, loop])
    d = jnp.concatenate([dst, loop])
    deg = jnp.zeros((num_nodes,), dtype=xw.dtype).at[d].add(1.0)
    dinv = jax.lax.rsqrt(jnp.maximum(deg, 1.0))
    norm = dinv[s] * dinv[d]
    msg = xw[s] * norm[:, None]
    out = jnp.zeros((num_nodes, xw.shape[1]), dtype=xw.dtype).at[d].add(msg)
    return out + b


def reference(x, edge_index, batch, W1, b1, W2, b2, Wh, bh):
    src = edge_index[0]
    dst = edge_index[1]
    n = x.shape[0]
    h = jax.nn.relu(_gcn_conv(x, src, dst, W1, b1, n))
    h = jax.nn.relu(_gcn_conv(h, src, dst, W2, b2, n))
    sums = jax.ops.segment_sum(h, batch, num_segments=NUM_GRAPHS)
    counts = jax.ops.segment_sum(jnp.ones((n,), dtype=h.dtype), batch, num_segments=NUM_GRAPHS)
    pooled = sums / jnp.maximum(counts, 1.0)[:, None]
    return pooled @ Wh + bh

if __name__ == "__main__":
    import jax
    _d = setup_inputs()
    print(jax.jit(kernel)(*tuple(_d.values())))

</pallas_src>

<mosaic_0001>
#map = affine_map<(d0, d1) -> (0, 0)>
#map1 = affine_map<(d0, d1) -> (0, 0, 0)>
module attributes {stable_mosaic.version = 14 : i64} {
  func.func @_sc_scatter(%arg0: i32, %arg1: i32, %arg2: memref<10000x64xf32, #tpu.memory_space<hbm>>, %arg3: memref<32x125x80xi32, #tpu.memory_space<hbm>>, %arg4: memref<32x125x80xi32, #tpu.memory_space<hbm>>, %arg5: memref<625x64xf32, #tpu.memory_space<hbm>>, %arg6: memref<2x10000x64xf32, #tpu.memory_space<hbm>>, %arg7: memref<125x80xi32, #tpu.memory_space<vmem>>, %arg8: memref<125x80xi32, #tpu.memory_space<vmem>>, %arg9: memref<80x64xf32, #tpu.memory_space<vmem>>, %arg10: memref<80x64xf32, #tpu.memory_space<vmem>>, %arg11: memref<80x64xf32, #tpu.memory_space<vmem>>, %arg12: memref<80x64xf32, #tpu.memory_space<vmem>>, %arg13: memref<80x64xf32, #tpu.memory_space<vmem>>, %arg14: memref<10000x64xf32, #tpu.memory_space<vmem_shared>>, %arg15: memref<!tpu.dma_semaphore, #tpu.memory_space<semaphore_mem>>, %arg16: memref<!tpu.dma_semaphore, #tpu.memory_space<semaphore_mem>>, %arg17: memref<!tpu.dma_semaphore, #tpu.memory_space<semaphore_mem>>, %arg18: memref<!tpu.dma_semaphore, #tpu.memory_space<semaphore_mem>>, %arg19: memref<!tpu.dma_semaphore, #tpu.memory_space<semaphore_mem>>) attributes {dimension_semantics = [#tpu.dimension_semantics<core_parallel>, #tpu.dimension_semantics<subcore_parallel>], iteration_bounds = array<i64: 2, 16>, scalar_prefetch = 0 : i64, scratch_operands = 13 : i64, tpu.core_type = #tpu.core_type<sc_vector_subcore>, window_params = [{transform_indices = #map}, {transform_indices = #map1}, {transform_indices = #map1}, {transform_indices = #map}, {transform_indices = #map1}]} {
    %mul3A = arith.constant 16 : i32
    %mul3A_0 = arith.muli %arg0, %mul3A : i32
    %add3A = arith.addi %mul3A_0, %arg1 : i32
    %dma_start3A = arith.constant 0 : i32
    %dma_start3A_1 = arith.constant 0 : i32
    %dma_start3A_2 = tpu.memref_slice %arg3[%add3A, %dma_start3A, %dma_start3A_1] : memref<32x125x80xi32, #tpu.memory_space<hbm>> -> memref<1x125x80xi32, #tpu.memory_space<hbm>>
    %dma_start3A_3 = tpu.memref_squeeze %dma_start3A_2 : memref<1x125x80xi32, #tpu.memory_space<hbm>> -> memref<125x80xi32, #tpu.memory_space<hbm>>
    %dma_start3A_4 = arith.constant 0 : i32
    %dma_start3A_5 = arith.constant 0 : i32
    %dma_start3A_6 = tpu.memref_slice %arg3[%add3A, %dma_start3A_4, %dma_start3A_5] : memref<32x125x80xi32, #tpu.memory_space<hbm>> -> memref<1x125x80xi32, #tpu.memory_space<hbm>>
    %dma_start3A_7 = tpu.memref_squeeze %dma_start3A_6 : memref<1x125x80xi32, #tpu.memory_space<hbm>> -> memref<125x80xi32, #tpu.memory_space<hbm>>
    tpu.enqueue_dma source(%dma_start3A_7 : memref<125x80xi32, #tpu.memory_space<hbm>>) target(%arg7 : memref<125x80xi32, #tpu.memory_space<vmem>>) target_semaphore(%arg15 : memref<!tpu.dma_semaphore, #tpu.memory_space<semaphore_mem>>)
    %dma_start3A_8 = arith.constant 0 : i32
    %dma_start3A_9 = arith.constant 0 : i32
    %dma_start3A_10 = tpu.memref_slice %arg4[%add3A, %dma_start3A_8, %dma_start3A_9] : memref<32x125x80xi32, #tpu.memory_space<hbm>> -> memref<1x125x80xi32, #tpu.memory_space<hbm>>
    %dma_start3A_11 = tpu.memref_squeeze %dma_start3A_10 : memref<1x125x80xi32, #tpu.memory_space<hbm>> -> memref<125x80xi32, #tpu.memory_space<hbm>>
    %dma_start3A_12 = arith.constant 0 : i32
    %dma_start3A_13 = arith.constant 0 : i32
    %dma_start3A_14 = tpu.memref_slice %arg4[%add3A, %dma_start3A_12, %dma_start3A_13] : memref<32x125x80xi32, #tpu.memory_space<hbm>> -> memref<1x125x80xi32, #tpu.memory_space<hbm>>
    %dma_start3A_15 = tpu.memref_squeeze %dma_start3A_14 : memref<1x125x80xi32, #tpu.memory_space<hbm>> -> memref<125x80xi32, #tpu.memory_space<hbm>>
    tpu.enqueue_dma source(%dma_start3A_15 : memref<125x80xi32, #tpu.memory_space<hbm>>) target(%arg8 : memref<125x80xi32, #tpu.memory_space<vmem>>) target_semaphore(%arg16 : memref<!tpu.dma_semaphore, #tpu.memory_space<semaphore_mem>>)
    %mul3A_16 = arith.constant 625 : i32
    %mul3A_17 = arith.muli %arg1, %mul3A_16 : i32
    %dma_start3A_18 = arith.constant 0 : i32
    %dma_start3A_19 = tpu.memref_slice %arg14[%mul3A_17, %dma_start3A_18] : memref<10000x64xf32, #tpu.memory_space<vmem_shared>> -> memref<625x64xf32, #tpu.memory_space<vmem_shared>>
    tpu.enqueue_dma source(%arg5 : memref<625x64xf32, #tpu.memory_space<hbm>>) target(%dma_start3A_19 : memref<625x64xf32, #tpu.memory_space<vmem_shared>>) target_semaphore(%arg17 : memref<!tpu.dma_semaphore, #tpu.memory_space<semaphore_mem>>)
    %dma_wait3A = arith.constant 0 : i32
    %dma_wait3A_20 = arith.constant 0 : i32
    %dma_wait3A_21 = tpu.memref_slice %arg3[%add3A, %dma_wait3A, %dma_wait3A_20] : memref<32x125x80xi32, #tpu.memory_space<hbm>> -> memref<1x125x80xi32, #tpu.memory_space<hbm>>
    %dma_wait3A_22 = tpu.memref_squeeze %dma_wait3A_21 : memref<1x125x80xi32, #tpu.memory_space<hbm>> -> memref<125x80xi32, #tpu.memory_space<hbm>>
    %dma_wait3A_23 = arith.constant 0 : i32
    %dma_wait3A_24 = arith.constant 0 : i32
    %dma_wait3A_25 = tpu.memref_slice %arg3[%add3A, %dma_wait3A_23, %dma_wait3A_24] : memref<32x125x80xi32, #tpu.memory_space<hbm>> -> memref<1x125x80xi32, #tpu.memory_space<hbm>>
    %dma_wait3A_26 = tpu.memref_squeeze %dma_wait3A_25 : memref<1x125x80xi32, #tpu.memory_space<hbm>> -> memref<125x80xi32, #tpu.memory_space<hbm>>
    tpu.wait_dma2 semaphore(%arg15 : memref<!tpu.dma_semaphore, #tpu.memory_space<semaphore_mem>>) src(%dma_wait3A_26 : memref<125x80xi32, #tpu.memory_space<hbm>>) dst(%arg7 : memref<125x80xi32, #tpu.memory_space<vmem>>)
    %dma_wait3A_27 = arith.constant 0 : i32
    %dma_wait3A_28 = arith.constant 0 : i32
    %dma_wait3A_29 = tpu.memref_slice %arg4[%add3A, %dma_wait3A_27, %dma_wait3A_28] : memref<32x125x80xi32, #tpu.memory_space<hbm>> -> memref<1x125x80xi32, #tpu.memory_space<hbm>>
    %dma_wait3A_30 = tpu.memref_squeeze %dma_wait3A_29 : memref<1x125x80xi32, #tpu.memory_space<hbm>> -> memref<125x80xi32, #tpu.memory_space<hbm>>
    %dma_wait3A_31 = arith.constant 0 : i32
    %dma_wait3A_32 = arith.constant 0 : i32
    %dma_wait3A_33 = tpu.memref_slice %arg4[%add3A, %dma_wait3A_31, %dma_wait3A_32] : memref<32x125x80xi32, #tpu.memory_space<hbm>> -> memref<1x125x80xi32, #tpu.memory_space<hbm>>
    %dma_wait3A_34 = tpu.memref_squeeze %dma_wait3A_33 : memref<1x125x80xi32, #tpu.memory_space<hbm>> -> memref<125x80xi32, #tpu.memory_space<hbm>>
    tpu.wait_dma2 semaphore(%arg16 : memref<!tpu.dma_semaphore, #tpu.memory_space<semaphore_mem>>) src(%dma_wait3A_34 : memref<125x80xi32, #tpu.memory_space<hbm>>) dst(%arg8 : memref<125x80xi32, #tpu.memory_space<vmem>>)
    %dma_wait3A_35 = arith.constant 0 : i32
    %dma_wait3A_36 = tpu.memref_slice %arg14[%mul3A_17, %dma_wait3A_35] : memref<10000x64xf32, #tpu.memory_space<vmem_shared>> -> memref<625x64xf32, #tpu.memory_space<vmem_shared>>
    tpu.wait_dma2 semaphore(%arg17 : memref<!tpu.dma_semaphore, #tpu.memory_space<semaphore_mem>>) src(%arg5 : memref<625x64xf32, #tpu.memory_space<hbm>>) dst(%dma_wait3A_36 : memref<625x64xf32, #tpu.memory_space<vmem_shared>>)
    %barrier3A = arith.constant 0 : index
    tpu.barrier barrier_id(%barrier3A)
    %dma_start3A_37 = arith.constant 0 : i32
    %dma_start3A_38 = arith.constant 0 : i32
    %dma_start3A_39 = tpu.memref_slice %arg7[%dma_start3A_37, %dma_start3A_38] : memref<125x80xi32, #tpu.memory_space<vmem>> -> memref<1x80xi32, #tpu.memory_space<vmem>>
    %dma_start3A_40 = tpu.memref_squeeze %dma_start3A_39 : memref<1x80xi32, #tpu.memory_space<vmem>> -> memref<80xi32, #tpu.memory_space<vmem>>
    %dma_start3A_41 = arith.constant 0 : i32
    %dma_start3A_42 = arith.constant 0 : i32
    %dma_start3A_43 = tpu.memref_slice %arg2[%dma_start3A_41, %dma_start3A_42] : memref<10000x64xf32, #tpu.memory_space<hbm>> -> memref<10000x64xf32, #tpu.memory_space<hbm>>
    tpu.enqueue_indirect_dma source(%dma_start3A_43 : memref<10000x64xf32, #tpu.memory_space<hbm>>) target(%arg9 : memref<80x64xf32, #tpu.memory_space<vmem>>) offsets(%dma_start3A_40 : memref<80xi32, #tpu.memory_space<vmem>>) semaphore(%arg15 : memref<!tpu.dma_semaphore, #tpu.memory_space<semaphore_mem>>)
    %dma_start3A_44 = arith.constant 1 : i32
    %dma_start3A_45 = arith.constant 0 : i32
    %dma_start3A_46 = tpu.memref_slice %arg7[%dma_start3A_44, %dma_start3A_45] : memref<125x80xi32, #tpu.memory_space<vmem>> -> memref<1x80xi32, #tpu.memory_space<vmem>>
    %dma_start3A_47 = tpu.memref_squeeze %dma_start3A_46 : memref<1x80xi32, #tpu.memory_space<vmem>> -> memref<80xi32, #tpu.memory_space<vmem>>
    %dma_start3A_48 = arith.constant 0 : i32
    %dma_start3A_49 = arith.constant 0 : i32
    %dma_start3A_50 = tpu.memref_slice %arg2[%dma_start3A_48, %dma_start3A_49] : memref<10000x64xf32, #tpu.memory_space<hbm>> -> memref<10000x64xf32, #tpu.memory_space<hbm>>
    tpu.enqueue_indirect_dma source(%dma_start3A_50 : memref<10000x64xf32, #tpu.memory_space<hbm>>) target(%arg10 : memref<80x64xf32, #tpu.memory_space<vmem>>) offsets(%dma_start3A_47 : memref<80xi32, #tpu.memory_space<vmem>>) semaphore(%arg16 : memref<!tpu.dma_semaphore, #tpu.memory_space<semaphore_mem>>)
    %dma_start3A_51 = arith.constant 2 : i32
    %dma_start3A_52 = arith.constant 0 : i32
    %dma_start3A_53 = tpu.memref_slice %arg7[%dma_start3A_51, %dma_start3A_52] : memref<125x80xi32, #tpu.memory_space<vmem>> -> memref<1x80xi32, #tpu.memory_space<vmem>>
    %dma_start3A_54 = tpu.memref_squeeze %dma_start3A_53 : memref<1x80xi32, #tpu.memory_space<vmem>> -> memref<80xi32, #tpu.memory_space<vmem>>
    %dma_start3A_55 = arith.constant 0 : i32
    %dma_start3A_56 = arith.constant 0 : i32
    %dma_start3A_57 = tpu.memref_slice %arg2[%dma_start3A_55, %dma_start3A_56] : memref<10000x64xf32, #tpu.memory_space<hbm>> -> memref<10000x64xf32, #tpu.memory_space<hbm>>
    tpu.enqueue_indirect_dma source(%dma_start3A_57 : memref<10000x64xf32, #tpu.memory_space<hbm>>) target(%arg11 : memref<80x64xf32, #tpu.memory_space<vmem>>) offsets(%dma_start3A_54 : memref<80xi32, #tpu.memory_space<vmem>>) semaphore(%arg17 : memref<!tpu.dma_semaphore, #tpu.memory_space<semaphore_mem>>)
    %dma_start3A_58 = arith.constant 3 : i32
    %dma_start3A_59 = arith.constant 0 : i32
    %dma_start3A_60 = tpu.memref_slice %arg7[%dma_start3A_58, %dma_start3A_59] : memref<125x80xi32, #tpu.memory_space<vmem>> -> memref<1x80xi32, #tpu.memory_space<vmem>>
    %dma_start3A_61 = tpu.memref_squeeze %dma_start3A_60 : memref<1x80xi32, #tpu.memory_space<vmem>> -> memref<80xi32, #tpu.memory_space<vmem>>
    %dma_start3A_62 = arith.constant 0 : i32
    %dma_start3A_63 = arith.constant 0 : i32
    %dma_start3A_64 = tpu.memref_slice %arg2[%dma_start3A_62, %dma_start3A_63] : memref<10000x64xf32, #tpu.memory_space<hbm>> -> memref<10000x64xf32, #tpu.memory_space<hbm>>
    tpu.enqueue_indirect_dma source(%dma_start3A_64 : memref<10000x64xf32, #tpu.memory_space<hbm>>) target(%arg12 : memref<80x64xf32, #tpu.memory_space<vmem>>) offsets(%dma_start3A_61 : memref<80xi32, #tpu.memory_space<vmem>>) semaphore(%arg18 : memref<!tpu.dma_semaphore, #tpu.memory_space<semaphore_mem>>)
    %dma_start3A_65 = arith.constant 4 : i32
    %dma_start3A_66 = arith.constant 0 : i32
    %dma_start3A_67 = tpu.memref_slice %arg7[%dma_start3A_65, %dma_start3A_66] : memref<125x80xi32, #tpu.memory_space<vmem>> -> memref<1x80xi32, #tpu.memory_space<vmem>>
    %dma_start3A_68 = tpu.memref_squeeze %dma_start3A_67 : memref<1x80xi32, #tpu.memory_space<vmem>> -> memref<80xi32, #tpu.memory_space<vmem>>
    %dma_start3A_69 = arith.constant 0 : i32
    %dma_start3A_70 = arith.constant 0 : i32
    %dma_start3A_71 = tpu.memref_slice %arg2[%dma_start3A_69, %dma_start3A_70] : memref<10000x64xf32, #tpu.memory_space<hbm>> -> memref<10000x64xf32, #tpu.memory_space<hbm>>
    tpu.enqueue_indirect_dma source(%dma_start3A_71 : memref<10000x64xf32, #tpu.memory_space<hbm>>) target(%arg13 : memref<80x64xf32, #tpu.memory_space<vmem>>) offsets(%dma_start3A_68 : memref<80xi32, #tpu.memory_space<vmem>>) semaphore(%arg19 : memref<!tpu.dma_semaphore, #tpu.memory_space<semaphore_mem>>)
    %scan3A = arith.constant 0 : i32
    %scan3A_72 = arith.constant 24 : i32
    %scan3A_73 = arith.addi %scan3A, %scan3A_72 : i32
    %scan3A_74 = arith.constant 1 : i32
    scf.for %scan3A_120 = %scan3A to %scan3A_73 step %scan3A_74  : i32 {
      %mul3A_121 = arith.constant 1 : i32
      %mul3A_122 = arith.muli %scan3A_120, %mul3A_121 : i32
      %add3A_123 = arith.constant 0 : i32
      %add3A_124 = arith.addi %add3A_123, %mul3A_122 : i32
      %mul3A_125 = arith.constant 5 : i32
      %mul3A_126 = arith.muli %add3A_124, %mul3A_125 : i32
      %add3A_127 = arith.constant 0 : i32
      %add3A_128 = arith.addi %mul3A_126, %add3A_127 : i32
      %dma_wait3A_129 = arith.constant 0 : i32
      %dma_wait3A_130 = tpu.memref_slice %arg7[%add3A_128, %dma_wait3A_129] : memref<125x80xi32, #tpu.memory_space<vmem>> -> memref<1x80xi32, #tpu.memory_space<vmem>>
      %dma_wait3A_131 = tpu.memref_squeeze %dma_wait3A_130 : memref<1x80xi32, #tpu.memory_space<vmem>> -> memref<80xi32, #tpu.memory_space<vmem>>
      %dma_wait3A_132 = arith.constant 0 : i32
      %dma_wait3A_133 = arith.constant 0 : i32
      %dma_wait3A_134 = tpu.memref_slice %arg2[%dma_wait3A_132, %dma_wait3A_133] : memref<10000x64xf32, #tpu.memory_space<hbm>> -> memref<10000x64xf32, #tpu.memory_space<hbm>>
      tpu.wait_indirect_dma semaphore(%arg15 : memref<!tpu.dma_semaphore, #tpu.memory_space<semaphore_mem>>) src(%dma_wait3A_134 : memref<10000x64xf32, #tpu.memory_space<hbm>>) dst(%arg9 : memref<80x64xf32, #tpu.memory_space<vmem>>)
      %add3A_135 = arith.constant 0 : i32
      %add3A_136 = arith.addi %mul3A_126, %add3A_135 : i32
      "tpu.region"() ({
        %run_scoped3A_227 = tpu.sem_alloc : memref<!tpu.dma_semaphore, #tpu.memory_space<semaphore_mem>>
        %dma_start3A_228 = arith.constant 0 : i32
        %dma_start3A_229 = tpu.memref_slice %arg8[%add3A_136, %dma_start3A_228] : memref<125x80xi32, #tpu.memory_space<vmem>> -> memref<1x80xi32, #tpu.memory_space<vmem>>
        %dma_start3A_230 = tpu.memref_squeeze %dma_start3A_229 : memref<1x80xi32, #tpu.memory_space<vmem>> -> memref<80xi32, #tpu.memory_space<vmem>>
        %dma_start3A_231 = arith.constant 0 : i32
        %dma_start3A_232 = arith.constant 0 : i32
        %dma_start3A_233 = tpu.memref_slice %arg14[%dma_start3A_231, %dma_start3A_232] : memref<10000x64xf32, #tpu.memory_space<vmem_shared>> -> memref<10000x64xf32, #tpu.memory_space<vmem_shared>>
        tpu.enqueue_indirect_dma source(%arg9 : memref<80x64xf32, #tpu.memory_space<vmem>>) target(%dma_start3A_233 : memref<10000x64xf32, #tpu.memory_space<vmem_shared>>) offsets(%dma_start3A_230 : memref<80xi32, #tpu.memory_space<vmem>>) semaphore(%run_scoped3A_227 : memref<!tpu.dma_semaphore, #tpu.memory_space<semaphore_mem>>) {add = true}
        %dma_wait3A_234 = arith.constant 0 : i32
        %dma_wait3A_235 = tpu.memref_slice %arg8[%add3A_136, %dma_wait3A_234] : memref<125x80xi32, #tpu.memory_space<vmem>> -> memref<1x80xi32, #tpu.memory_space<vmem>>
        %dma_wait3A_236 = tpu.memref_squeeze %dma_wait3A_235 : memref<1x80xi32, #tpu.memory_space<vmem>> -> memref<80xi32, #tpu.memory_space<vmem>>
        %dma_wait3A_237 = arith.constant 0 : i32
        %dma_wait3A_238 = arith.constant 0 : i32
        %dma_wait3A_239 = tpu.memref_slice %arg14[%dma_wait3A_237, %dma_wait3A_238] : memref<10000x64xf32, #tpu.memory_space<vmem_shared>> -> memref<10000x64xf32, #tpu.memory_space<vmem_shared>>
        tpu.wait_indirect_dma semaphore(%run_scoped3A_227 : memref<!tpu.dma_semaphore, #tpu.memory_space<semaphore_mem>>) src(%arg9 : memref<80x64xf32, #tpu.memory_space<vmem>>) dst(%dma_wait3A_239 : memref<10000x64xf32, #tpu.memory_space<vmem_shared>>)
        tpu.yield
      }) : () -> ()
      %add3A_137 = arith.constant 5 : i32
      %add3A_138 = arith.addi %mul3A_126, %add3A_137 : i32
      %add3A_139 = arith.constant 0 : i32
      %add3A_140 = arith.addi %add3A_138, %add3A_139 : i32
      %dma_start3A_141 = arith.constant 0 : i32
      %dma_start3A_142 = tpu.memref_slice %arg7[%add3A_140, %dma_start3A_141] : memref<125x80xi32, #tpu.memory_space<vmem>> -> memref<1x80xi32, #tpu.memory_space<vmem>>
      %dma_start3A_143 = tpu.memref_squeeze %dma_start3A_142 : memref<1x80xi32, #tpu.memory_space<vmem>> -> memref<80xi32, #tpu.memory_space<vmem>>
      %dma_start3A_144 = arith.constant 0 : i32
      %dma_start3A_145 = arith.constant 0 : i32
      %dma_start3A_146 = tpu.memref_slice %arg2[%dma_start3A_144, %dma_start3A_145] : memref<10000x64xf32, #tpu.memory_space<hbm>> -> memref<10000x64xf32, #tpu.memory_space<hbm>>
      tpu.enqueue_indirect_dma source(%dma_start3A_146 : memref<10000x64xf32, #tpu.memory_space<hbm>>) target(%arg9 : memref<80x64xf32, #tpu.memory_space<vmem>>) offsets(%dma_start3A_143 : memref<80xi32, #tpu.memory_space<vmem>>) semaphore(%arg15 : memref<!tpu.dma_semaphore, #tpu.memory_space<semaphore_mem>>)
      %add3A_147 = arith.constant 1 : i32
      %add3A_148 = arith.addi %mul3A_126, %add3A_147 : i32
      %dma_wait3A_149 = arith.constant 0 : i32
      %dma_wait3A_150 = tpu.memref_slice %arg7[%add3A_148, %dma_wait3A_149] : memref<125x80xi32, #tpu.memory_space<vmem>> -> memref<1x80xi32, #tpu.memory_space<vmem>>
      %dma_wait3A_151 = tpu.memref_squeeze %dma_wait3A_150 : memref<1x80xi32, #tpu.memory_space<vmem>> -> memref<80xi32, #tpu.memory_space<vmem>>
      %dma_wait3A_152 = arith.constant 0 : i32
      %dma_wait3A_153 = arith.constant 0 : i32
      %dma_wait3A_154 = tpu.memref_slice %arg2[%dma_wait3A_152, %dma_wait3A_153] : memref<10000x64xf32, #tpu.memory_space<hbm>> -> memref<10000x64xf32, #tpu.memory_space<hbm>>
      tpu.wait_indirect_dma semaphore(%arg16 : memref<!tpu.dma_semaphore, #tpu.memory_space<semaphore_mem>>) src(%dma_wait3A_154 : memref<10000x64xf32, #tpu.memory_space<hbm>>) dst(%arg10 : memref<80x64xf32, #tpu.memory_space<vmem>>)
      %add3A_155 = arith.constant 1 : i32
      %add3A_156 = arith.addi %mul3A_126, %add3A_155 : i32
      "tpu.region"() ({
        %run_scoped3A_227 = tpu.sem_alloc : memref<!tpu.dma_semaphore, #tpu.memory_space<semaphore_mem>>
        %dma_start3A_228 = arith.constant 0 : i32
        %dma_start3A_229 = tpu.memref_slice %arg8[%add3A_156, %dma_start3A_228] : memref<125x80xi32, #tpu.memory_space<vmem>> -> memref<1x80xi32, #tpu.memory_space<vmem>>
        %dma_start3A_230 = tpu.memref_squeeze %dma_start3A_229 : memref<1x80xi32, #tpu.memory_space<vmem>> -> memref<80xi32, #tpu.memory_space<vmem>>
        %dma_start3A_231 = arith.constant 0 : i32
        %dma_start3A_232 = arith.constant 0 : i32
        %dma_start3A_233 = tpu.memref_slice %arg14[%dma_start3A_231, %dma_start3A_232] : memref<10000x64xf32, #tpu.memory_space<vmem_shared>> -> memref<10000x64xf32, #tpu.memory_space<vmem_shared>>
        tpu.enqueue_indirect_dma source(%arg10 : memref<80x64xf32, #tpu.memory_space<vmem>>) target(%dma_start3A_233 : memref<10000x64xf32, #tpu.memory_space<vmem_shared>>) offsets(%dma_start3A_230 : memref<80xi32, #tpu.memory_space<vmem>>) semaphore(%run_scoped3A_227 : memref<!tpu.dma_semaphore, #tpu.memory_space<semaphore_mem>>) {add = true}
        %dma_wait3A_234 = arith.constant 0 : i32
        %dma_wait3A_235 = tpu.memref_slice %arg8[%add3A_156, %dma_wait3A_234] : memref<125x80xi32, #tpu.memory_space<vmem>> -> memref<1x80xi32, #tpu.memory_space<vmem>>
        %dma_wait3A_236 = tpu.memref_squeeze %dma_wait3A_235 : memref<1x80xi32, #tpu.memory_space<vmem>> -> memref<80xi32, #tpu.memory_space<vmem>>
        %dma_wait3A_237 = arith.constant 0 : i32
        %dma_wait3A_238 = arith.constant 0 : i32
        %dma_wait3A_239 = tpu.memref_slice %arg14[%dma_wait3A_237, %dma_wait3A_238] : memref<10000x64xf32, #tpu.memory_space<vmem_shared>> -> memref<10000x64xf32, #tpu.memory_space<vmem_shared>>
        tpu.wait_indirect_dma semaphore(%run_scoped3A_227 : memref<!tpu.dma_semaphore, #tpu.memory_space<semaphore_mem>>) src(%arg10 : memref<80x64xf32, #tpu.memory_space<vmem>>) dst(%dma_wait3A_239 : memref<10000x64xf32, #tpu.memory_space<vmem_shared>>)
        tpu.yield
      }) : () -> ()
      %add3A_157 = arith.constant 5 : i32
      %add3A_158 = arith.addi %mul3A_126, %add3A_157 : i32
      %add3A_159 = arith.constant 1 : i32
      %add3A_160 = arith.addi %add3A_158, %add3A_159 : i32
      %dma_start3A_161 = arith.constant 0 : i32
      %dma_start3A_162 = tpu.memref_slice %arg7[%add3A_160, %dma_start3A_161] : memref<125x80xi32, #tpu.memory_space<vmem>> -> memref<1x80xi32, #tpu.memory_space<vmem>>
      %dma_start3A_163 = tpu.memref_squeeze %dma_start3A_162 : memref<1x80xi32, #tpu.memory_space<vmem>> -> memref<80xi32, #tpu.memory_space<vmem>>
      %dma_start3A_164 = arith.constant 0 : i32
      %dma_start3A_165 = arith.constant 0 : i32
      %dma_start3A_166 = tpu.memref_slice %arg2[%dma_start3A_164, %dma_start3A_165] : memref<10000x64xf32, #tpu.memory_space<hbm>> -> memref<10000x64xf32, #tpu.memory_space<hbm>>
      tpu.enqueue_indirect_dma source(%dma_start3A_166 : memref<10000x64xf32, #tpu.memory_space<hbm>>) target(%arg10 : memref<80x64xf32, #tpu.memory_space<vmem>>) offsets(%dma_start3A_163 : memref<80xi32, #tpu.memory_space<vmem>>) semaphore(%arg16 : memref<!tpu.dma_semaphore, #tpu.memory_space<semaphore_mem>>)
      %add3A_167 = arith.constant 2 : i32
      %add3A_168 = arith.addi %mul3A_126, %add3A_167 : i32
      %dma_wait3A_169 = arith.constant 0 : i32
      %dma_wait3A_170 = tpu.memref_slice %arg7[%add3A_168, %dma_wait3A_169] : memref<125x80xi32, #tpu.memory_space<vmem>> -> memref<1x80xi32, #tpu.memory_space<vmem>>
      %dma_wait3A_171 = tpu.memref_squeeze %dma_wait3A_170 : memref<1x80xi32, #tpu.memory_space<vmem>> -> memref<80xi32, #tpu.memory_space<vmem>>
      %dma_wait3A_172 = arith.constant 0 : i32
      %dma_wait3A_173 = arith.constant 0 : i32
      %dma_wait3A_174 = tpu.memref_slice %arg2[%dma_wait3A_172, %dma_wait3A_173] : memref<10000x64xf32, #tpu.memory_space<hbm>> -> memref<10000x64xf32, #tpu.memory_space<hbm>>
      tpu.wait_indirect_dma semaphore(%arg17 : memref<!tpu.dma_semaphore, #tpu.memory_space<semaphore_mem>>) src(%dma_wait3A_174 : memref<10000x64xf32, #tpu.memory_space<hbm>>) dst(%arg11 : memref<80x64xf32, #tpu.memory_space<vmem>>)
      %add3A_175 = arith.constant 2 : i32
      %add3A_176 = arith.addi %mul3A_126, %add3A_175 : i32
      "tpu.region"() ({
        %run_scoped3A_227 = tpu.sem_alloc : memref<!tpu.dma_semaphore, #tpu.memory_space<semaphore_mem>>
        %dma_start3A_228 = arith.constant 0 : i32
        %dma_start3A_229 = tpu.memref_slice %arg8[%add3A_176, %dma_start3A_228] : memref<125x80xi32, #tpu.memory_space<vmem>> -> memref<1x80xi32, #tpu.memory_space<vmem>>
        %dma_start3A_230 = tpu.memref_squeeze %dma_start3A_229 : memref<1x80xi32, #tpu.memory_space<vmem>> -> memref<80xi32, #tpu.memory_space<vmem>>
        %dma_start3A_231 = arith.constant 0 : i32
        %dma_start3A_232 = arith.constant 0 : i32
        %dma_start3A_233 = tpu.memref_slice %arg14[%dma_start3A_231, %dma_start3A_232] : memref<10000x64xf32, #tpu.memory_space<vmem_shared>> -> memref<10000x64xf32, #tpu.memory_space<vmem_shared>>
        tpu.enqueue_indirect_dma source(%arg11 : memref<80x64xf32, #tpu.memory_space<vmem>>) target(%dma_start3A_233 : memref<10000x64xf32, #tpu.memory_space<vmem_shared>>) offsets(%dma_start3A_230 : memref<80xi32, #tpu.memory_space<vmem>>) semaphore(%run_scoped3A_227 : memref<!tpu.dma_semaphore, #tpu.memory_space<semaphore_mem>>) {add = true}
        %dma_wait3A_234 = arith.constant 0 : i32
        %dma_wait3A_235 = tpu.memref_slice %arg8[%add3A_176, %dma_wait3A_234] : memref<125x80xi32, #tpu.memory_space<vmem>> -> memref<1x80xi32, #tpu.memory_space<vmem>>
        %dma_wait3A_236 = tpu.memref_squeeze %dma_wait3A_235 : memref<1x80xi32, #tpu.memory_space<vmem>> -> memref<80xi32, #tpu.memory_space<vmem>>
        %dma_wait3A_237 = arith.constant 0 : i32
        %dma_wait3A_238 = arith.constant 0 : i32
        %dma_wait3A_239 = tpu.memref_slice %arg14[%dma_wait3A_237, %dma_wait3A_238] : memref<10000x64xf32, #tpu.memory_space<vmem_shared>> -> memref<10000x64xf32, #tpu.memory_space<vmem_shared>>
        tpu.wait_indirect_dma semaphore(%run_scoped3A_227 : memref<!tpu.dma_semaphore, #tpu.memory_space<semaphore_mem>>) src(%arg11 : memref<80x64xf32, #tpu.memory_space<vmem>>) dst(%dma_wait3A_239 : memref<10000x64xf32, #tpu.memory_space<vmem_shared>>)
        tpu.yield
      }) : () -> ()
      %add3A_177 = arith.constant 5 : i32
      %add3A_178 = arith.addi %mul3A_126, %add3A_177 : i32
      %add3A_179 = arith.constant 2 : i32
      %add3A_180 = arith.addi %add3A_178, %add3A_179 : i32
      %dma_start3A_181 = arith.constant 0 : i32
      %dma_start3A_182 = tpu.memref_slice %arg7[%add3A_180, %dma_start3A_181] : memref<125x80xi32, #tpu.memory_space<vmem>> -> memref<1x80xi32, #tpu.memory_space<vmem>>
      %dma_start3A_183 = tpu.memref_squeeze %dma_start3A_182 : memref<1x80xi32, #tpu.memory_space<vmem>> -> memref<80xi32, #tpu.memory_space<vmem>>
      %dma_start3A_184 = arith.constant 0 : i32
      %dma_start3A_185 = arith.constant 0 : i32
      %dma_start3A_186 = tpu.memref_slice %arg2[%dma_start3A_184, %dma_start3A_185] : memref<10000x64xf32, #tpu.memory_space<hbm>> -> memref<10000x64xf32, #tpu.memory_space<hbm>>
      tpu.enqueue_indirect_dma source(%dma_start3A_186 : memref<10000x64xf32, #tpu.memory_space<hbm>>) target(%arg11 : memref<80x64xf32, #tpu.memory_space<vmem>>) offsets(%dma_start3A_183 : memref<80xi32, #tpu.memory_space<vmem>>) semaphore(%arg17 : memref<!tpu.dma_semaphore, #tpu.memory_space<semaphore_mem>>)
      %add3A_187 = arith.constant 3 : i32
      %add3A_188 = arith.addi %mul3A_126, %add3A_187 : i32
      %dma_wait3A_189 = arith.constant 0 : i32
      %dma_wait3A_190 = tpu.memref_slice %arg7[%add3A_188, %dma_wait3A_189] : memref<125x80xi32, #tpu.memory_space<vmem>> -> memref<1x80xi32, #tpu.memory_space<vmem>>
      %dma_wait3A_191 = tpu.memref_squeeze %dma_wait3A_190 : memref<1x80xi32, #tpu.memory_space<vmem>> -> memref<80xi32, #tpu.memory_space<vmem>>
      %dma_wait3A_192 = arith.constant 0 : i32
      %dma_wait3A_193 = arith.constant 0 : i32
      %dma_wait3A_194 = tpu.memref_slice %arg2[%dma_wait3A_192, %dma_wait3A_193] : memref<10000x64xf32, #tpu.memory_space<hbm>> -> memref<10000x64xf32, #tpu.memory_space<hbm>>
      tpu.wait_indirect_dma semaphore(%arg18 : memref<!tpu.dma_semaphore, #tpu.memory_space<semaphore_mem>>) src(%dma_wait3A_194 : memref<10000x64xf32, #tpu.memory_space<hbm>>) dst(%arg12 : memref<80x64xf32, #tpu.memory_space<vmem>>)
      %add3A_195 = arith.constant 3 : i32
      %add3A_196 = arith.addi %mul3A_126, %add3A_195 : i32
      "tpu.region"() ({
        %run_scoped3A_227 = tpu.sem_alloc : memref<!tpu.dma_semaphore, #tpu.memory_space<semaphore_mem>>
        %dma_start3A_228 = arith.constant 0 : i32
        %dma_start3A_229 = tpu.memref_slice %arg8[%add3A_196, %dma_start3A_228] : memref<125x80xi32, #tpu.memory_space<vmem>> -> memref<1x80xi32, #tpu.memory_space<vmem>>
        %dma_start3A_230 = tpu.memref_squeeze %dma_start3A_229 : memref<1x80xi32, #tpu.memory_space<vmem>> -> memref<80xi32, #tpu.memory_space<vmem>>
        %dma_start3A_231 = arith.constant 0 : i32
        %dma_start3A_232 = arith.constant 0 : i32
        %dma_start3A_233 = tpu.memref_slice %arg14[%dma_start3A_231, %dma_start3A_232] : memref<10000x64xf32, #tpu.memory_space<vmem_shared>> -> memref<10000x64xf32, #tpu.memory_space<vmem_shared>>
        tpu.enqueue_indirect_dma source(%arg12 : memref<80x64xf32, #tpu.memory_space<vmem>>) target(%dma_start3A_233 : memref<10000x64xf32, #tpu.memory_space<vmem_shared>>) offsets(%dma_start3A_230 : memref<80xi32, #tpu.memory_space<vmem>>) semaphore(%run_scoped3A_227 : memref<!tpu.dma_semaphore, #tpu.memory_space<semaphore_mem>>) {add = true}
        %dma_wait3A_234 = arith.constant 0 : i32
        %dma_wait3A_235 = tpu.memref_slice %arg8[%add3A_196, %dma_wait3A_234] : memref<125x80xi32, #tpu.memory_space<vmem>> -> memref<1x80xi32, #tpu.memory_space<vmem>>
        %dma_wait3A_236 = tpu.memref_squeeze %dma_wait3A_235 : memref<1x80xi32, #tpu.memory_space<vmem>> -> memref<80xi32, #tpu.memory_space<vmem>>
        %dma_wait3A_237 = arith.constant 0 : i32
        %dma_wait3A_238 = arith.constant 0 : i32
        %dma_wait3A_239 = tpu.memref_slice %arg14[%dma_wait3A_237, %dma_wait3A_238] : memref<10000x64xf32, #tpu.memory_space<vmem_shared>> -> memref<10000x64xf32, #tpu.memory_space<vmem_shared>>
        tpu.wait_indirect_dma semaphore(%run_scoped3A_227 : memref<!tpu.dma_semaphore, #tpu.memory_space<semaphore_mem>>) src(%arg12 : memref<80x64xf32, #tpu.memory_space<vmem>>) dst(%dma_wait3A_239 : memref<10000x64xf32, #tpu.memory_space<vmem_shared>>)
        tpu.yield
      }) : () -> ()
      %add3A_197 = arith.constant 5 : i32
      %add3A_198 = arith.addi %mul3A_126, %add3A_197 : i32
      %add3A_199 = arith.constant 3 : i32
      %add3A_200 = arith.addi %add3A_198, %add3A_199 : i32
      %dma_start3A_201 = arith.constant 0 : i32
      %dma_start3A_202 = tpu.memref_slice %arg7[%add3A_200, %dma_start3A_201] : memref<125x80xi32, #tpu.memory_space<vmem>> -> memref<1x80xi32, #tpu.memory_space<vmem>>
      %dma_start3A_203 = tpu.memref_squeeze %dma_start3A_202 : memref<1x80xi32, #tpu.memory_space<vmem>> -> memref<80xi32, #tpu.memory_space<vmem>>
      %dma_start3A_204 = arith.constant 0 : i32
      %dma_start3A_205 = arith.constant 0 : i32
      %dma_start3A_206 = tpu.memref_slice %arg2[%dma_start3A_204, %dma_start3A_205] : memref<10000x64xf32, #tpu.memory_space<hbm>> -> memref<10000x64xf32, #tpu.memory_space<hbm>>
      tpu.enqueue_indirect_dma source(%dma_start3A_206 : memref<10000x64xf32, #tpu.memory_space<hbm>>) target(%arg12 : memref<80x64xf32, #tpu.memory_space<vmem>>) offsets(%dma_start3A_203 : memref<80xi32, #tpu.memory_space<vmem>>) semaphore(%arg18 : memref<!tpu.dma_semaphore, #tpu.memory_space<semaphore_mem>>)
      %add3A_207 = arith.constant 4 : i32
      %add3A_208 = arith.addi %mul3A_126, %add3A_207 : i32
      %dma_wait3A_209 = arith.constant 0 : i32
      %dma_wait3A_210 = tpu.memref_slice %arg7[%add3A_208, %dma_wait3A_209] : memref<125x80xi32, #tpu.memory_space<vmem>> -> memref<1x80xi32, #tpu.memory_space<vmem>>
      %dma_wait3A_211 = tpu.memref_squeeze %dma_wait3A_210 : memref<1x80xi32, #tpu.memory_space<vmem>> -> memref<80xi32, #tpu.memory_space<vmem>>
      %dma_wait3A_212 = arith.constant 0 : i32
      %dma_wait3A_213 = arith.constant 0 : i32
      %dma_wait3A_214 = tpu.memref_slice %arg2[%dma_wait3A_212, %dma_wait3A_213] : memref<10000x64xf32, #tpu.memory_space<hbm>> -> memref<10000x64xf32, #tpu.memory_space<hbm>>
      tpu.wait_indirect_dma semaphore(%arg19 : memref<!tpu.dma_semaphore, #tpu.memory_space<semaphore_mem>>) src(%dma_wait3A_214 : memref<10000x64xf32, #tpu.memory_space<hbm>>) dst(%arg13 : memref<80x64xf32, #tpu.memory_space<vmem>>)
      %add3A_215 = arith.constant 4 : i32
      %add3A_216 = arith.addi %mul3A_126, %add3A_215 : i32
      "tpu.region"() ({
        %run_scoped3A_227 = tpu.sem_alloc : memref<!tpu.dma_semaphore, #tpu.memory_space<semaphore_mem>>
        %dma_start3A_228 = arith.constant 0 : i32
        %dma_start3A_229 = tpu.memref_slice %arg8[%add3A_216, %dma_start3A_228] : memref<125x80xi32, #tpu.memory_space<vmem>> -> memref<1x80xi32, #tpu.memory_space<vmem>>
        %dma_start3A_230 = tpu.memref_squeeze %dma_start3A_229 : memref<1x80xi32, #tpu.memory_space<vmem>> -> memref<80xi32, #tpu.memory_space<vmem>>
        %dma_start3A_231 = arith.constant 0 : i32
        %dma_start3A_232 = arith.constant 0 : i32
        %dma_start3A_233 = tpu.memref_slice %arg14[%dma_start3A_231, %dma_start3A_232] : memref<10000x64xf32, #tpu.memory_space<vmem_shared>> -> memref<10000x64xf32, #tpu.memory_space<vmem_shared>>
        tpu.enqueue_indirect_dma source(%arg13 : memref<80x64xf32, #tpu.memory_space<vmem>>) target(%dma_start3A_233 : memref<10000x64xf32, #tpu.memory_space<vmem_shared>>) offsets(%dma_start3A_230 : memref<80xi32, #tpu.memory_space<vmem>>) semaphore(%run_scoped3A_227 : memref<!tpu.dma_semaphore, #tpu.memory_space<semaphore_mem>>) {add = true}
        %dma_wait3A_234 = arith.constant 0 : i32
        %dma_wait3A_235 = tpu.memref_slice %arg8[%add3A_216, %dma_wait3A_234] : memref<125x80xi32, #tpu.memory_space<vmem>> -> memref<1x80xi32, #tpu.memory_space<vmem>>
        %dma_wait3A_236 = tpu.memref_squeeze %dma_wait3A_235 : memref<1x80xi32, #tpu.memory_space<vmem>> -> memref<80xi32, #tpu.memory_space<vmem>>
        %dma_wait3A_237 = arith.constant 0 : i32
        %dma_wait3A_238 = arith.constant 0 : i32
        %dma_wait3A_239 = tpu.memref_slice %arg14[%dma_wait3A_237, %dma_wait3A_238] : memref<10000x64xf32, #tpu.memory_space<vmem_shared>> -> memref<10000x64xf32, #tpu.memory_space<vmem_shared>>
        tpu.wait_indirect_dma semaphore(%run_scoped3A_227 : memref<!tpu.dma_semaphore, #tpu.memory_space<semaphore_mem>>) src(%arg13 : memref<80x64xf32, #tpu.memory_space<vmem>>) dst(%dma_wait3A_239 : memref<10000x64xf32, #tpu.memory_space<vmem_shared>>)
        tpu.yield
      }) : () -> ()
      %add3A_217 = arith.constant 5 : i32
      %add3A_218 = arith.addi %mul3A_126, %add3A_217 : i32
      %add3A_219 = arith.constant 4 : i32
      %add3A_220 = arith.addi %add3A_218, %add3A_219 : i32
      %dma_start3A_221 = arith.constant 0 : i32
      %dma_start3A_222 = tpu.memref_slice %arg7[%add3A_220, %dma_start3A_221] : memref<125x80xi32, #tpu.memory_space<vmem>> -> memref<1x80xi32, #tpu.memory_space<vmem>>
      %dma_start3A_223 = tpu.memref_squeeze %dma_start3A_222 : memref<1x80xi32, #tpu.memory_space<vmem>> -> memref<80xi32, #tpu.memory_space<vmem>>
      %dma_start3A_224 = arith.constant 0 : i32
      %dma_start3A_225 = arith.constant 0 : i32
      %dma_start3A_226 = tpu.memref_slice %arg2[%dma_start3A_224, %dma_start3A_225] : memref<10000x64xf32, #tpu.memory_space<hbm>> -> memref<10000x64xf32, #tpu.memory_space<hbm>>
      tpu.enqueue_indirect_dma source(%dma_start3A_226 : memref<10000x64xf32, #tpu.memory_space<hbm>>) target(%arg13 : memref<80x64xf32, #tpu.memory_space<vmem>>) offsets(%dma_start3A_223 : memref<80xi32, #tpu.memory_space<vmem>>) semaphore(%arg19 : memref<!tpu.dma_semaphore, #tpu.memory_space<semaphore_mem>>)
    }
    %scan3A_75 = arith.constant 24 : i32
    %dma_wait3A_76 = arith.constant 120 : i32
    %dma_wait3A_77 = arith.constant 0 : i32
    %dma_wait3A_78 = tpu.memref_slice %arg7[%dma_wait3A_76, %dma_wait3A_77] : memref<125x80xi32, #tpu.memory_space<vmem>> -> memref<1x80xi32, #tpu.memory_space<vmem>>
    %dma_wait3A_79 = tpu.memref_squeeze %dma_wait3A_78 : memref<1x80xi32, #tpu.memory_space<vmem>> -> memref<80xi32, #tpu.memory_space<vmem>>
    %dma_wait3A_80 = arith.constant 0 : i32
    %dma_wait3A_81 = arith.constant 0 : i32
    %dma_wait3A_82 = tpu.memref_slice %arg2[%dma_wait3A_80, %dma_wait3A_81] : memref<10000x64xf32, #tpu.memory_space<hbm>> -> memref<10000x64xf32, #tpu.memory_space<hbm>>
    tpu.wait_indirect_dma semaphore(%arg15 : memref<!tpu.dma_semaphore, #tpu.memory_space<semaphore_mem>>) src(%dma_wait3A_82 : memref<10000x64xf32, #tpu.memory_space<hbm>>) dst(%arg9 : memref<80x64xf32, #tpu.memory_space<vmem>>)
    %run_scoped3A = arith.constant 120 : i32
    "tpu.region"() ({
      %run_scoped3A_120 = tpu.sem_alloc : memref<!tpu.dma_semaphore, #tpu.memory_space<semaphore_mem>>
      %dma_start3A_121 = arith.constant 0 : i32
      %dma_start3A_122 = tpu.memref_slice %arg8[%run_scoped3A, %dma_start3A_121] : memref<125x80xi32, #tpu.memory_space<vmem>> -> memref<1x80xi32, #tpu.memory_space<vmem>>
      %dma_start3A_123 = tpu.memref_squeeze %dma_start3A_122 : memref<1x80xi32, #tpu.memory_space<vmem>> -> memref<80xi32, #tpu.memory_space<vmem>>
      %dma_start3A_124 = arith.constant 0 : i32
      %dma_start3A_125 = arith.constant 0 : i32
      %dma_start3A_126 = tpu.memref_slice %arg14[%dma_start3A_124, %dma_start3A_125] : memref<10000x64xf32, #tpu.memory_space<vmem_shared>> -> memref<10000x64xf32, #tpu.memory_space<vmem_shared>>
      tpu.enqueue_indirect_dma source(%arg9 : memref<80x64xf32, #tpu.memory_space<vmem>>) target(%dma_start3A_126 : memref<10000x64xf32, #tpu.memory_space<vmem_shared>>) offsets(%dma_start3A_123 : memref<80xi32, #tpu.memory_space<vmem>>) semaphore(%run_scoped3A_120 : memref<!tpu.dma_semaphore, #tpu.memory_space<semaphore_mem>>) {add = true}
      %dma_wait3A_127 = arith.constant 0 : i32
      %dma_wait3A_128 = tpu.memref_slice %arg8[%run_scoped3A, %dma_wait3A_127] : memref<125x80xi32, #tpu.memory_space<vmem>> -> memref<1x80xi32, #tpu.memory_space<vmem>>
      %dma_wait3A_129 = tpu.memref_squeeze %dma_wait3A_128 : memref<1x80xi32, #tpu.memory_space<vmem>> -> memref<80xi32, #tpu.memory_space<vmem>>
      %dma_wait3A_130 = arith.constant 0 : i32
      %dma_wait3A_131 = arith.constant 0 : i32
      %dma_wait3A_132 = tpu.memref_slice %arg14[%dma_wait3A_130, %dma_wait3A_131] : memref<10000x64xf32, #tpu.memory_space<vmem_shared>> -> memref<10000x64xf32, #tpu.memory_space<vmem_shared>>
      tpu.wait_indirect_dma semaphore(%run_scoped3A_120 : memref<!tpu.dma_semaphore, #tpu.memory_space<semaphore_mem>>) src(%arg9 : memref<80x64xf32, #tpu.memory_space<vmem>>) dst(%dma_wait3A_132 : memref<10000x64xf32, #tpu.memory_space<vmem_shared>>)
      tpu.yield
    }) : () -> ()
    %dma_wait3A_83 = arith.constant 121 : i32
    %dma_wait3A_84 = arith.constant 0 : i32
    %dma_wait3A_85 = tpu.memref_slice %arg7[%dma_wait3A_83, %dma_wait3A_84] : memref<125x80xi32, #tpu.memory_space<vmem>> -> memref<1x80xi32, #tpu.memory_space<vmem>>
    %dma_wait3A_86 = tpu.memref_squeeze %dma_wait3A_85 : memref<1x80xi32, #tpu.memory_space<vmem>> -> memref<80xi32, #tpu.memory_space<vmem>>
    %dma_wait3A_87 = arith.constant 0 : i32
    %dma_wait3A_88 = arith.constant 0 : i32
    %dma_wait3A_89 = tpu.memref_slice %arg2[%dma_wait3A_87, %dma_wait3A_88] : memref<10000x64xf32, #tpu.memory_space<hbm>> -> memref<10000x64xf32, #tpu.memory_space<hbm>>
    tpu.wait_indirect_dma semaphore(%arg16 : memref<!tpu.dma_semaphore, #tpu.memory_space<semaphore_mem>>) src(%dma_wait3A_89 : memref<10000x64xf32, #tpu.memory_space<hbm>>) dst(%arg10 : memref<80x64xf32, #tpu.memory_space<vmem>>)
    %run_scoped3A_90 = arith.constant 121 : i32
    "tpu.region"() ({
      %run_scoped3A_120 = tpu.sem_alloc : memref<!tpu.dma_semaphore, #tpu.memory_space<semaphore_mem>>
      %dma_start3A_121 = arith.constant 0 : i32
      %dma_start3A_122 = tpu.memref_slice %arg8[%run_scoped3A_90, %dma_start3A_121] : memref<125x80xi32, #tpu.memory_space<vmem>> -> memref<1x80xi32, #tpu.memory_space<vmem>>
      %dma_start3A_123 = tpu.memref_squeeze %dma_start3A_122 : memref<1x80xi32, #tpu.memory_space<vmem>> -> memref<80xi32, #tpu.memory_space<vmem>>
      %dma_start3A_124 = arith.constant 0 : i32
      %dma_start3A_125 = arith.constant 0 : i32
      %dma_start3A_126 = tpu.memref_slice %arg14[%dma_start3A_124, %dma_start3A_125] : memref<10000x64xf32, #tpu.memory_space<vmem_shared>> -> memref<10000x64xf32, #tpu.memory_space<vmem_shared>>
      tpu.enqueue_indirect_dma source(%arg10 : memref<80x64xf32, #tpu.memory_space<vmem>>) target(%dma_start3A_126 : memref<10000x64xf32, #tpu.memory_space<vmem_shared>>) offsets(%dma_start3A_123 : memref<80xi32, #tpu.memory_space<vmem>>) semaphore(%run_scoped3A_120 : memref<!tpu.dma_semaphore, #tpu.memory_space<semaphore_mem>>) {add = true}
      %dma_wait3A_127 = arith.constant 0 : i32
      %dma_wait3A_128 = tpu.memref_slice %arg8[%run_scoped3A_90, %dma_wait3A_127] : memref<125x80xi32, #tpu.memory_space<vmem>> -> memref<1x80xi32, #tpu.memory_space<vmem>>
      %dma_wait3A_129 = tpu.memref_squeeze %dma_wait3A_128 : memref<1x80xi32, #tpu.memory_space<vmem>> -> memref<80xi32, #tpu.memory_space<vmem>>
      %dma_wait3A_130 = arith.constant 0 : i32
      %dma_wait3A_131 = arith.constant 0 : i32
      %dma_wait3A_132 = tpu.memref_slice %arg14[%dma_wait3A_130, %dma_wait3A_131] : memref<10000x64xf32, #tpu.memory_space<vmem_shared>> -> memref<10000x64xf32, #tpu.memory_space<vmem_shared>>
      tpu.wait_indirect_dma semaphore(%run_scoped3A_120 : memref<!tpu.dma_semaphore, #tpu.memory_space<semaphore_mem>>) src(%arg10 : memref<80x64xf32, #tpu.memory_space<vmem>>) dst(%dma_wait3A_132 : memref<10000x64xf32, #tpu.memory_space<vmem_shared>>)
      tpu.yield
    }) : () -> ()
    %dma_wait3A_91 = arith.constant 122 : i32
    %dma_wait3A_92 = arith.constant 0 : i32
    %dma_wait3A_93 = tpu.memref_slice %arg7[%dma_wait3A_91, %dma_wait3A_92] : memref<125x80xi32, #tpu.memory_space<vmem>> -> memref<1x80xi32, #tpu.memory_space<vmem>>
    %dma_wait3A_94 = tpu.memref_squeeze %dma_wait3A_93 : memref<1x80xi32, #tpu.memory_space<vmem>> -> memref<80xi32, #tpu.memory_space<vmem>>
    %dma_wait3A_95 = arith.constant 0 : i32
    %dma_wait3A_96 = arith.constant 0 : i32
    %dma_wait3A_97 = tpu.memref_slice %arg2[%dma_wait3A_95, %dma_wait3A_96] : memref<10000x64xf32, #tpu.memory_space<hbm>> -> memref<10000x64xf32, #tpu.memory_space<hbm>>
    tpu.wait_indirect_dma semaphore(%arg17 : memref<!tpu.dma_semaphore, #tpu.memory_space<semaphore_mem>>) src(%dma_wait3A_97 : memref<10000x64xf32, #tpu.memory_space<hbm>>) dst(%arg11 : memref<80x64xf32, #tpu.memory_space<vmem>>)
    %run_scoped3A_98 = arith.constant 122 : i32
    "tpu.region"() ({
      %run_scoped3A_120 = tpu.sem_alloc : memref<!tpu.dma_semaphore, #tpu.memory_space<semaphore_mem>>
      %dma_start3A_121 = arith.constant 0 : i32
      %dma_start3A_122 = tpu.memref_slice %arg8[%run_scoped3A_98, %dma_start3A_121] : memref<125x80xi32, #tpu.memory_space<vmem>> -> memref<1x80xi32, #tpu.memory_space<vmem>>
      %dma_start3A_123 = tpu.memref_squeeze %dma_start3A_122 : memref<1x80xi32, #tpu.memory_space<vmem>> -> memref<80xi32, #tpu.memory_space<vmem>>
      %dma_start3A_124 = arith.constant 0 : i32
      %dma_start3A_125 = arith.constant 0 : i32
      %dma_start3A_126 = tpu.memref_slice %arg14[%dma_start3A_124, %dma_start3A_125] : memref<10000x64xf32, #tpu.memory_space<vmem_shared>> -> memref<10000x64xf32, #tpu.memory_space<vmem_shared>>
      tpu.enqueue_indirect_dma source(%arg11 : memref<80x64xf32, #tpu.memory_space<vmem>>) target(%dma_start3A_126 : memref<10000x64xf32, #tpu.memory_space<vmem_shared>>) offsets(%dma_start3A_123 : memref<80xi32, #tpu.memory_space<vmem>>) semaphore(%run_scoped3A_120 : memref<!tpu.dma_semaphore, #tpu.memory_space<semaphore_mem>>) {add = true}
      %dma_wait3A_127 = arith.constant 0 : i32
      %dma_wait3A_128 = tpu.memref_slice %arg8[%run_scoped3A_98, %dma_wait3A_127] : memref<125x80xi32, #tpu.memory_space<vmem>> -> memref<1x80xi32, #tpu.memory_space<vmem>>
      %dma_wait3A_129 = tpu.memref_squeeze %dma_wait3A_128 : memref<1x80xi32, #tpu.memory_space<vmem>> -> memref<80xi32, #tpu.memory_space<vmem>>
      %dma_wait3A_130 = arith.constant 0 : i32
      %dma_wait3A_131 = arith.constant 0 : i32
      %dma_wait3A_132 = tpu.memref_slice %arg14[%dma_wait3A_130, %dma_wait3A_131] : memref<10000x64xf32, #tpu.memory_space<vmem_shared>> -> memref<10000x64xf32, #tpu.memory_space<vmem_shared>>
      tpu.wait_indirect_dma semaphore(%run_scoped3A_120 : memref<!tpu.dma_semaphore, #tpu.memory_space<semaphore_mem>>) src(%arg11 : memref<80x64xf32, #tpu.memory_space<vmem>>) dst(%dma_wait3A_132 : memref<10000x64xf32, #tpu.memory_space<vmem_shared>>)
      tpu.yield
    }) : () -> ()
    %dma_wait3A_99 = arith.constant 123 : i32
    %dma_wait3A_100 = arith.constant 0 : i32
    %dma_wait3A_101 = tpu.memref_slice %arg7[%dma_wait3A_99, %dma_wait3A_100] : memref<125x80xi32, #tpu.memory_space<vmem>> -> memref<1x80xi32, #tpu.memory_space<vmem>>
    %dma_wait3A_102 = tpu.memref_squeeze %dma_wait3A_101 : memref<1x80xi32, #tpu.memory_space<vmem>> -> memref<80xi32, #tpu.memory_space<vmem>>
    %dma_wait3A_103 = arith.constant 0 : i32
    %dma_wait3A_104 = arith.constant 0 : i32
    %dma_wait3A_105 = tpu.memref_slice %arg2[%dma_wait3A_103, %dma_wait3A_104] : memref<10000x64xf32, #tpu.memory_space<hbm>> -> memref<10000x64xf32, #tpu.memory_space<hbm>>
    tpu.wait_indirect_dma semaphore(%arg18 : memref<!tpu.dma_semaphore, #tpu.memory_space<semaphore_mem>>) src(%dma_wait3A_105 : memref<10000x64xf32, #tpu.memory_space<hbm>>) dst(%arg12 : memref<80x64xf32, #tpu.memory_space<vmem>>)
    %run_scoped3A_106 = arith.constant 123 : i32
    "tpu.region"() ({
      %run_scoped3A_120 = tpu.sem_alloc : memref<!tpu.dma_semaphore, #tpu.memory_space<semaphore_mem>>
      %dma_start3A_121 = arith.constant 0 : i32
      %dma_start3A_122 = tpu.memref_slice %arg8[%run_scoped3A_106, %dma_start3A_121] : memref<125x80xi32, #tpu.memory_space<vmem>> -> memref<1x80xi32, #tpu.memory_space<vmem>>
      %dma_start3A_123 = tpu.memref_squeeze %dma_start3A_122 : memref<1x80xi32, #tpu.memory_space<vmem>> -> memref<80xi32, #tpu.memory_space<vmem>>
      %dma_start3A_124 = arith.constant 0 : i32
      %dma_start3A_125 = arith.constant 0 : i32
      %dma_start3A_126 = tpu.memref_slice %arg14[%dma_start3A_124, %dma_start3A_125] : memref<10000x64xf32, #tpu.memory_space<vmem_shared>> -> memref<10000x64xf32, #tpu.memory_space<vmem_shared>>
      tpu.enqueue_indirect_dma source(%arg12 : memref<80x64xf32, #tpu.memory_space<vmem>>) target(%dma_start3A_126 : memref<10000x64xf32, #tpu.memory_space<vmem_shared>>) offsets(%dma_start3A_123 : memref<80xi32, #tpu.memory_space<vmem>>) semaphore(%run_scoped3A_120 : memref<!tpu.dma_semaphore, #tpu.memory_space<semaphore_mem>>) {add = true}
      %dma_wait3A_127 = arith.constant 0 : i32
      %dma_wait3A_128 = tpu.memref_slice %arg8[%run_scoped3A_106, %dma_wait3A_127] : memref<125x80xi32, #tpu.memory_space<vmem>> -> memref<1x80xi32, #tpu.memory_space<vmem>>
      %dma_wait3A_129 = tpu.memref_squeeze %dma_wait3A_128 : memref<1x80xi32, #tpu.memory_space<vmem>> -> memref<80xi32, #tpu.memory_space<vmem>>
      %dma_wait3A_130 = arith.constant 0 : i32
      %dma_wait3A_131 = arith.constant 0 : i32
      %dma_wait3A_132 = tpu.memref_slice %arg14[%dma_wait3A_130, %dma_wait3A_131] : memref<10000x64xf32, #tpu.memory_space<vmem_shared>> -> memref<10000x64xf32, #tpu.memory_space<vmem_shared>>
      tpu.wait_indirect_dma semaphore(%run_scoped3A_120 : memref<!tpu.dma_semaphore, #tpu.memory_space<semaphore_mem>>) src(%arg12 : memref<80x64xf32, #tpu.memory_space<vmem>>) dst(%dma_wait3A_132 : memref<10000x64xf32, #tpu.memory_space<vmem_shared>>)
      tpu.yield
    }) : () -> ()
    %dma_wait3A_107 = arith.constant 124 : i32
    %dma_wait3A_108 = arith.constant 0 : i32
    %dma_wait3A_109 = tpu.memref_slice %arg7[%dma_wait3A_107, %dma_wait3A_108] : memref<125x80xi32, #tpu.memory_space<vmem>> -> memref<1x80xi32, #tpu.memory_space<vmem>>
    %dma_wait3A_110 = tpu.memref_squeeze %dma_wait3A_109 : memref<1x80xi32, #tpu.memory_space<vmem>> -> memref<80xi32, #tpu.memory_space<vmem>>
    %dma_wait3A_111 = arith.constant 0 : i32
    %dma_wait3A_112 = arith.constant 0 : i32
    %dma_wait3A_113 = tpu.memref_slice %arg2[%dma_wait3A_111, %dma_wait3A_112] : memref<10000x64xf32, #tpu.memory_space<hbm>> -> memref<10000x64xf32, #tpu.memory_space<hbm>>
    tpu.wait_indirect_dma semaphore(%arg19 : memref<!tpu.dma_semaphore, #tpu.memory_space<semaphore_mem>>) src(%dma_wait3A_113 : memref<10000x64xf32, #tpu.memory_space<hbm>>) dst(%arg13 : memref<80x64xf32, #tpu.memory_space<vmem>>)
    %run_scoped3A_114 = arith.constant 124 : i32
    "tpu.region"() ({
      %run_scoped3A_120 = tpu.sem_alloc : memref<!tpu.dma_semaphore, #tpu.memory_space<semaphore_mem>>
      %dma_start3A_121 = arith.constant 0 : i32
      %dma_start3A_122 = tpu.memref_slice %arg8[%run_scoped3A_114, %dma_start3A_121] : memref<125x80xi32, #tpu.memory_space<vmem>> -> memref<1x80xi32, #tpu.memory_space<vmem>>
      %dma_start3A_123 = tpu.memref_squeeze %dma_start3A_122 : memref<1x80xi32, #tpu.memory_space<vmem>> -> memref<80xi32, #tpu.memory_space<vmem>>
      %dma_start3A_124 = arith.constant 0 : i32
      %dma_start3A_125 = arith.constant 0 : i32
      %dma_start3A_126 = tpu.memref_slice %arg14[%dma_start3A_124, %dma_start3A_125] : memref<10000x64xf32, #tpu.memory_space<vmem_shared>> -> memref<10000x64xf32, #tpu.memory_space<vmem_shared>>
      tpu.enqueue_indirect_dma source(%arg13 : memref<80x64xf32, #tpu.memory_space<vmem>>) target(%dma_start3A_126 : memref<10000x64xf32, #tpu.memory_space<vmem_shared>>) offsets(%dma_start3A_123 : memref<80xi32, #tpu.memory_space<vmem>>) semaphore(%run_scoped3A_120 : memref<!tpu.dma_semaphore, #tpu.memory_space<semaphore_mem>>) {add = true}
      %dma_wait3A_127 = arith.constant 0 : i32
      %dma_wait3A_128 = tpu.memref_slice %arg8[%run_scoped3A_114, %dma_wait3A_127] : memref<125x80xi32, #tpu.memory_space<vmem>> -> memref<1x80xi32, #tpu.memory_space<vmem>>
      %dma_wait3A_129 = tpu.memref_squeeze %dma_wait3A_128 : memref<1x80xi32, #tpu.memory_space<vmem>> -> memref<80xi32, #tpu.memory_space<vmem>>
      %dma_wait3A_130 = arith.constant 0 : i32
      %dma_wait3A_131 = arith.constant 0 : i32
      %dma_wait3A_132 = tpu.memref_slice %arg14[%dma_wait3A_130, %dma_wait3A_131] : memref<10000x64xf32, #tpu.memory_space<vmem_shared>> -> memref<10000x64xf32, #tpu.memory_space<vmem_shared>>
      tpu.wait_indirect_dma semaphore(%run_scoped3A_120 : memref<!tpu.dma_semaphore, #tpu.memory_space<semaphore_mem>>) src(%arg13 : memref<80x64xf32, #tpu.memory_space<vmem>>) dst(%dma_wait3A_132 : memref<10000x64xf32, #tpu.memory_space<vmem_shared>>)
      tpu.yield
    }) : () -> ()
    %barrier3A_115 = arith.constant 0 : index
    tpu.barrier barrier_id(%barrier3A_115)
    %mul3A_116 = arith.constant 625 : i32
    %mul3A_117 = arith.muli %arg1, %mul3A_116 : i32
    %mul3A_118 = arith.constant 625 : i32
    %mul3A_119 = arith.muli %arg1, %mul3A_118 : i32
    "tpu.region"() ({
      %run_scoped3A_120 = tpu.sem_alloc : memref<!tpu.dma_semaphore, #tpu.memory_space<semaphore_mem>>
      %dma_start3A_121 = arith.constant 0 : i32
      %dma_start3A_122 = tpu.memref_slice %arg6[%arg0, %mul3A_119, %dma_start3A_121] : memref<2x10000x64xf32, #tpu.memory_space<hbm>> -> memref<1x625x64xf32, #tpu.memory_space<hbm>>
      %dma_start3A_123 = tpu.memref_squeeze %dma_start3A_122 : memref<1x625x64xf32, #tpu.memory_space<hbm>> -> memref<625x64xf32, #tpu.memory_space<hbm>>
      %dma_start3A_124 = arith.constant 0 : i32
      %dma_start3A_125 = tpu.memref_slice %arg14[%mul3A_117, %dma_start3A_124] : memref<10000x64xf32, #tpu.memory_space<vmem_shared>> -> memref<625x64xf32, #tpu.memory_space<vmem_shared>>
      tpu.enqueue_dma source(%dma_start3A_125 : memref<625x64xf32, #tpu.memory_space<vmem_shared>>) target(%dma_start3A_123 : memref<625x64xf32, #tpu.memory_space<hbm>>) target_semaphore(%run_scoped3A_120 : memref<!tpu.dma_semaphore, #tpu.memory_space<semaphore_mem>>)
      %dma_wait3A_126 = arith.constant 0 : i32
      %dma_wait3A_127 = tpu.memref_slice %arg6[%arg0, %mul3A_119, %dma_wait3A_126] : memref<2x10000x64xf32, #tpu.memory_space<hbm>> -> memref<1x625x64xf32, #tpu.memory_space<hbm>>
      %dma_wait3A_128 = tpu.memref_squeeze %dma_wait3A_127 : memref<1x625x64xf32, #tpu.memory_space<hbm>> -> memref<625x64xf32, #tpu.memory_space<hbm>>
      %dma_wait3A_129 = arith.constant 0 : i32
      %dma_wait3A_130 = tpu.memref_slice %arg14[%mul3A_117, %dma_wait3A_129] : memref<10000x64xf32, #tpu.memory_space<vmem_shared>> -> memref<625x64xf32, #tpu.memory_space<vmem_shared>>
      tpu.wait_dma2 semaphore(%run_scoped3A_120 : memref<!tpu.dma_semaphore, #tpu.memory_space<semaphore_mem>>) src(%dma_wait3A_130 : memref<625x64xf32, #tpu.memory_space<vmem_shared>>) dst(%dma_wait3A_128 : memref<625x64xf32, #tpu.memory_space<hbm>>)
      tpu.yield
    }) : () -> ()
    return
  }
}

#map = affine_map<(d0, d1) -> (0, 0, 0)>
#map1 = affine_map<(d0, d1) -> (0, 0)>
module attributes {stable_mosaic.version = 14 : i64} {
  func.func @_sc_degree(%arg0: i32, %arg1: i32, %arg2: memref<32x125x80xi32, #tpu.memory_space<hbm>>, %arg3: memref<80x16xf32, #tpu.memory_space<hbm>>, %arg4: memref<625x16xf32, #tpu.memory_space<hbm>>, %arg5: memref<2x10000x16xf32, #tpu.memory_space<hbm>>, %arg6: memref<125x80xi32, #tpu.memory_space<vmem>>, %arg7: memref<80x16xf32, #tpu.memory_space<vmem>>, %arg8: memref<10000x16xf32, #tpu.memory_space<vmem_shared>>, %arg9: memref<!tpu.dma_semaphore, #tpu.memory_space<semaphore_mem>>) attributes {dimension_semantics = [#tpu.dimension_semantics<core_parallel>, #tpu.dimension_semantics<subcore_parallel>], iteration_bounds = array<i64: 2, 16>, scalar_prefetch = 0 : i64, scratch_operands = 4 : i64, tpu.core_type = #tpu.core_type<sc_vector_subcore>, window_params = [{transform_indices = #map}, {transform_indices = #map1}, {transform_indices = #map1}, {transform_indices = #map}]} {
    %mul3A = arith.constant 16 : i32
    %mul3A_0 = arith.muli %arg0, %mul3A : i32
    %add3A = arith.addi %mul3A_0, %arg1 : i32
    %dma_start3A = arith.constant 0 : i32
    %dma_start3A_1 = arith.constant 0 : i32
    %dma_start3A_2 = tpu.memref_slice %arg2[%add3A, %dma_start3A, %dma_start3A_1] : memref<32x125x80xi32, #tpu.memory_space<hbm>> -> memref<1x125x80xi32, #tpu.memory_space<hbm>>
    %dma_start3A_3 = tpu.memref_squeeze %dma_start3A_2 : memref<1x125x80xi32, #tpu.memory_space<hbm>> -> memref<125x80xi32, #tpu.memory_space<hbm>>
    %dma_start3A_4 = arith.constant 0 : i32
    %dma_start3A_5 = arith.constant 0 : i32
    %dma_start3A_6 = tpu.memref_slice %arg2[%add3A, %dma_start3A_4, %dma_start3A_5] : memref<32x125x80xi32, #tpu.memory_space<hbm>> -> memref<1x125x80xi32, #tpu.memory_space<hbm>>
    %dma_start3A_7 = tpu.memref_squeeze %dma_start3A_6 : memref<1x125x80xi32, #tpu.memory_space<hbm>> -> memref<125x80xi32, #tpu.memory_space<hbm>>
    tpu.enqueue_dma source(%dma_start3A_7 : memref<125x80xi32, #tpu.memory_space<hbm>>) target(%arg6 : memref<125x80xi32, #tpu.memory_space<vmem>>) target_semaphore(%arg9 : memref<!tpu.dma_semaphore, #tpu.memory_space<semaphore_mem>>)
    tpu.enqueue_dma source(%arg3 : memref<80x16xf32, #tpu.memory_space<hbm>>) target(%arg7 : memref<80x16xf32, #tpu.memory_space<vmem>>) target_semaphore(%arg9 : memref<!tpu.dma_semaphore, #tpu.memory_space<semaphore_mem>>)
    %mul3A_8 = arith.constant 625 : i32
    %mul3A_9 = arith.muli %arg1, %mul3A_8 : i32
    %dma_start3A_10 = arith.constant 0 : i32
    %dma_start3A_11 = tpu.memref_slice %arg8[%mul3A_9, %dma_start3A_10] : memref<10000x16xf32, #tpu.memory_space<vmem_shared>> -> memref<625x16xf32, #tpu.memory_space<vmem_shared>>
    tpu.enqueue_dma source(%arg4 : memref<625x16xf32, #tpu.memory_space<hbm>>) target(%dma_start3A_11 : memref<625x16xf32, #tpu.memory_space<vmem_shared>>) target_semaphore(%arg9 : memref<!tpu.dma_semaphore, #tpu.memory_space<semaphore_mem>>)
    %dma_wait3A = arith.constant 0 : i32
    %dma_wait3A_12 = arith.constant 0 : i32
    %dma_wait3A_13 = tpu.memref_slice %arg2[%add3A, %dma_wait3A, %dma_wait3A_12] : memref<32x125x80xi32, #tpu.memory_space<hbm>> -> memref<1x125x80xi32, #tpu.memory_space<hbm>>
    %dma_wait3A_14 = tpu.memref_squeeze %dma_wait3A_13 : memref<1x125x80xi32, #tpu.memory_space<hbm>> -> memref<125x80xi32, #tpu.memory_space<hbm>>
    %dma_wait3A_15 = arith.constant 0 : i32
    %dma_wait3A_16 = arith.constant 0 : i32
    %dma_wait3A_17 = tpu.memref_slice %arg2[%add3A, %dma_wait3A_15, %dma_wait3A_16] : memref<32x125x80xi32, #tpu.memory_space<hbm>> -> memref<1x125x80xi32, #tpu.memory_space<hbm>>
    %dma_wait3A_18 = tpu.memref_squeeze %dma_wait3A_17 : memref<1x125x80xi32, #tpu.memory_space<hbm>> -> memref<125x80xi32, #tpu.memory_space<hbm>>
    tpu.wait_dma2 semaphore(%arg9 : memref<!tpu.dma_semaphore, #tpu.memory_space<semaphore_mem>>) src(%dma_wait3A_18 : memref<125x80xi32, #tpu.memory_space<hbm>>) dst(%arg6 : memref<125x80xi32, #tpu.memory_space<vmem>>)
    tpu.wait_dma2 semaphore(%arg9 : memref<!tpu.dma_semaphore, #tpu.memory_space<semaphore_mem>>) src(%arg3 : memref<80x16xf32, #tpu.memory_space<hbm>>) dst(%arg7 : memref<80x16xf32, #tpu.memory_space<vmem>>)
    %dma_wait3A_19 = arith.constant 0 : i32
    %dma_wait3A_20 = tpu.memref_slice %arg8[%mul3A_9, %dma_wait3A_19] : memref<10000x16xf32, #tpu.memory_space<vmem_shared>> -> memref<625x16xf32, #tpu.memory_space<vmem_shared>>
    tpu.wait_dma2 semaphore(%arg9 : memref<!tpu.dma_semaphore, #tpu.memory_space<semaphore_mem>>) src(%arg4 : memref<625x16xf32, #tpu.memory_space<hbm>>) dst(%dma_wait3A_20 : memref<625x16xf32, #tpu.memory_space<vmem_shared>>)
    %barrier3A = arith.constant 0 : index
    tpu.barrier barrier_id(%barrier3A)
    %scan3A = arith.constant 0 : i32
    %scan3A_21 = arith.constant 5 : i32
    %scan3A_22 = arith.addi %scan3A, %scan3A_21 : i32
    %scan3A_23 = arith.constant 1 : i32
    scf.for %scan3A_30 = %scan3A to %scan3A_22 step %scan3A_23  : i32 {
      %mul3A_31 = arith.constant 1 : i32
      %mul3A_32 = arith.muli %scan3A_30, %mul3A_31 : i32
      %add3A_33 = arith.constant 0 : i32
      %add3A_34 = arith.addi %add3A_33, %mul3A_32 : i32
      %mul3A_35 = arith.constant 25 : i32
      %mul3A_36 = arith.muli %add3A_34, %mul3A_35 : i32
      %add3A_37 = arith.constant 0 : i32
      %add3A_38 = arith.addi %mul3A_36, %add3A_37 : i32
      %dma_start3A_39 = arith.constant 0 : i32
      %dma_start3A_40 = tpu.memref_slice %arg6[%add3A_38, %dma_start3A_39] : memref<125x80xi32, #tpu.memory_space<vmem>> -> memref<1x80xi32, #tpu.memory_space<vmem>>
      %dma_start3A_41 = tpu.memref_squeeze %dma_start3A_40 : memref<1x80xi32, #tpu.memory_space<vmem>> -> memref<80xi32, #tpu.memory_space<vmem>>
      %dma_start3A_42 = arith.constant 0 : i32
      %dma_start3A_43 = arith.constant 0 : i32
      %dma_start3A_44 = tpu.memref_slice %arg8[%dma_start3A_42, %dma_start3A_43] : memref<10000x16xf32, #tpu.memory_space<vmem_shared>> -> memref<10000x16xf32, #tpu.memory_space<vmem_shared>>
      tpu.enqueue_indirect_dma source(%arg7 : memref<80x16xf32, #tpu.memory_space<vmem>>) target(%dma_start3A_44 : memref<10000x16xf32, #tpu.memory_space<vmem_shared>>) offsets(%dma_start3A_41 : memref<80xi32, #tpu.memory_space<vmem>>) semaphore(%arg9 : memref<!tpu.dma_semaphore, #tpu.memory_space<semaphore_mem>>) {add = true}
      %mul3A_45 = arith.constant 25 : i32
      %mul3A_46 = arith.muli %add3A_34, %mul3A_45 : i32
      %add3A_47 = arith.constant 1 : i32
      %add3A_48 = arith.addi %mul3A_46, %add3A_47 : i32
      %dma_start3A_49 = arith.constant 0 : i32
      %dma_start3A_50 = tpu.memref_slice %arg6[%add3A_48, %dma_start3A_49] : memref<125x80xi32, #tpu.memory_space<vmem>> -> memref<1x80xi32, #tpu.memory_space<vmem>>
      %dma_start3A_51 = tpu.memref_squeeze %dma_start3A_50 : memref<1x80xi32, #tpu.memory_space<vmem>> -> memref<80xi32, #tpu.memory_space<vmem>>
      %dma_start3A_52 = arith.constant 0 : i32
      %dma_start3A_53 = arith.constant 0 : i32
      %dma_start3A_54 = tpu.memref_slice %arg8[%dma_start3A_52, %dma_start3A_53] : memref<10000x16xf32, #tpu.memory_space<vmem_shared>> -> memref<10000x16xf32, #tpu.memory_space<vmem_shared>>
      tpu.enqueue_indirect_dma source(%arg7 : memref<80x16xf32, #tpu.memory_space<vmem>>) target(%dma_start3A_54 : memref<10000x16xf32, #tpu.memory_space<vmem_shared>>) offsets(%dma_start3A_51 : memref<80xi32, #tpu.memory_space<vmem>>) semaphore(%arg9 : memref<!tpu.dma_semaphore, #tpu.memory_space<semaphore_mem>>) {add = true}
      %mul3A_55 = arith.constant 25 : i32
      %mul3A_56 = arith.muli %add3A_34, %mul3A_55 : i32
      %add3A_57 = arith.constant 2 : i32
      %add3A_58 = arith.addi %mul3A_56, %add3A_57 : i32
      %dma_start3A_59 = arith.constant 0 : i32
      %dma_start3A_60 = tpu.memref_slice %arg6[%add3A_58, %dma_start3A_59] : memref<125x80xi32, #tpu.memory_space<vmem>> -> memref<1x80xi32, #tpu.memory_space<vmem>>
      %dma_start3A_61 = tpu.memref_squeeze %dma_start3A_60 : memref<1x80xi32, #tpu.memory_space<vmem>> -> memref<80xi32, #tpu.memory_space<vmem>>
      %dma_start3A_62 = arith.constant 0 : i32
      %dma_start3A_63 = arith.constant 0 : i32
      %dma_start3A_64 = tpu.memref_slice %arg8[%dma_start3A_62, %dma_start3A_63] : memref<10000x16xf32, #tpu.memory_space<vmem_shared>> -> memref<10000x16xf32, #tpu.memory_space<vmem_shared>>
      tpu.enqueue_indirect_dma source(%arg7 : memref<80x16xf32, #tpu.memory_space<vmem>>) target(%dma_start3A_64 : memref<10000x16xf32, #tpu.memory_space<vmem_shared>>) offsets(%dma_start3A_61 : memref<80xi32, #tpu.memory_space<vmem>>) semaphore(%arg9 : memref<!tpu.dma_semaphore, #tpu.memory_space<semaphore_mem>>) {add = true}
      %mul3A_65 = arith.constant 25 : i32
      %mul3A_66 = arith.muli %add3A_34, %mul3A_65 : i32
      %add3A_67 = arith.constant 3 : i32
      %add3A_68 = arith.addi %mul3A_66, %add3A_67 : i32
      %dma_start3A_69 = arith.constant 0 : i32
      %dma_start3A_70 = tpu.memref_slice %arg6[%add3A_68, %dma_start3A_69] : memref<125x80xi32, #tpu.memory_space<vmem>> -> memref<1x80xi32, #tpu.memory_space<vmem>>
      %dma_start3A_71 = tpu.memref_squeeze %dma_start3A_70 : memref<1x80xi32, #tpu.memory_space<vmem>> -> memref<80xi32, #tpu.memory_space<vmem>>
      %dma_start3A_72 = arith.constant 0 : i32
      %dma_start3A_73 = arith.constant 0 : i32
      %dma_start3A_74 = tpu.memref_slice %arg8[%dma_start3A_72, %dma_start3A_73] : memref<10000x16xf32, #tpu.memory_space<vmem_shared>> -> memref<10000x16xf32, #tpu.memory_space<vmem_shared>>
      tpu.enqueue_indirect_dma source(%arg7 : memref<80x16xf32, #tpu.memory_space<vmem>>) target(%dma_start3A_74 : memref<10000x16xf32, #tpu.memory_space<vmem_shared>>) offsets(%dma_start3A_71 : memref<80xi32, #tpu.memory_space<vmem>>) semaphore(%arg9 : memref<!tpu.dma_semaphore, #tpu.memory_space<semaphore_mem>>) {add = true}
      %mul3A_75 = arith.constant 25 : i32
      %mul3A_76 = arith.muli %add3A_34, %mul3A_75 : i32
      %add3A_77 = arith.constant 4 : i32
      %add3A_78 = arith.addi %mul3A_76, %add3A_77 : i32
      %dma_start3A_79 = arith.constant 0 : i32
      %dma_start3A_80 = tpu.memref_slice %arg6[%add3A_78, %dma_start3A_79] : memref<125x80xi32, #tpu.memory_space<vmem>> -> memref<1x80xi32, #tpu.memory_space<vmem>>
      %dma_start3A_81 = tpu.memref_squeeze %dma_start3A_80 : memref<1x80xi32, #tpu.memory_space<vmem>> -> memref<80xi32, #tpu.memory_space<vmem>>
      %dma_start3A_82 = arith.constant 0 : i32
      %dma_start3A_83 = arith.constant 0 : i32
      %dma_start3A_84 = tpu.memref_slice %arg8[%dma_start3A_82, %dma_start3A_83] : memref<10000x16xf32, #tpu.memory_space<vmem_shared>> -> memref<10000x16xf32, #tpu.memory_space<vmem_shared>>
      tpu.enqueue_indirect_dma source(%arg7 : memref<80x16xf32, #tpu.memory_space<vmem>>) target(%dma_start3A_84 : memref<10000x16xf32, #tpu.memory_space<vmem_shared>>) offsets(%dma_start3A_81 : memref<80xi32, #tpu.memory_space<vmem>>) semaphore(%arg9 : memref<!tpu.dma_semaphore, #tpu.memory_space<semaphore_mem>>) {add = true}
      %mul3A_85 = arith.constant 25 : i32
      %mul3A_86 = arith.muli %add3A_34, %mul3A_85 : i32
      %add3A_87 = arith.constant 5 : i32
      %add3A_88 = arith.addi %mul3A_86, %add3A_87 : i32
      %dma_start3A_89 = arith.constant 0 : i32
      %dma_start3A_90 = tpu.memref_slice %arg6[%add3A_88, %dma_start3A_89] : memref<125x80xi32, #tpu.memory_space<vmem>> -> memref<1x80xi32, #tpu.memory_space<vmem>>
      %dma_start3A_91 = tpu.memref_squeeze %dma_start3A_90 : memref<1x80xi32, #tpu.memory_space<vmem>> -> memref<80xi32, #tpu.memory_space<vmem>>
      %dma_start3A_92 = arith.constant 0 : i32
      %dma_start3A_93 = arith.constant 0 : i32
      %dma_start3A_94 = tpu.memref_slice %arg8[%dma_start3A_92, %dma_start3A_93] : memref<10000x16xf32, #tpu.memory_space<vmem_shared>> -> memref<10000x16xf32, #tpu.memory_space<vmem_shared>>
      tpu.enqueue_indirect_dma source(%arg7 : memref<80x16xf32, #tpu.memory_space<vmem>>) target(%dma_start3A_94 : memref<10000x16xf32, #tpu.memory_space<vmem_shared>>) offsets(%dma_start3A_91 : memref<80xi32, #tpu.memory_space<vmem>>) semaphore(%arg9 : memref<!tpu.dma_semaphore, #tpu.memory_space<semaphore_mem>>) {add = true}
      %mul3A_95 = arith.constant 25 : i32
      %mul3A_96 = arith.muli %add3A_34, %mul3A_95 : i32
      %add3A_97 = arith.constant 6 : i32
      %add3A_98 = arith.addi %mul3A_96, %add3A_97 : i32
      %dma_start3A_99 = arith.constant 0 : i32
      %dma_start3A_100 = tpu.memref_slice %arg6[%add3A_98, %dma_start3A_99] : memref<125x80xi32, #tpu.memory_space<vmem>> -> memref<1x80xi32, #tpu.memory_space<vmem>>
      %dma_start3A_101 = tpu.memref_squeeze %dma_start3A_100 : memref<1x80xi32, #tpu.memory_space<vmem>> -> memref<80xi32, #tpu.memory_space<vmem>>
      %dma_start3A_102 = arith.constant 0 : i32
      %dma_start3A_103 = arith.constant 0 : i32
      %dma_start3A_104 = tpu.memref_slice %arg8[%dma_start3A_102, %dma_start3A_103] : memref<10000x16xf32, #tpu.memory_space<vmem_shared>> -> memref<10000x16xf32, #tpu.memory_space<vmem_shared>>
      tpu.enqueue_indirect_dma source(%arg7 : memref<80x16xf32, #tpu.memory_space<vmem>>) target(%dma_start3A_104 : memref<10000x16xf32, #tpu.memory_space<vmem_shared>>) offsets(%dma_start3A_101 : memref<80xi32, #tpu.memory_space<vmem>>) semaphore(%arg9 : memref<!tpu.dma_semaphore, #tpu.memory_space<semaphore_mem>>) {add = true}
      %mul3A_105 = arith.constant 25 : i32
      %mul3A_106 = arith.muli %add3A_34, %mul3A_105 : i32
      %add3A_107 = arith.constant 7 : i32
      %add3A_108 = arith.addi %mul3A_106, %add3A_107 : i32
      %dma_start3A_109 = arith.constant 0 : i32
      %dma_start3A_110 = tpu.memref_slice %arg6[%add3A_108, %dma_start3A_109] : memref<125x80xi32, #tpu.memory_space<vmem>> -> memref<1x80xi32, #tpu.memory_space<vmem>>
      %dma_start3A_111 = tpu.memref_squeeze %dma_start3A_110 : memref<1x80xi32, #tpu.memory_space<vmem>> -> memref<80xi32, #tpu.memory_space<vmem>>
      %dma_start3A_112 = arith.constant 0 : i32
      %dma_start3A_113 = arith.constant 0 : i32
      %dma_start3A_114 = tpu.memref_slice %arg8[%dma_start3A_112, %dma_start3A_113] : memref<10000x16xf32, #tpu.memory_space<vmem_shared>> -> memref<10000x16xf32, #tpu.memory_space<vmem_shared>>
      tpu.enqueue_indirect_dma source(%arg7 : memref<80x16xf32, #tpu.memory_space<vmem>>) target(%dma_start3A_114 : memref<10000x16xf32, #tpu.memory_space<vmem_shared>>) offsets(%dma_start3A_111 : memref<80xi32, #tpu.memory_space<vmem>>) semaphore(%arg9 : memref<!tpu.dma_semaphore, #tpu.memory_space<semaphore_mem>>) {add = true}
      %mul3A_115 = arith.constant 25 : i32
      %mul3A_116 = arith.muli %add3A_34, %mul3A_115 : i32
      %add3A_117 = arith.constant 8 : i32
      %add3A_118 = arith.addi %mul3A_116, %add3A_117 : i32
      %dma_start3A_119 = arith.constant 0 : i32
      %dma_start3A_120 = tpu.memref_slice %arg6[%add3A_118, %dma_start3A_119] : memref<125x80xi32, #tpu.memory_space<vmem>> -> memref<1x80xi32, #tpu.memory_space<vmem>>
      %dma_start3A_121 = tpu.memref_squeeze %dma_start3A_120 : memref<1x80xi32, #tpu.memory_space<vmem>> -> memref<80xi32, #tpu.memory_space<vmem>>
      %dma_start3A_122 = arith.constant 0 : i32
      %dma_start3A_123 = arith.constant 0 : i32
      %dma_start3A_124 = tpu.memref_slice %arg8[%dma_start3A_122, %dma_start3A_123] : memref<10000x16xf32, #tpu.memory_space<vmem_shared>> -> memref<10000x16xf32, #tpu.memory_space<vmem_shared>>
      tpu.enqueue_indirect_dma source(%arg7 : memref<80x16xf32, #tpu.memory_space<vmem>>) target(%dma_start3A_124 : memref<10000x16xf32, #tpu.memory_space<vmem_shared>>) offsets(%dma_start3A_121 : memref<80xi32, #tpu.memory_space<vmem>>) semaphore(%arg9 : memref<!tpu.dma_semaphore, #tpu.memory_space<semaphore_mem>>) {add = true}
      %mul3A_125 = arith.constant 25 : i32
      %mul3A_126 = arith.muli %add3A_34, %mul3A_125 : i32
      %add3A_127 = arith.constant 9 : i32
      %add3A_128 = arith.addi %mul3A_126, %add3A_127 : i32
      %dma_start3A_129 = arith.constant 0 : i32
      %dma_start3A_130 = tpu.memref_slice %arg6[%add3A_128, %dma_start3A_129] : memref<125x80xi32, #tpu.memory_space<vmem>> -> memref<1x80xi32, #tpu.memory_space<vmem>>
      %dma_start3A_131 = tpu.memref_squeeze %dma_start3A_130 : memref<1x80xi32, #tpu.memory_space<vmem>> -> memref<80xi32, #tpu.memory_space<vmem>>
      %dma_start3A_132 = arith.constant 0 : i32
      %dma_start3A_133 = arith.constant 0 : i32
      %dma_start3A_134 = tpu.memref_slice %arg8[%dma_start3A_132, %dma_start3A_133] : memref<10000x16xf32, #tpu.memory_space<vmem_shared>> -> memref<10000x16xf32, #tpu.memory_space<vmem_shared>>
      tpu.enqueue_indirect_dma source(%arg7 : memref<80x16xf32, #tpu.memory_space<vmem>>) target(%dma_start3A_134 : memref<10000x16xf32, #tpu.memory_space<vmem_shared>>) offsets(%dma_start3A_131 : memref<80xi32, #tpu.memory_space<vmem>>) semaphore(%arg9 : memref<!tpu.dma_semaphore, #tpu.memory_space<semaphore_mem>>) {add = true}
      %mul3A_135 = arith.constant 25 : i32
      %mul3A_136 = arith.muli %add3A_34, %mul3A_135 : i32
      %add3A_137 = arith.constant 10 : i32
      %add3A_138 = arith.addi %mul3A_136, %add3A_137 : i32
      %dma_start3A_139 = arith.constant 0 : i32
      %dma_start3A_140 = tpu.memref_slice %arg6[%add3A_138, %dma_start3A_139] : memref<125x80xi32, #tpu.memory_space<vmem>> -> memref<1x80xi32, #tpu.memory_space<vmem>>
      %dma_start3A_141 = tpu.memref_squeeze %dma_start3A_140 : memref<1x80xi32, #tpu.memory_space<vmem>> -> memref<80xi32, #tpu.memory_space<vmem>>
      %dma_start3A_142 = arith.constant 0 : i32
      %dma_start3A_143 = arith.constant 0 : i32
      %dma_start3A_144 = tpu.memref_slice %arg8[%dma_start3A_142, %dma_start3A_143] : memref<10000x16xf32, #tpu.memory_space<vmem_shared>> -> memref<10000x16xf32, #tpu.memory_space<vmem_shared>>
      tpu.enqueue_indirect_dma source(%arg7 : memref<80x16xf32, #tpu.memory_space<vmem>>) target(%dma_start3A_144 : memref<10000x16xf32, #tpu.memory_space<vmem_shared>>) offsets(%dma_start3A_141 : memref<80xi32, #tpu.memory_space<vmem>>) semaphore(%arg9 : memref<!tpu.dma_semaphore, #tpu.memory_space<semaphore_mem>>) {add = true}
      %mul3A_145 = arith.constant 25 : i32
      %mul3A_146 = arith.muli %add3A_34, %mul3A_145 : i32
      %add3A_147 = arith.constant 11 : i32
      %add3A_148 = arith.addi %mul3A_146, %add3A_147 : i32
      %dma_start3A_149 = arith.constant 0 : i32
      %dma_start3A_150 = tpu.memref_slice %arg6[%add3A_148, %dma_start3A_149] : memref<125x80xi32, #tpu.memory_space<vmem>> -> memref<1x80xi32, #tpu.memory_space<vmem>>
      %dma_start3A_151 = tpu.memref_squeeze %dma_start3A_150 : memref<1x80xi32, #tpu.memory_space<vmem>> -> memref<80xi32, #tpu.memory_space<vmem>>
      %dma_start3A_152 = arith.constant 0 : i32
      %dma_start3A_153 = arith.constant 0 : i32
      %dma_start3A_154 = tpu.memref_slice %arg8[%dma_start3A_152, %dma_start3A_153] : memref<10000x16xf32, #tpu.memory_space<vmem_shared>> -> memref<10000x16xf32, #tpu.memory_space<vmem_shared>>
      tpu.enqueue_indirect_dma source(%arg7 : memref<80x16xf32, #tpu.memory_space<vmem>>) target(%dma_start3A_154 : memref<10000x16xf32, #tpu.memory_space<vmem_shared>>) offsets(%dma_start3A_151 : memref<80xi32, #tpu.memory_space<vmem>>) semaphore(%arg9 : memref<!tpu.dma_semaphore, #tpu.memory_space<semaphore_mem>>) {add = true}
      %mul3A_155 = arith.constant 25 : i32
      %mul3A_156 = arith.muli %add3A_34, %mul3A_155 : i32
      %add3A_157 = arith.constant 12 : i32
      %add3A_158 = arith.addi %mul3A_156, %add3A_157 : i32
      %dma_start3A_159 = arith.constant 0 : i32
      %dma_start3A_160 = tpu.memref_slice %arg6[%add3A_158, %dma_start3A_159] : memref<125x80xi32, #tpu.memory_space<vmem>> -> memref<1x80xi32, #tpu.memory_space<vmem>>
      %dma_start3A_161 = tpu.memref_squeeze %dma_start3A_160 : memref<1x80xi32, #tpu.memory_space<vmem>> -> memref<80xi32, #tpu.memory_space<vmem>>
      %dma_start3A_162 = arith.constant 0 : i32
      %dma_start3A_163 = arith.constant 0 : i32
      %dma_start3A_164 = tpu.memref_slice %arg8[%dma_start3A_162, %dma_start3A_163] : memref<10000x16xf32, #tpu.memory_space<vmem_shared>> -> memref<10000x16xf32, #tpu.memory_space<vmem_shared>>
      tpu.enqueue_indirect_dma source(%arg7 : memref<80x16xf32, #tpu.memory_space<vmem>>) target(%dma_start3A_164 : memref<10000x16xf32, #tpu.memory_space<vmem_shared>>) offsets(%dma_start3A_161 : memref<80xi32, #tpu.memory_space<vmem>>) semaphore(%arg9 : memref<!tpu.dma_semaphore, #tpu.memory_space<semaphore_mem>>) {add = true}
      %mul3A_165 = arith.constant 25 : i32
      %mul3A_166 = arith.muli %add3A_34, %mul3A_165 : i32
      %add3A_167 = arith.constant 13 : i32
      %add3A_168 = arith.addi %mul3A_166, %add3A_167 : i32
      %dma_start3A_169 = arith.constant 0 : i32
      %dma_start3A_170 = tpu.memref_slice %arg6[%add3A_168, %dma_start3A_169] : memref<125x80xi32, #tpu.memory_space<vmem>> -> memref<1x80xi32, #tpu.memory_space<vmem>>
      %dma_start3A_171 = tpu.memref_squeeze %dma_start3A_170 : memref<1x80xi32, #tpu.memory_space<vmem>> -> memref<80xi32, #tpu.memory_space<vmem>>
      %dma_start3A_172 = arith.constant 0 : i32
      %dma_start3A_173 = arith.constant 0 : i32
      %dma_start3A_174 = tpu.memref_slice %arg8[%dma_start3A_172, %dma_start3A_173] : memref<10000x16xf32, #tpu.memory_space<vmem_shared>> -> memref<10000x16xf32, #tpu.memory_space<vmem_shared>>
      tpu.enqueue_indirect_dma source(%arg7 : memref<80x16xf32, #tpu.memory_space<vmem>>) target(%dma_start3A_174 : memref<10000x16xf32, #tpu.memory_space<vmem_shared>>) offsets(%dma_start3A_171 : memref<80xi32, #tpu.memory_space<vmem>>) semaphore(%arg9 : memref<!tpu.dma_semaphore, #tpu.memory_space<semaphore_mem>>) {add = true}
      %mul3A_175 = arith.constant 25 : i32
      %mul3A_176 = arith.muli %add3A_34, %mul3A_175 : i32
      %add3A_177 = arith.constant 14 : i32
      %add3A_178 = arith.addi %mul3A_176, %add3A_177 : i32
      %dma_start3A_179 = arith.constant 0 : i32
      %dma_start3A_180 = tpu.memref_slice %arg6[%add3A_178, %dma_start3A_179] : memref<125x80xi32, #tpu.memory_space<vmem>> -> memref<1x80xi32, #tpu.memory_space<vmem>>
      %dma_start3A_181 = tpu.memref_squeeze %dma_start3A_180 : memref<1x80xi32, #tpu.memory_space<vmem>> -> memref<80xi32, #tpu.memory_space<vmem>>
      %dma_start3A_182 = arith.constant 0 : i32
      %dma_start3A_183 = arith.constant 0 : i32
      %dma_start3A_184 = tpu.memref_slice %arg8[%dma_start3A_182, %dma_start3A_183] : memref<10000x16xf32, #tpu.memory_space<vmem_shared>> -> memref<10000x16xf32, #tpu.memory_space<vmem_shared>>
      tpu.enqueue_indirect_dma source(%arg7 : memref<80x16xf32, #tpu.memory_space<vmem>>) target(%dma_start3A_184 : memref<10000x16xf32, #tpu.memory_space<vmem_shared>>) offsets(%dma_start3A_181 : memref<80xi32, #tpu.memory_space<vmem>>) semaphore(%arg9 : memref<!tpu.dma_semaphore, #tpu.memory_space<semaphore_mem>>) {add = true}
      %mul3A_185 = arith.constant 25 : i32
      %mul3A_186 = arith.muli %add3A_34, %mul3A_185 : i32
      %add3A_187 = arith.constant 15 : i32
      %add3A_188 = arith.addi %mul3A_186, %add3A_187 : i32
      %dma_start3A_189 = arith.constant 0 : i32
      %dma_start3A_190 = tpu.memref_slice %arg6[%add3A_188, %dma_start3A_189] : memref<125x80xi32, #tpu.memory_space<vmem>> -> memref<1x80xi32, #tpu.memory_space<vmem>>
      %dma_start3A_191 = tpu.memref_squeeze %dma_start3A_190 : memref<1x80xi32, #tpu.memory_space<vmem>> -> memref<80xi32, #tpu.memory_space<vmem>>
      %dma_start3A_192 = arith.constant 0 : i32
      %dma_start3A_193 = arith.constant 0 : i32
      %dma_start3A_194 = tpu.memref_slice %arg8[%dma_start3A_192, %dma_start3A_193] : memref<10000x16xf32, #tpu.memory_space<vmem_shared>> -> memref<10000x16xf32, #tpu.memory_space<vmem_shared>>
      tpu.enqueue_indirect_dma source(%arg7 : memref<80x16xf32, #tpu.memory_space<vmem>>) target(%dma_start3A_194 : memref<10000x16xf32, #tpu.memory_space<vmem_shared>>) offsets(%dma_start3A_191 : memref<80xi32, #tpu.memory_space<vmem>>) semaphore(%arg9 : memref<!tpu.dma_semaphore, #tpu.memory_space<semaphore_mem>>) {add = true}
      %mul3A_195 = arith.constant 25 : i32
      %mul3A_196 = arith.muli %add3A_34, %mul3A_195 : i32
      %add3A_197 = arith.constant 16 : i32
      %add3A_198 = arith.addi %mul3A_196, %add3A_197 : i32
      %dma_start3A_199 = arith.constant 0 : i32
      %dma_start3A_200 = tpu.memref_slice %arg6[%add3A_198, %dma_start3A_199] : memref<125x80xi32, #tpu.memory_space<vmem>> -> memref<1x80xi32, #tpu.memory_space<vmem>>
      %dma_start3A_201 = tpu.memref_squeeze %dma_start3A_200 : memref<1x80xi32, #tpu.memory_space<vmem>> -> memref<80xi32, #tpu.memory_space<vmem>>
      %dma_start3A_202 = arith.constant 0 : i32
      %dma_start3A_203 = arith.constant 0 : i32
      %dma_start3A_204 = tpu.memref_slice %arg8[%dma_start3A_202, %dma_start3A_203] : memref<10000x16xf32, #tpu.memory_space<vmem_shared>> -> memref<10000x16xf32, #tpu.memory_space<vmem_shared>>
      tpu.enqueue_indirect_dma source(%arg7 : memref<80x16xf32, #tpu.memory_space<vmem>>) target(%dma_start3A_204 : memref<10000x16xf32, #tpu.memory_space<vmem_shared>>) offsets(%dma_start3A_201 : memref<80xi32, #tpu.memory_space<vmem>>) semaphore(%arg9 : memref<!tpu.dma_semaphore, #tpu.memory_space<semaphore_mem>>) {add = true}
      %mul3A_205 = arith.constant 25 : i32
      %mul3A_206 = arith.muli %add3A_34, %mul3A_205 : i32
      %add3A_207 = arith.constant 17 : i32
      %add3A_208 = arith.addi %mul3A_206, %add3A_207 : i32
      %dma_start3A_209 = arith.constant 0 : i32
      %dma_start3A_210 = tpu.memref_slice %arg6[%add3A_208, %dma_start3A_209] : memref<125x80xi32, #tpu.memory_space<vmem>> -> memref<1x80xi32, #tpu.memory_space<vmem>>
      %dma_start3A_211 = tpu.memref_squeeze %dma_start3A_210 : memref<1x80xi32, #tpu.memory_space<vmem>> -> memref<80xi32, #tpu.memory_space<vmem>>
      %dma_start3A_212 = arith.constant 0 : i32
      %dma_start3A_213 = arith.constant 0 : i32
      %dma_start3A_214 = tpu.memref_slice %arg8[%dma_start3A_212, %dma_start3A_213] : memref<10000x16xf32, #tpu.memory_space<vmem_shared>> -> memref<10000x16xf32, #tpu.memory_space<vmem_shared>>
      tpu.enqueue_indirect_dma source(%arg7 : memref<80x16xf32, #tpu.memory_space<vmem>>) target(%dma_start3A_214 : memref<10000x16xf32, #tpu.memory_space<vmem_shared>>) offsets(%dma_start3A_211 : memref<80xi32, #tpu.memory_space<vmem>>) semaphore(%arg9 : memref<!tpu.dma_semaphore, #tpu.memory_space<semaphore_mem>>) {add = true}
      %mul3A_215 = arith.constant 25 : i32
      %mul3A_216 = arith.muli %add3A_34, %mul3A_215 : i32
      %add3A_217 = arith.constant 18 : i32
      %add3A_218 = arith.addi %mul3A_216, %add3A_217 : i32
      %dma_start3A_219 = arith.constant 0 : i32
      %dma_start3A_220 = tpu.memref_slice %arg6[%add3A_218, %dma_start3A_219] : memref<125x80xi32, #tpu.memory_space<vmem>> -> memref<1x80xi32, #tpu.memory_space<vmem>>
      %dma_start3A_221 = tpu.memref_squeeze %dma_start3A_220 : memref<1x80xi32, #tpu.memory_space<vmem>> -> memref<80xi32, #tpu.memory_space<vmem>>
      %dma_start3A_222 = arith.constant 0 : i32
      %dma_start3A_223 = arith.constant 0 : i32
      %dma_start3A_224 = tpu.memref_slice %arg8[%dma_start3A_222, %dma_start3A_223] : memref<10000x16xf32, #tpu.memory_space<vmem_shared>> -> memref<10000x16xf32, #tpu.memory_space<vmem_shared>>
      tpu.enqueue_indirect_dma source(%arg7 : memref<80x16xf32, #tpu.memory_space<vmem>>) target(%dma_start3A_224 : memref<10000x16xf32, #tpu.memory_space<vmem_shared>>) offsets(%dma_start3A_221 : memref<80xi32, #tpu.memory_space<vmem>>) semaphore(%arg9 : memref<!tpu.dma_semaphore, #tpu.memory_space<semaphore_mem>>) {add = true}
      %mul3A_225 = arith.constant 25 : i32
      %mul3A_226 = arith.muli %add3A_34, %mul3A_225 : i32
      %add3A_227 = arith.constant 19 : i32
      %add3A_228 = arith.addi %mul3A_226, %add3A_227 : i32
      %dma_start3A_229 = arith.constant 0 : i32
      %dma_start3A_230 = tpu.memref_slice %arg6[%add3A_228, %dma_start3A_229] : memref<125x80xi32, #tpu.memory_space<vmem>> -> memref<1x80xi32, #tpu.memory_space<vmem>>
      %dma_start3A_231 = tpu.memref_squeeze %dma_start3A_230 : memref<1x80xi32, #tpu.memory_space<vmem>> -> memref<80xi32, #tpu.memory_space<vmem>>
      %dma_start3A_232 = arith.constant 0 : i32
      %dma_start3A_233 = arith.constant 0 : i32
      %dma_start3A_234 = tpu.memref_slice %arg8[%dma_start3A_232, %dma_start3A_233] : memref<10000x16xf32, #tpu.memory_space<vmem_shared>> -> memref<10000x16xf32, #tpu.memory_space<vmem_shared>>
      tpu.enqueue_indirect_dma source(%arg7 : memref<80x16xf32, #tpu.memory_space<vmem>>) target(%dma_start3A_234 : memref<10000x16xf32, #tpu.memory_space<vmem_shared>>) offsets(%dma_start3A_231 : memref<80xi32, #tpu.memory_space<vmem>>) semaphore(%arg9 : memref<!tpu.dma_semaphore, #tpu.memory_space<semaphore_mem>>) {add = true}
      %mul3A_235 = arith.constant 25 : i32
      %mul3A_236 = arith.muli %add3A_34, %mul3A_235 : i32
      %add3A_237 = arith.constant 20 : i32
      %add3A_238 = arith.addi %mul3A_236, %add3A_237 : i32
      %dma_start3A_239 = arith.constant 0 : i32
      %dma_start3A_240 = tpu.memref_slice %arg6[%add3A_238, %dma_start3A_239] : memref<125x80xi32, #tpu.memory_space<vmem>> -> memref<1x80xi32, #tpu.memory_space<vmem>>
      %dma_start3A_241 = tpu.memref_squeeze %dma_start3A_240 : memref<1x80xi32, #tpu.memory_space<vmem>> -> memref<80xi32, #tpu.memory_space<vmem>>
      %dma_start3A_242 = arith.constant 0 : i32
      %dma_start3A_243 = arith.constant 0 : i32
      %dma_start3A_244 = tpu.memref_slice %arg8[%dma_start3A_242, %dma_start3A_243] : memref<10000x16xf32, #tpu.memory_space<vmem_shared>> -> memref<10000x16xf32, #tpu.memory_space<vmem_shared>>
      tpu.enqueue_indirect_dma source(%arg7 : memref<80x16xf32, #tpu.memory_space<vmem>>) target(%dma_start3A_244 : memref<10000x16xf32, #tpu.memory_space<vmem_shared>>) offsets(%dma_start3A_241 : memref<80xi32, #tpu.memory_space<vmem>>) semaphore(%arg9 : memref<!tpu.dma_semaphore, #tpu.memory_space<semaphore_mem>>) {add = true}
      %mul3A_245 = arith.constant 25 : i32
      %mul3A_246 = arith.muli %add3A_34, %mul3A_245 : i32
      %add3A_247 = arith.constant 21 : i32
      %add3A_248 = arith.addi %mul3A_246, %add3A_247 : i32
      %dma_start3A_249 = arith.constant 0 : i32
      %dma_start3A_250 = tpu.memref_slice %arg6[%add3A_248, %dma_start3A_249] : memref<125x80xi32, #tpu.memory_space<vmem>> -> memref<1x80xi32, #tpu.memory_space<vmem>>
      %dma_start3A_251 = tpu.memref_squeeze %dma_start3A_250 : memref<1x80xi32, #tpu.memory_space<vmem>> -> memref<80xi32, #tpu.memory_space<vmem>>
      %dma_start3A_252 = arith.constant 0 : i32
      %dma_start3A_253 = arith.constant 0 : i32
      %dma_start3A_254 = tpu.memref_slice %arg8[%dma_start3A_252, %dma_start3A_253] : memref<10000x16xf32, #tpu.memory_space<vmem_shared>> -> memref<10000x16xf32, #tpu.memory_space<vmem_shared>>
      tpu.enqueue_indirect_dma source(%arg7 : memref<80x16xf32, #tpu.memory_space<vmem>>) target(%dma_start3A_254 : memref<10000x16xf32, #tpu.memory_space<vmem_shared>>) offsets(%dma_start3A_251 : memref<80xi32, #tpu.memory_space<vmem>>) semaphore(%arg9 : memref<!tpu.dma_semaphore, #tpu.memory_space<semaphore_mem>>) {add = true}
      %mul3A_255 = arith.constant 25 : i32
      %mul3A_256 = arith.muli %add3A_34, %mul3A_255 : i32
      %add3A_257 = arith.constant 22 : i32
      %add3A_258 = arith.addi %mul3A_256, %add3A_257 : i32
      %dma_start3A_259 = arith.constant 0 : i32
      %dma_start3A_260 = tpu.memref_slice %arg6[%add3A_258, %dma_start3A_259] : memref<125x80xi32, #tpu.memory_space<vmem>> -> memref<1x80xi32, #tpu.memory_space<vmem>>
      %dma_start3A_261 = tpu.memref_squeeze %dma_start3A_260 : memref<1x80xi32, #tpu.memory_space<vmem>> -> memref<80xi32, #tpu.memory_space<vmem>>
      %dma_start3A_262 = arith.constant 0 : i32
      %dma_start3A_263 = arith.constant 0 : i32
      %dma_start3A_264 = tpu.memref_slice %arg8[%dma_start3A_262, %dma_start3A_263] : memref<10000x16xf32, #tpu.memory_space<vmem_shared>> -> memref<10000x16xf32, #tpu.memory_space<vmem_shared>>
      tpu.enqueue_indirect_dma source(%arg7 : memref<80x16xf32, #tpu.memory_space<vmem>>) target(%dma_start3A_264 : memref<10000x16xf32, #tpu.memory_space<vmem_shared>>) offsets(%dma_start3A_261 : memref<80xi32, #tpu.memory_space<vmem>>) semaphore(%arg9 : memref<!tpu.dma_semaphore, #tpu.memory_space<semaphore_mem>>) {add = true}
      %mul3A_265 = arith.constant 25 : i32
      %mul3A_266 = arith.muli %add3A_34, %mul3A_265 : i32
      %add3A_267 = arith.constant 23 : i32
      %add3A_268 = arith.addi %mul3A_266, %add3A_267 : i32
      %dma_start3A_269 = arith.constant 0 : i32
      %dma_start3A_270 = tpu.memref_slice %arg6[%add3A_268, %dma_start3A_269] : memref<125x80xi32, #tpu.memory_space<vmem>> -> memref<1x80xi32, #tpu.memory_space<vmem>>
      %dma_start3A_271 = tpu.memref_squeeze %dma_start3A_270 : memref<1x80xi32, #tpu.memory_space<vmem>> -> memref<80xi32, #tpu.memory_space<vmem>>
      %dma_start3A_272 = arith.constant 0 : i32
      %dma_start3A_273 = arith.constant 0 : i32
      %dma_start3A_274 = tpu.memref_slice %arg8[%dma_start3A_272, %dma_start3A_273] : memref<10000x16xf32, #tpu.memory_space<vmem_shared>> -> memref<10000x16xf32, #tpu.memory_space<vmem_shared>>
      tpu.enqueue_indirect_dma source(%arg7 : memref<80x16xf32, #tpu.memory_space<vmem>>) target(%dma_start3A_274 : memref<10000x16xf32, #tpu.memory_space<vmem_shared>>) offsets(%dma_start3A_271 : memref<80xi32, #tpu.memory_space<vmem>>) semaphore(%arg9 : memref<!tpu.dma_semaphore, #tpu.memory_space<semaphore_mem>>) {add = true}
      %mul3A_275 = arith.constant 25 : i32
      %mul3A_276 = arith.muli %add3A_34, %mul3A_275 : i32
      %add3A_277 = arith.constant 24 : i32
      %add3A_278 = arith.addi %mul3A_276, %add3A_277 : i32
      %dma_start3A_279 = arith.constant 0 : i32
      %dma_start3A_280 = tpu.memref_slice %arg6[%add3A_278, %dma_start3A_279] : memref<125x80xi32, #tpu.memory_space<vmem>> -> memref<1x80xi32, #tpu.memory_space<vmem>>
      %dma_start3A_281 = tpu.memref_squeeze %dma_start3A_280 : memref<1x80xi32, #tpu.memory_space<vmem>> -> memref<80xi32, #tpu.memory_space<vmem>>
      %dma_start3A_282 = arith.constant 0 : i32
      %dma_start3A_283 = arith.constant 0 : i32
      %dma_start3A_284 = tpu.memref_slice %arg8[%dma_start3A_282, %dma_start3A_283] : memref<10000x16xf32, #tpu.memory_space<vmem_shared>> -> memref<10000x16xf32, #tpu.memory_space<vmem_shared>>
      tpu.enqueue_indirect_dma source(%arg7 : memref<80x16xf32, #tpu.memory_space<vmem>>) target(%dma_start3A_284 : memref<10000x16xf32, #tpu.memory_space<vmem_shared>>) offsets(%dma_start3A_281 : memref<80xi32, #tpu.memory_space<vmem>>) semaphore(%arg9 : memref<!tpu.dma_semaphore, #tpu.memory_space<semaphore_mem>>) {add = true}
      %dma_wait3A_285 = arith.constant 0 : i32
      %dma_wait3A_286 = tpu.memref_slice %arg6[%add3A_38, %dma_wait3A_285] : memref<125x80xi32, #tpu.memory_space<vmem>> -> memref<1x80xi32, #tpu.memory_space<vmem>>
      %dma_wait3A_287 = tpu.memref_squeeze %dma_wait3A_286 : memref<1x80xi32, #tpu.memory_space<vmem>> -> memref<80xi32, #tpu.memory_space<vmem>>
      %dma_wait3A_288 = arith.constant 0 : i32
      %dma_wait3A_289 = arith.constant 0 : i32
      %dma_wait3A_290 = tpu.memref_slice %arg8[%dma_wait3A_288, %dma_wait3A_289] : memref<10000x16xf32, #tpu.memory_space<vmem_shared>> -> memref<10000x16xf32, #tpu.memory_space<vmem_shared>>
      tpu.wait_indirect_dma semaphore(%arg9 : memref<!tpu.dma_semaphore, #tpu.memory_space<semaphore_mem>>) src(%arg7 : memref<80x16xf32, #tpu.memory_space<vmem>>) dst(%dma_wait3A_290 : memref<10000x16xf32, #tpu.memory_space<vmem_shared>>)
      %dma_wait3A_291 = arith.constant 0 : i32
      %dma_wait3A_292 = tpu.memref_slice %arg6[%add3A_48, %dma_wait3A_291] : memref<125x80xi32, #tpu.memory_space<vmem>> -> memref<1x80xi32, #tpu.memory_space<vmem>>
      %dma_wait3A_293 = tpu.memref_squeeze %dma_wait3A_292 : memref<1x80xi32, #tpu.memory_space<vmem>> -> memref<80xi32, #tpu.memory_space<vmem>>
      %dma_wait3A_294 = arith.constant 0 : i32
      %dma_wait3A_295 = arith.constant 0 : i32
      %dma_wait3A_296 = tpu.memref_slice %arg8[%dma_wait3A_294, %dma_wait3A_295] : memref<10000x16xf32, #tpu.memory_space<vmem_shared>> -> memref<10000x16xf32, #tpu.memory_space<vmem_shared>>
      tpu.wait_indirect_dma semaphore(%arg9 : memref<!tpu.dma_semaphore, #tpu.memory_space<semaphore_mem>>) src(%arg7 : memref<80x16xf32, #tpu.memory_space<vmem>>) dst(%dma_wait3A_296 : memref<10000x16xf32, #tpu.memory_space<vmem_shared>>)
      %dma_wait3A_297 = arith.constant 0 : i32
      %dma_wait3A_298 = tpu.memref_slice %arg6[%add3A_58, %dma_wait3A_297] : memref<125x80xi32, #tpu.memory_space<vmem>> -> memref<1x80xi32, #tpu.memory_space<vmem>>
      %dma_wait3A_299 = tpu.memref_squeeze %dma_wait3A_298 : memref<1x80xi32, #tpu.memory_space<vmem>> -> memref<80xi32, #tpu.memory_space<vmem>>
      %dma_wait3A_300 = arith.constant 0 : i32
      %dma_wait3A_301 = arith.constant 0 : i32
      %dma_wait3A_302 = tpu.memref_slice %arg8[%dma_wait3A_300, %dma_wait3A_301] : memref<10000x16xf32, #tpu.memory_space<vmem_shared>> -> memref<10000x16xf32, #tpu.memory_space<vmem_shared>>
      tpu.wait_indirect_dma semaphore(%arg9 : memref<!tpu.dma_semaphore, #tpu.memory_space<semaphore_mem>>) src(%arg7 : memref<80x16xf32, #tpu.memory_space<vmem>>) dst(%dma_wait3A_302 : memref<10000x16xf32, #tpu.memory_space<vmem_shared>>)
      %dma_wait3A_303 = arith.constant 0 : i32
      %dma_wait3A_304 = tpu.memref_slice %arg6[%add3A_68, %dma_wait3A_303] : memref<125x80xi32, #tpu.memory_space<vmem>> -> memref<1x80xi32, #tpu.memory_space<vmem>>
      %dma_wait3A_305 = tpu.memref_squeeze %dma_wait3A_304 : memref<1x80xi32, #tpu.memory_space<vmem>> -> memref<80xi32, #tpu.memory_space<vmem>>
      %dma_wait3A_306 = arith.constant 0 : i32
      %dma_wait3A_307 = arith.constant 0 : i32
      %dma_wait3A_308 = tpu.memref_slice %arg8[%dma_wait3A_306, %dma_wait3A_307] : memref<10000x16xf32, #tpu.memory_space<vmem_shared>> -> memref<10000x16xf32, #tpu.memory_space<vmem_shared>>
      tpu.wait_indirect_dma semaphore(%arg9 : memref<!tpu.dma_semaphore, #tpu.memory_space<semaphore_mem>>) src(%arg7 : memref<80x16xf32, #tpu.memory_space<vmem>>) dst(%dma_wait3A_308 : memref<10000x16xf32, #tpu.memory_space<vmem_shared>>)
      %dma_wait3A_309 = arith.constant 0 : i32
      %dma_wait3A_310 = tpu.memref_slice %arg6[%add3A_78, %dma_wait3A_309] : memref<125x80xi32, #tpu.memory_space<vmem>> -> memref<1x80xi32, #tpu.memory_space<vmem>>
      %dma_wait3A_311 = tpu.memref_squeeze %dma_wait3A_310 : memref<1x80xi32, #tpu.memory_space<vmem>> -> memref<80xi32, #tpu.memory_space<vmem>>
      %dma_wait3A_312 = arith.constant 0 : i32
      %dma_wait3A_313 = arith.constant 0 : i32
      %dma_wait3A_314 = tpu.memref_slice %arg8[%dma_wait3A_312, %dma_wait3A_313] : memref<10000x16xf32, #tpu.memory_space<vmem_shared>> -> memref<10000x16xf32, #tpu.memory_space<vmem_shared>>
      tpu.wait_indirect_dma semaphore(%arg9 : memref<!tpu.dma_semaphore, #tpu.memory_space<semaphore_mem>>) src(%arg7 : memref<80x16xf32, #tpu.memory_space<vmem>>) dst(%dma_wait3A_314 : memref<10000x16xf32, #tpu.memory_space<vmem_shared>>)
      %dma_wait3A_315 = arith.constant 0 : i32
      %dma_wait3A_316 = tpu.memref_slice %arg6[%add3A_88, %dma_wait3A_315] : memref<125x80xi32, #tpu.memory_space<vmem>> -> memref<1x80xi32, #tpu.memory_space<vmem>>
      %dma_wait3A_317 = tpu.memref_squeeze %dma_wait3A_316 : memref<1x80xi32, #tpu.memory_space<vmem>> -> memref<80xi32, #tpu.memory_space<vmem>>
      %dma_wait3A_318 = arith.constant 0 : i32
      %dma_wait3A_319 = arith.constant 0 : i32
      %dma_wait3A_320 = tpu.memref_slice %arg8[%dma_wait3A_318, %dma_wait3A_319] : memref<10000x16xf32, #tpu.memory_space<vmem_shared>> -> memref<10000x16xf32, #tpu.memory_space<vmem_shared>>
      tpu.wait_indirect_dma semaphore(%arg9 : memref<!tpu.dma_semaphore, #tpu.memory_space<semaphore_mem>>) src(%arg7 : memref<80x16xf32, #tpu.memory_space<vmem>>) dst(%dma_wait3A_320 : memref<10000x16xf32, #tpu.memory_space<vmem_shared>>)
      %dma_wait3A_321 = arith.constant 0 : i32
      %dma_wait3A_322 = tpu.memref_slice %arg6[%add3A_98, %dma_wait3A_321] : memref<125x80xi32, #tpu.memory_space<vmem>> -> memref<1x80xi32, #tpu.memory_space<vmem>>
      %dma_wait3A_323 = tpu.memref_squeeze %dma_wait3A_322 : memref<1x80xi32, #tpu.memory_space<vmem>> -> memref<80xi32, #tpu.memory_space<vmem>>
      %dma_wait3A_324 = arith.constant 0 : i32
      %dma_wait3A_325 = arith.constant 0 : i32
      %dma_wait3A_326 = tpu.memref_slice %arg8[%dma_wait3A_324, %dma_wait3A_325] : memref<10000x16xf32, #tpu.memory_space<vmem_shared>> -> memref<10000x16xf32, #tpu.memory_space<vmem_shared>>
      tpu.wait_indirect_dma semaphore(%arg9 : memref<!tpu.dma_semaphore, #tpu.memory_space<semaphore_mem>>) src(%arg7 : memref<80x16xf32, #tpu.memory_space<vmem>>) dst(%dma_wait3A_326 : memref<10000x16xf32, #tpu.memory_space<vmem_shared>>)
      %dma_wait3A_327 = arith.constant 0 : i32
      %dma_wait3A_328 = tpu.memref_slice %arg6[%add3A_108, %dma_wait3A_327] : memref<125x80xi32, #tpu.memory_space<vmem>> -> memref<1x80xi32, #tpu.memory_space<vmem>>
      %dma_wait3A_329 = tpu.memref_squeeze %dma_wait3A_328 : memref<1x80xi32, #tpu.memory_space<vmem>> -> memref<80xi32, #tpu.memory_space<vmem>>
      %dma_wait3A_330 = arith.constant 0 : i32
      %dma_wait3A_331 = arith.constant 0 : i32
      %dma_wait3A_332 = tpu.memref_slice %arg8[%dma_wait3A_330, %dma_wait3A_331] : memref<10000x16xf32, #tpu.memory_space<vmem_shared>> -> memref<10000x16xf32, #tpu.memory_space<vmem_shared>>
      tpu.wait_indirect_dma semaphore(%arg9 : memref<!tpu.dma_semaphore, #tpu.memory_space<semaphore_mem>>) src(%arg7 : memref<80x16xf32, #tpu.memory_space<vmem>>) dst(%dma_wait3A_332 : memref<10000x16xf32, #tpu.memory_space<vmem_shared>>)
      %dma_wait3A_333 = arith.constant 0 : i32
      %dma_wait3A_334 = tpu.memref_slice %arg6[%add3A_118, %dma_wait3A_333] : memref<125x80xi32, #tpu.memory_space<vmem>> -> memref<1x80xi32, #tpu.memory_space<vmem>>
      %dma_wait3A_335 = tpu.memref_squeeze %dma_wait3A_334 : memref<1x80xi32, #tpu.memory_space<vmem>> -> memref<80xi32, #tpu.memory_space<vmem>>
      %dma_wait3A_336 = arith.constant 0 : i32
      %dma_wait3A_337 = arith.constant 0 : i32
      %dma_wait3A_338 = tpu.memref_slice %arg8[%dma_wait3A_336, %dma_wait3A_337] : memref<10000x16xf32, #tpu.memory_space<vmem_shared>> -> memref<10000x16xf32, #tpu.memory_space<vmem_shared>>
      tpu.wait_indirect_dma semaphore(%arg9 : memref<!tpu.dma_semaphore, #tpu.memory_space<semaphore_mem>>) src(%arg7 : memref<80x16xf32, #tpu.memory_space<vmem>>) dst(%dma_wait3A_338 : memref<10000x16xf32, #tpu.memory_space<vmem_shared>>)
      %dma_wait3A_339 = arith.constant 0 : i32
      %dma_wait3A_340 = tpu.memref_slice %arg6[%add3A_128, %dma_wait3A_339] : memref<125x80xi32, #tpu.memory_space<vmem>> -> memref<1x80xi32, #tpu.memory_space<vmem>>
      %dma_wait3A_341 = tpu.memref_squeeze %dma_wait3A_340 : memref<1x80xi32, #tpu.memory_space<vmem>> -> memref<80xi32, #tpu.memory_space<vmem>>
      %dma_wait3A_342 = arith.constant 0 : i32
      %dma_wait3A_343 = arith.constant 0 : i32
      %dma_wait3A_344 = tpu.memref_slice %arg8[%dma_wait3A_342, %dma_wait3A_343] : memref<10000x16xf32, #tpu.memory_space<vmem_shared>> -> memref<10000x16xf32, #tpu.memory_space<vmem_shared>>
      tpu.wait_indirect_dma semaphore(%arg9 : memref<!tpu.dma_semaphore, #tpu.memory_space<semaphore_mem>>) src(%arg7 : memref<80x16xf32, #tpu.memory_space<vmem>>) dst(%dma_wait3A_344 : memref<10000x16xf32, #tpu.memory_space<vmem_shared>>)
      %dma_wait3A_345 = arith.constant 0 : i32
      %dma_wait3A_346 = tpu.memref_slice %arg6[%add3A_138, %dma_wait3A_345] : memref<125x80xi32, #tpu.memory_space<vmem>> -> memref<1x80xi32, #tpu.memory_space<vmem>>
      %dma_wait3A_347 = tpu.memref_squeeze %dma_wait3A_346 : memref<1x80xi32, #tpu.memory_space<vmem>> -> memref<80xi32, #tpu.memory_space<vmem>>
      %dma_wait3A_348 = arith.constant 0 : i32
      %dma_wait3A_349 = arith.constant 0 : i32
      %dma_wait3A_350 = tpu.memref_slice %arg8[%dma_wait3A_348, %dma_wait3A_349] : memref<10000x16xf32, #tpu.memory_space<vmem_shared>> -> memref<10000x16xf32, #tpu.memory_space<vmem_shared>>
      tpu.wait_indirect_dma semaphore(%arg9 : memref<!tpu.dma_semaphore, #tpu.memory_space<semaphore_mem>>) src(%arg7 : memref<80x16xf32, #tpu.memory_space<vmem>>) dst(%dma_wait3A_350 : memref<10000x16xf32, #tpu.memory_space<vmem_shared>>)
      %dma_wait3A_351 = arith.constant 0 : i32
      %dma_wait3A_352 = tpu.memref_slice %arg6[%add3A_148, %dma_wait3A_351] : memref<125x80xi32, #tpu.memory_space<vmem>> -> memref<1x80xi32, #tpu.memory_space<vmem>>
      %dma_wait3A_353 = tpu.memref_squeeze %dma_wait3A_352 : memref<1x80xi32, #tpu.memory_space<vmem>> -> memref<80xi32, #tpu.memory_space<vmem>>
      %dma_wait3A_354 = arith.constant 0 : i32
      %dma_wait3A_355 = arith.constant 0 : i32
      %dma_wait3A_356 = tpu.memref_slice %arg8[%dma_wait3A_354, %dma_wait3A_355] : memref<10000x16xf32, #tpu.memory_space<vmem_shared>> -> memref<10000x16xf32, #tpu.memory_space<vmem_shared>>
      tpu.wait_indirect_dma semaphore(%arg9 : memref<!tpu.dma_semaphore, #tpu.memory_space<semaphore_mem>>) src(%arg7 : memref<80x16xf32, #tpu.memory_space<vmem>>) dst(%dma_wait3A_356 : memref<10000x16xf32, #tpu.memory_space<vmem_shared>>)
      %dma_wait3A_357 = arith.constant 0 : i32
      %dma_wait3A_358 = tpu.memref_slice %arg6[%add3A_158, %dma_wait3A_357] : memref<125x80xi32, #tpu.memory_space<vmem>> -> memref<1x80xi32, #tpu.memory_space<vmem>>
      %dma_wait3A_359 = tpu.memref_squeeze %dma_wait3A_358 : memref<1x80xi32, #tpu.memory_space<vmem>> -> memref<80xi32, #tpu.memory_space<vmem>>
      %dma_wait3A_360 = arith.constant 0 : i32
      %dma_wait3A_361 = arith.constant 0 : i32
      %dma_wait3A_362 = tpu.memref_slice %arg8[%dma_wait3A_360, %dma_wait3A_361] : memref<10000x16xf32, #tpu.memory_space<vmem_shared>> -> memref<10000x16xf32, #tpu.memory_space<vmem_shared>>
      tpu.wait_indirect_dma semaphore(%arg9 : memref<!tpu.dma_semaphore, #tpu.memory_space<semaphore_mem>>) src(%arg7 : memref<80x16xf32, #tpu.memory_space<vmem>>) dst(%dma_wait3A_362 : memref<10000x16xf32, #tpu.memory_space<vmem_shared>>)
      %dma_wait3A_363 = arith.constant 0 : i32
      %dma_wait3A_364 = tpu.memref_slice %arg6[%add3A_168, %dma_wait3A_363] : memref<125x80xi32, #tpu.memory_space<vmem>> -> memref<1x80xi32, #tpu.memory_space<vmem>>
      %dma_wait3A_365 = tpu.memref_squeeze %dma_wait3A_364 : memref<1x80xi32, #tpu.memory_space<vmem>> -> memref<80xi32, #tpu.memory_space<vmem>>
      %dma_wait3A_366 = arith.constant 0 : i32
      %dma_wait3A_367 = arith.constant 0 : i32
      %dma_wait3A_368 = tpu.memref_slice %arg8[%dma_wait3A_366, %dma_wait3A_367] : memref<10000x16xf32, #tpu.memory_space<vmem_shared>> -> memref<10000x16xf32, #tpu.memory_space<vmem_shared>>
      tpu.wait_indirect_dma semaphore(%arg9 : memref<!tpu.dma_semaphore, #tpu.memory_space<semaphore_mem>>) src(%arg7 : memref<80x16xf32, #tpu.memory_space<vmem>>) dst(%dma_wait3A_368 : memref<10000x16xf32, #tpu.memory_space<vmem_shared>>)
      %dma_wait3A_369 = arith.constant 0 : i32
      %dma_wait3A_370 = tpu.memref_slice %arg6[%add3A_178, %dma_wait3A_369] : memref<125x80xi32, #tpu.memory_space<vmem>> -> memref<1x80xi32, #tpu.memory_space<vmem>>
      %dma_wait3A_371 = tpu.memref_squeeze %dma_wait3A_370 : memref<1x80xi32, #tpu.memory_space<vmem>> -> memref<80xi32, #tpu.memory_space<vmem>>
      %dma_wait3A_372 = arith.constant 0 : i32
      %dma_wait3A_373 = arith.constant 0 : i32
      %dma_wait3A_374 = tpu.memref_slice %arg8[%dma_wait3A_372, %dma_wait3A_373] : memref<10000x16xf32, #tpu.memory_space<vmem_shared>> -> memref<10000x16xf32, #tpu.memory_space<vmem_shared>>
      tpu.wait_indirect_dma semaphore(%arg9 : memref<!tpu.dma_semaphore, #tpu.memory_space<semaphore_mem>>) src(%arg7 : memref<80x16xf32, #tpu.memory_space<vmem>>) dst(%dma_wait3A_374 : memref<10000x16xf32, #tpu.memory_space<vmem_shared>>)
      %dma_wait3A_375 = arith.constant 0 : i32
      %dma_wait3A_376 = tpu.memref_slice %arg6[%add3A_188, %dma_wait3A_375] : memref<125x80xi32, #tpu.memory_space<vmem>> -> memref<1x80xi32, #tpu.memory_space<vmem>>
      %dma_wait3A_377 = tpu.memref_squeeze %dma_wait3A_376 : memref<1x80xi32, #tpu.memory_space<vmem>> -> memref<80xi32, #tpu.memory_space<vmem>>
      %dma_wait3A_378 = arith.constant 0 : i32
      %dma_wait3A_379 = arith.constant 0 : i32
      %dma_wait3A_380 = tpu.memref_slice %arg8[%dma_wait3A_378, %dma_wait3A_379] : memref<10000x16xf32, #tpu.memory_space<vmem_shared>> -> memref<10000x16xf32, #tpu.memory_space<vmem_shared>>
      tpu.wait_indirect_dma semaphore(%arg9 : memref<!tpu.dma_semaphore, #tpu.memory_space<semaphore_mem>>) src(%arg7 : memref<80x16xf32, #tpu.memory_space<vmem>>) dst(%dma_wait3A_380 : memref<10000x16xf32, #tpu.memory_space<vmem_shared>>)
      %dma_wait3A_381 = arith.constant 0 : i32
      %dma_wait3A_382 = tpu.memref_slice %arg6[%add3A_198, %dma_wait3A_381] : memref<125x80xi32, #tpu.memory_space<vmem>> -> memref<1x80xi32, #tpu.memory_space<vmem>>
      %dma_wait3A_383 = tpu.memref_squeeze %dma_wait3A_382 : memref<1x80xi32, #tpu.memory_space<vmem>> -> memref<80xi32, #tpu.memory_space<vmem>>
      %dma_wait3A_384 = arith.constant 0 : i32
      %dma_wait3A_385 = arith.constant 0 : i32
      %dma_wait3A_386 = tpu.memref_slice %arg8[%dma_wait3A_384, %dma_wait3A_385] : memref<10000x16xf32, #tpu.memory_space<vmem_shared>> -> memref<10000x16xf32, #tpu.memory_space<vmem_shared>>
      tpu.wait_indirect_dma semaphore(%arg9 : memref<!tpu.dma_semaphore, #tpu.memory_space<semaphore_mem>>) src(%arg7 : memref<80x16xf32, #tpu.memory_space<vmem>>) dst(%dma_wait3A_386 : memref<10000x16xf32, #tpu.memory_space<vmem_shared>>)
      %dma_wait3A_387 = arith.constant 0 : i32
      %dma_wait3A_388 = tpu.memref_slice %arg6[%add3A_208, %dma_wait3A_387] : memref<125x80xi32, #tpu.memory_space<vmem>> -> memref<1x80xi32, #tpu.memory_space<vmem>>
      %dma_wait3A_389 = tpu.memref_squeeze %dma_wait3A_388 : memref<1x80xi32, #tpu.memory_space<vmem>> -> memref<80xi32, #tpu.memory_space<vmem>>
      %dma_wait3A_390 = arith.constant 0 : i32
      %dma_wait3A_391 = arith.constant 0 : i32
      %dma_wait3A_392 = tpu.memref_slice %arg8[%dma_wait3A_390, %dma_wait3A_391] : memref<10000x16xf32, #tpu.memory_space<vmem_shared>> -> memref<10000x16xf32, #tpu.memory_space<vmem_shared>>
      tpu.wait_indirect_dma semaphore(%arg9 : memref<!tpu.dma_semaphore, #tpu.memory_space<semaphore_mem>>) src(%arg7 : memref<80x16xf32, #tpu.memory_space<vmem>>) dst(%dma_wait3A_392 : memref<10000x16xf32, #tpu.memory_space<vmem_shared>>)
      %dma_wait3A_393 = arith.constant 0 : i32
      %dma_wait3A_394 = tpu.memref_slice %arg6[%add3A_218, %dma_wait3A_393] : memref<125x80xi32, #tpu.memory_space<vmem>> -> memref<1x80xi32, #tpu.memory_space<vmem>>
      %dma_wait3A_395 = tpu.memref_squeeze %dma_wait3A_394 : memref<1x80xi32, #tpu.memory_space<vmem>> -> memref<80xi32, #tpu.memory_space<vmem>>
      %dma_wait3A_396 = arith.constant 0 : i32
      %dma_wait3A_397 = arith.constant 0 : i32
      %dma_wait3A_398 = tpu.memref_slice %arg8[%dma_wait3A_396, %dma_wait3A_397] : memref<10000x16xf32, #tpu.memory_space<vmem_shared>> -> memref<10000x16xf32, #tpu.memory_space<vmem_shared>>
      tpu.wait_indirect_dma semaphore(%arg9 : memref<!tpu.dma_semaphore, #tpu.memory_space<semaphore_mem>>) src(%arg7 : memref<80x16xf32, #tpu.memory_space<vmem>>) dst(%dma_wait3A_398 : memref<10000x16xf32, #tpu.memory_space<vmem_shared>>)
      %dma_wait3A_399 = arith.constant 0 : i32
      %dma_wait3A_400 = tpu.memref_slice %arg6[%add3A_228, %dma_wait3A_399] : memref<125x80xi32, #tpu.memory_space<vmem>> -> memref<1x80xi32, #tpu.memory_space<vmem>>
      %dma_wait3A_401 = tpu.memref_squeeze %dma_wait3A_400 : memref<1x80xi32, #tpu.memory_space<vmem>> -> memref<80xi32, #tpu.memory_space<vmem>>
      %dma_wait3A_402 = arith.constant 0 : i32
      %dma_wait3A_403 = arith.constant 0 : i32
      %dma_wait3A_404 = tpu.memref_slice %arg8[%dma_wait3A_402, %dma_wait3A_403] : memref<10000x16xf32, #tpu.memory_space<vmem_shared>> -> memref<10000x16xf32, #tpu.memory_space<vmem_shared>>
      tpu.wait_indirect_dma semaphore(%arg9 : memref<!tpu.dma_semaphore, #tpu.memory_space<semaphore_mem>>) src(%arg7 : memref<80x16xf32, #tpu.memory_space<vmem>>) dst(%dma_wait3A_404 : memref<10000x16xf32, #tpu.memory_space<vmem_shared>>)
      %dma_wait3A_405 = arith.constant 0 : i32
      %dma_wait3A_406 = tpu.memref_slice %arg6[%add3A_238, %dma_wait3A_405] : memref<125x80xi32, #tpu.memory_space<vmem>> -> memref<1x80xi32, #tpu.memory_space<vmem>>
      %dma_wait3A_407 = tpu.memref_squeeze %dma_wait3A_406 : memref<1x80xi32, #tpu.memory_space<vmem>> -> memref<80xi32, #tpu.memory_space<vmem>>
      %dma_wait3A_408 = arith.constant 0 : i32
      %dma_wait3A_409 = arith.constant 0 : i32
      %dma_wait3A_410 = tpu.memref_slice %arg8[%dma_wait3A_408, %dma_wait3A_409] : memref<10000x16xf32, #tpu.memory_space<vmem_shared>> -> memref<10000x16xf32, #tpu.memory_space<vmem_shared>>
      tpu.wait_indirect_dma semaphore(%arg9 : memref<!tpu.dma_semaphore, #tpu.memory_space<semaphore_mem>>) src(%arg7 : memref<80x16xf32, #tpu.memory_space<vmem>>) dst(%dma_wait3A_410 : memref<10000x16xf32, #tpu.memory_space<vmem_shared>>)
      %dma_wait3A_411 = arith.constant 0 : i32
      %dma_wait3A_412 = tpu.memref_slice %arg6[%add3A_248, %dma_wait3A_411] : memref<125x80xi32, #tpu.memory_space<vmem>> -> memref<1x80xi32, #tpu.memory_space<vmem>>
      %dma_wait3A_413 = tpu.memref_squeeze %dma_wait3A_412 : memref<1x80xi32, #tpu.memory_space<vmem>> -> memref<80xi32, #tpu.memory_space<vmem>>
      %dma_wait3A_414 = arith.constant 0 : i32
      %dma_wait3A_415 = arith.constant 0 : i32
      %dma_wait3A_416 = tpu.memref_slice %arg8[%dma_wait3A_414, %dma_wait3A_415] : memref<10000x16xf32, #tpu.memory_space<vmem_shared>> -> memref<10000x16xf32, #tpu.memory_space<vmem_shared>>
      tpu.wait_indirect_dma semaphore(%arg9 : memref<!tpu.dma_semaphore, #tpu.memory_space<semaphore_mem>>) src(%arg7 : memref<80x16xf32, #tpu.memory_space<vmem>>) dst(%dma_wait3A_416 : memref<10000x16xf32, #tpu.memory_space<vmem_shared>>)
      %dma_wait3A_417 = arith.constant 0 : i32
      %dma_wait3A_418 = tpu.memref_slice %arg6[%add3A_258, %dma_wait3A_417] : memref<125x80xi32, #tpu.memory_space<vmem>> -> memref<1x80xi32, #tpu.memory_space<vmem>>
      %dma_wait3A_419 = tpu.memref_squeeze %dma_wait3A_418 : memref<1x80xi32, #tpu.memory_space<vmem>> -> memref<80xi32, #tpu.memory_space<vmem>>
      %dma_wait3A_420 = arith.constant 0 : i32
      %dma_wait3A_421 = arith.constant 0 : i32
      %dma_wait3A_422 = tpu.memref_slice %arg8[%dma_wait3A_420, %dma_wait3A_421] : memref<10000x16xf32, #tpu.memory_space<vmem_shared>> -> memref<10000x16xf32, #tpu.memory_space<vmem_shared>>
      tpu.wait_indirect_dma semaphore(%arg9 : memref<!tpu.dma_semaphore, #tpu.memory_space<semaphore_mem>>) src(%arg7 : memref<80x16xf32, #tpu.memory_space<vmem>>) dst(%dma_wait3A_422 : memref<10000x16xf32, #tpu.memory_space<vmem_shared>>)
      %dma_wait3A_423 = arith.constant 0 : i32
      %dma_wait3A_424 = tpu.memref_slice %arg6[%add3A_268, %dma_wait3A_423] : memref<125x80xi32, #tpu.memory_space<vmem>> -> memref<1x80xi32, #tpu.memory_space<vmem>>
      %dma_wait3A_425 = tpu.memref_squeeze %dma_wait3A_424 : memref<1x80xi32, #tpu.memory_space<vmem>> -> memref<80xi32, #tpu.memory_space<vmem>>
      %dma_wait3A_426 = arith.constant 0 : i32
      %dma_wait3A_427 = arith.constant 0 : i32
      %dma_wait3A_428 = tpu.memref_slice %arg8[%dma_wait3A_426, %dma_wait3A_427] : memref<10000x16xf32, #tpu.memory_space<vmem_shared>> -> memref<10000x16xf32, #tpu.memory_space<vmem_shared>>
      tpu.wait_indirect_dma semaphore(%arg9 : memref<!tpu.dma_semaphore, #tpu.memory_space<semaphore_mem>>) src(%arg7 : memref<80x16xf32, #tpu.memory_space<vmem>>) dst(%dma_wait3A_428 : memref<10000x16xf32, #tpu.memory_space<vmem_shared>>)
      %dma_wait3A_429 = arith.constant 0 : i32
      %dma_wait3A_430 = tpu.memref_slice %arg6[%add3A_278, %dma_wait3A_429] : memref<125x80xi32, #tpu.memory_space<vmem>> -> memref<1x80xi32, #tpu.memory_space<vmem>>
      %dma_wait3A_431 = tpu.memref_squeeze %dma_wait3A_430 : memref<1x80xi32, #tpu.memory_space<vmem>> -> memref<80xi32, #tpu.memory_space<vmem>>
      %dma_wait3A_432 = arith.constant 0 : i32
      %dma_wait3A_433 = arith.constant 0 : i32
      %dma_wait3A_434 = tpu.memref_slice %arg8[%dma_wait3A_432, %dma_wait3A_433] : memref<10000x16xf32, #tpu.memory_space<vmem_shared>> -> memref<10000x16xf32, #tpu.memory_space<vmem_shared>>
      tpu.wait_indirect_dma semaphore(%arg9 : memref<!tpu.dma_semaphore, #tpu.memory_space<semaphore_mem>>) src(%arg7 : memref<80x16xf32, #tpu.memory_space<vmem>>) dst(%dma_wait3A_434 : memref<10000x16xf32, #tpu.memory_space<vmem_shared>>)
    }
    %scan3A_24 = arith.constant 5 : i32
    %barrier3A_25 = arith.constant 0 : index
    tpu.barrier barrier_id(%barrier3A_25)
    %mul3A_26 = arith.constant 625 : i32
    %mul3A_27 = arith.muli %arg1, %mul3A_26 : i32
    %mul3A_28 = arith.constant 625 : i32
    %mul3A_29 = arith.muli %arg1, %mul3A_28 : i32
    "tpu.region"() ({
      %run_scoped3A = tpu.sem_alloc : memref<!tpu.dma_semaphore, #tpu.memory_space<semaphore_mem>>
      %dma_start3A_30 = arith.constant 0 : i32
      %dma_start3A_31 = tpu.memref_slice %arg5[%arg0, %mul3A_29, %dma_start3A_30] : memref<2x10000x16xf32, #tpu.memory_space<hbm>> -> memref<1x625x16xf32, #tpu.memory_space<hbm>>
      %dma_start3A_32 = tpu.memref_squeeze %dma_start3A_31 : memref<1x625x16xf32, #tpu.memory_space<hbm>> -> memref<625x16xf32, #tpu.memory_space<hbm>>
      %dma_start3A_33 = arith.constant 0 : i32
      %dma_start3A_34 = tpu.memref_slice %arg8[%mul3A_27, %dma_start3A_33] : memref<10000x16xf32, #tpu.memory_space<vmem_shared>> -> memref<625x16xf32, #tpu.memory_space<vmem_shared>>
      tpu.enqueue_dma source(%dma_start3A_34 : memref<625x16xf32, #tpu.memory_space<vmem_shared>>) target(%dma_start3A_32 : memref<625x16xf32, #tpu.memory_space<hbm>>) target_semaphore(%run_scoped3A : memref<!tpu.dma_semaphore, #tpu.memory_space<semaphore_mem>>)
      %dma_wait3A_35 = arith.constant 0 : i32
      %dma_wait3A_36 = tpu.memref_slice %arg5[%arg0, %mul3A_29, %dma_wait3A_35] : memref<2x10000x16xf32, #tpu.memory_space<hbm>> -> memref<1x625x16xf32, #tpu.memory_space<hbm>>
      %dma_wait3A_37 = tpu.memref_squeeze %dma_wait3A_36 : memref<1x625x16xf32, #tpu.memory_space<hbm>> -> memref<625x16xf32, #tpu.memory_space<hbm>>
      %dma_wait3A_38 = arith.constant 0 : i32
      %dma_wait3A_39 = tpu.memref_slice %arg8[%mul3A_27, %dma_wait3A_38] : memref<10000x16xf32, #tpu.memory_space<vmem_shared>> -> memref<625x16xf32, #tpu.memory_space<vmem_shared>>
      tpu.wait_dma2 semaphore(%run_scoped3A : memref<!tpu.dma_semaphore, #tpu.memory_space<semaphore_mem>>) src(%dma_wait3A_39 : memref<625x16xf32, #tpu.memory_space<vmem_shared>>) dst(%dma_wait3A_37 : memref<625x16xf32, #tpu.memory_space<hbm>>)
      tpu.yield
    }) : () -> ()
    return
  }
}

#map = affine_map<(d0, d1) -> (0, 0)>
#map1 = affine_map<(d0, d1) -> (0, 0, 0)>
module attributes {stable_mosaic.version = 14 : i64} {
  func.func @_sc_scatter(%arg0: i32, %arg1: i32, %arg2: memref<10000x64xf32, #tpu.memory_space<hbm>>, %arg3: memref<32x125x80xi32, #tpu.memory_space<hbm>>, %arg4: memref<32x125x80xi32, #tpu.memory_space<hbm>>, %arg5: memref<625x64xf32, #tpu.memory_space<hbm>>, %arg6: memref<2x10000x64xf32, #tpu.memory_space<hbm>>, %arg7: memref<125x80xi32, #tpu.memory_space<vmem>>, %arg8: memref<125x80xi32, #tpu.memory_space<vmem>>, %arg9: memref<80x64xf32, #tpu.memory_space<vmem>>, %arg10: memref<80x64xf32, #tpu.memory_space<vmem>>, %arg11: memref<80x64xf32, #tpu.memory_space<vmem>>, %arg12: memref<80x64xf32, #tpu.memory_space<vmem>>, %arg13: memref<80x64xf32, #tpu.memory_space<vmem>>, %arg14: memref<10000x64xf32, #tpu.memory_space<vmem_shared>>, %arg15: memref<!tpu.dma_semaphore, #tpu.memory_space<semaphore_mem>>, %arg16: memref<!tpu.dma_semaphore, #tpu.memory_space<semaphore_mem>>, %arg17: memref<!tpu.dma_semaphore, #tpu.memory_space<semaphore_mem>>, %arg18: memref<!tpu.dma_semaphore, #tpu.memory_space<semaphore_mem>>, %arg19: memref<!tpu.dma_semaphore, #tpu.memory_space<semaphore_mem>>) attributes {dimension_semantics = [#tpu.dimension_semantics<core_parallel>, #tpu.dimension_semantics<subcore_parallel>], iteration_bounds = array<i64: 2, 16>, scalar_prefetch = 0 : i64, scratch_operands = 13 : i64, tpu.core_type = #tpu.core_type<sc_vector_subcore>, window_params = [{transform_indices = #map}, {transform_indices = #map1}, {transform_indices = #map1}, {transform_indices = #map}, {transform_indices = #map1}]} {
    %mul3A = arith.constant 16 : i32
    %mul3A_0 = arith.muli %arg0, %mul3A : i32
    %add3A = arith.addi %mul3A_0, %arg1 : i32
    %dma_start3A = arith.constant 0 : i32
    %dma_start3A_1 = arith.constant 0 : i32
    %dma_start3A_2 = tpu.memref_slice %arg3[%add3A, %dma_start3A, %dma_start3A_1] : memref<32x125x80xi32, #tpu.memory_space<hbm>> -> memref<1x125x80xi32, #tpu.memory_space<hbm>>
    %dma_start3A_3 = tpu.memref_squeeze %dma_start3A_2 : memref<1x125x80xi32, #tpu.memory_space<hbm>> -> memref<125x80xi32, #tpu.memory_space<hbm>>
    %dma_start3A_4 = arith.constant 0 : i32
    %dma_start3A_5 = arith.constant 0 : i32
    %dma_start3A_6 = tpu.memref_slice %arg3[%add3A, %dma_start3A_4, %dma_start3A_5] : memref<32x125x80xi32, #tpu.memory_space<hbm>> -> memref<1x125x80xi32, #tpu.memory_space<hbm>>
    %dma_start3A_7 = tpu.memref_squeeze %dma_start3A_6 : memref<1x125x80xi32, #tpu.memory_space<hbm>> -> memref<125x80xi32, #tpu.memory_space<hbm>>
    tpu.enqueue_dma source(%dma_start3A_7 : memref<125x80xi32, #tpu.memory_space<hbm>>) target(%arg7 : memref<125x80xi32, #tpu.memory_space<vmem>>) target_semaphore(%arg15 : memref<!tpu.dma_semaphore, #tpu.memory_space<semaphore_mem>>)
    %dma_start3A_8 = arith.constant 0 : i32
    %dma_start3A_9 = arith.constant 0 : i32
    %dma_start3A_10 = tpu.memref_slice %arg4[%add3A, %dma_start3A_8, %dma_start3A_9] : memref<32x125x80xi32, #tpu.memory_space<hbm>> -> memref<1x125x80xi32, #tpu.memory_space<hbm>>
    %dma_start3A_11 = tpu.memref_squeeze %dma_start3A_10 : memref<1x125x80xi32, #tpu.memory_space<hbm>> -> memref<125x80xi32, #tpu.memory_space<hbm>>
    %dma_start3A_12 = arith.constant 0 : i32
    %dma_start3A_13 = arith.constant 0 : i32
    %dma_start3A_14 = tpu.memref_slice %arg4[%add3A, %dma_start3A_12, %dma_start3A_13] : memref<32x125x80xi32, #tpu.memory_space<hbm>> -> memref<1x125x80xi32, #tpu.memory_space<hbm>>
    %dma_start3A_15 = tpu.memref_squeeze %dma_start3A_14 : memref<1x125x80xi32, #tpu.memory_space<hbm>> -> memref<125x80xi32, #tpu.memory_space<hbm>>
    tpu.enqueue_dma source(%dma_start3A_15 : memref<125x80xi32, #tpu.memory_space<hbm>>) target(%arg8 : memref<125x80xi32, #tpu.memory_space<vmem>>) target_semaphore(%arg16 : memref<!tpu.dma_semaphore, #tpu.memory_space<semaphore_mem>>)
    %mul3A_16 = arith.constant 625 : i32
    %mul3A_17 = arith.muli %arg1, %mul3A_16 : i32
    %dma_start3A_18 = arith.constant 0 : i32
    %dma_start3A_19 = tpu.memref_slice %arg14[%mul3A_17, %dma_start3A_18] : memref<10000x64xf32, #tpu.memory_space<vmem_shared>> -> memref<625x64xf32, #tpu.memory_space<vmem_shared>>
    tpu.enqueue_dma source(%arg5 : memref<625x64xf32, #tpu.memory_space<hbm>>) target(%dma_start3A_19 : memref<625x64xf32, #tpu.memory_space<vmem_shared>>) target_semaphore(%arg17 : memref<!tpu.dma_semaphore, #tpu.memory_space<semaphore_mem>>)
    %dma_wait3A = arith.constant 0 : i32
    %dma_wait3A_20 = arith.constant 0 : i32
    %dma_wait3A_21 = tpu.memref_slice %arg3[%add3A, %dma_wait3A, %dma_wait3A_20] : memref<32x125x80xi32, #tpu.memory_space<hbm>> -> memref<1x125x80xi32, #tpu.memory_space<hbm>>
    %dma_wait3A_22 = tpu.memref_squeeze %dma_wait3A_21 : memref<1x125x80xi32, #tpu.memory_space<hbm>> -> memref<125x80xi32, #tpu.memory_space<hbm>>
    %dma_wait3A_23 = arith.constant 0 : i32
    %dma_wait3A_24 = arith.constant 0 : i32
    %dma_wait3A_25 = tpu.memref_slice %arg3[%add3A, %dma_wait3A_23, %dma_wait3A_24] : memref<32x125x80xi32, #tpu.memory_space<hbm>> -> memref<1x125x80xi32, #tpu.memory_space<hbm>>
    %dma_wait3A_26 = tpu.memref_squeeze %dma_wait3A_25 : memref<1x125x80xi32, #tpu.memory_space<hbm>> -> memref<125x80xi32, #tpu.memory_space<hbm>>
    tpu.wait_dma2 semaphore(%arg15 : memref<!tpu.dma_semaphore, #tpu.memory_space<semaphore_mem>>) src(%dma_wait3A_26 : memref<125x80xi32, #tpu.memory_space<hbm>>) dst(%arg7 : memref<125x80xi32, #tpu.memory_space<vmem>>)
    %dma_wait3A_27 = arith.constant 0 : i32
    %dma_wait3A_28 = arith.constant 0 : i32
    %dma_wait3A_29 = tpu.memref_slice %arg4[%add3A, %dma_wait3A_27, %dma_wait3A_28] : memref<32x125x80xi32, #tpu.memory_space<hbm>> -> memref<1x125x80xi32, #tpu.memory_space<hbm>>
    %dma_wait3A_30 = tpu.memref_squeeze %dma_wait3A_29 : memref<1x125x80xi32, #tpu.memory_space<hbm>> -> memref<125x80xi32, #tpu.memory_space<hbm>>
    %dma_wait3A_31 = arith.constant 0 : i32
    %dma_wait3A_32 = arith.constant 0 : i32
    %dma_wait3A_33 = tpu.memref_slice %arg4[%add3A, %dma_wait3A_31, %dma_wait3A_32] : memref<32x125x80xi32, #tpu.memory_space<hbm>> -> memref<1x125x80xi32, #tpu.memory_space<hbm>>
    %dma_wait3A_34 = tpu.memref_squeeze %dma_wait3A_33 : memref<1x125x80xi32, #tpu.memory_space<hbm>> -> memref<125x80xi32, #tpu.memory_space<hbm>>
    tpu.wait_dma2 semaphore(%arg16 : memref<!tpu.dma_semaphore, #tpu.memory_space<semaphore_mem>>) src(%dma_wait3A_34 : memref<125x80xi32, #tpu.memory_space<hbm>>) dst(%arg8 : memref<125x80xi32, #tpu.memory_space<vmem>>)
    %dma_wait3A_35 = arith.constant 0 : i32
    %dma_wait3A_36 = tpu.memref_slice %arg14[%mul3A_17, %dma_wait3A_35] : memref<10000x64xf32, #tpu.memory_space<vmem_shared>> -> memref<625x64xf32, #tpu.memory_space<vmem_shared>>
    tpu.wait_dma2 semaphore(%arg17 : memref<!tpu.dma_semaphore, #tpu.memory_space<semaphore_mem>>) src(%arg5 : memref<625x64xf32, #tpu.memory_space<hbm>>) dst(%dma_wait3A_36 : memref<625x64xf32, #tpu.memory_space<vmem_shared>>)
    %barrier3A = arith.constant 0 : index
    tpu.barrier barrier_id(%barrier3A)
    %dma_start3A_37 = arith.constant 0 : i32
    %dma_start3A_38 = arith.constant 0 : i32
    %dma_start3A_39 = tpu.memref_slice %arg7[%dma_start3A_37, %dma_start3A_38] : memref<125x80xi32, #tpu.memory_space<vmem>> -> memref<1x80xi32, #tpu.memory_space<vmem>>
    %dma_start3A_40 = tpu.memref_squeeze %dma_start3A_39 : memref<1x80xi32, #tpu.memory_space<vmem>> -> memref<80xi32, #tpu.memory_space<vmem>>
    %dma_start3A_41 = arith.constant 0 : i32
    %dma_start3A_42 = arith.constant 0 : i32
    %dma_start3A_43 = tpu.memref_slice %arg2[%dma_start3A_41, %dma_start3A_42] : memref<10000x64xf32, #tpu.memory_space<hbm>> -> memref<10000x64xf32, #tpu.memory_space<hbm>>
    tpu.enqueue_indirect_dma source(%dma_start3A_43 : memref<10000x64xf32, #tpu.memory_space<hbm>>) target(%arg9 : memref<80x64xf32, #tpu.memory_space<vmem>>) offsets(%dma_start3A_40 : memref<80xi32, #tpu.memory_space<vmem>>) semaphore(%arg15 : memref<!tpu.dma_semaphore, #tpu.memory_space<semaphore_mem>>)
    %dma_start3A_44 = arith.constant 1 : i32
    %dma_start3A_45 = arith.constant 0 : i32
    %dma_start3A_46 = tpu.memref_slice %arg7[%dma_start3A_44, %dma_start3A_45] : memref<125x80xi32, #tpu.memory_space<vmem>> -> memref<1x80xi32, #tpu.memory_space<vmem>>
    %dma_start3A_47 = tpu.memref_squeeze %dma_start3A_46 : memref<1x80xi32, #tpu.memory_space<vmem>> -> memref<80xi32, #tpu.memory_space<vmem>>
    %dma_start3A_48 = arith.constant 0 : i32
    %dma_start3A_49 = arith.constant 0 : i32
    %dma_start3A_50 = tpu.memref_slice %arg2[%dma_start3A_48, %dma_start3A_49] : memref<10000x64xf32, #tpu.memory_space<hbm>> -> memref<10000x64xf32, #tpu.memory_space<hbm>>
    tpu.enqueue_indirect_dma source(%dma_start3A_50 : memref<10000x64xf32, #tpu.memory_space<hbm>>) target(%arg10 : memref<80x64xf32, #tpu.memory_space<vmem>>) offsets(%dma_start3A_47 : memref<80xi32, #tpu.memory_space<vmem>>) semaphore(%arg16 : memref<!tpu.dma_semaphore, #tpu.memory_space<semaphore_mem>>)
    %dma_start3A_51 = arith.constant 2 : i32
    %dma_start3A_52 = arith.constant 0 : i32
    %dma_start3A_53 = tpu.memref_slice %arg7[%dma_start3A_51, %dma_start3A_52] : memref<125x80xi32, #tpu.memory_space<vmem>> -> memref<1x80xi32, #tpu.memory_space<vmem>>
    %dma_start3A_54 = tpu.memref_squeeze %dma_start3A_53 : memref<1x80xi32, #tpu.memory_space<vmem>> -> memref<80xi32, #tpu.memory_space<vmem>>
    %dma_start3A_55 = arith.constant 0 : i32
    %dma_start3A_56 = arith.constant 0 : i32
    %dma_start3A_57 = tpu.memref_slice %arg2[%dma_start3A_55, %dma_start3A_56] : memref<10000x64xf32, #tpu.memory_space<hbm>> -> memref<10000x64xf32, #tpu.memory_space<hbm>>
    tpu.enqueue_indirect_dma source(%dma_start3A_57 : memref<10000x64xf32, #tpu.memory_space<hbm>>) target(%arg11 : memref<80x64xf32, #tpu.memory_space<vmem>>) offsets(%dma_start3A_54 : memref<80xi32, #tpu.memory_space<vmem>>) semaphore(%arg17 : memref<!tpu.dma_semaphore, #tpu.memory_space<semaphore_mem>>)
    %dma_start3A_58 = arith.constant 3 : i32
    %dma_start3A_59 = arith.constant 0 : i32
    %dma_start3A_60 = tpu.memref_slice %arg7[%dma_start3A_58, %dma_start3A_59] : memref<125x80xi32, #tpu.memory_space<vmem>> -> memref<1x80xi32, #tpu.memory_space<vmem>>
    %dma_start3A_61 = tpu.memref_squeeze %dma_start3A_60 : memref<1x80xi32, #tpu.memory_space<vmem>> -> memref<80xi32, #tpu.memory_space<vmem>>
    %dma_start3A_62 = arith.constant 0 : i32
    %dma_start3A_63 = arith.constant 0 : i32
    %dma_start3A_64 = tpu.memref_slice %arg2[%dma_start3A_62, %dma_start3A_63] : memref<10000x64xf32, #tpu.memory_space<hbm>> -> memref<10000x64xf32, #tpu.memory_space<hbm>>
    tpu.enqueue_indirect_dma source(%dma_start3A_64 : memref<10000x64xf32, #tpu.memory_space<hbm>>) target(%arg12 : memref<80x64xf32, #tpu.memory_space<vmem>>) offsets(%dma_start3A_61 : memref<80xi32, #tpu.memory_space<vmem>>) semaphore(%arg18 : memref<!tpu.dma_semaphore, #tpu.memory_space<semaphore_mem>>)
    %dma_start3A_65 = arith.constant 4 : i32
    %dma_start3A_66 = arith.constant 0 : i32
    %dma_start3A_67 = tpu.memref_slice %arg7[%dma_start3A_65, %dma_start3A_66] : memref<125x80xi32, #tpu.memory_space<vmem>> -> memref<1x80xi32, #tpu.memory_space<vmem>>
    %dma_start3A_68 = tpu.memref_squeeze %dma_start3A_67 : memref<1x80xi32, #tpu.memory_space<vmem>> -> memref<80xi32, #tpu.memory_space<vmem>>
    %dma_start3A_69 = arith.constant 0 : i32
    %dma_start3A_70 = arith.constant 0 : i32
    %dma_start3A_71 = tpu.memref_slice %arg2[%dma_start3A_69, %dma_start3A_70] : memref<10000x64xf32, #tpu.memory_space<hbm>> -> memref<10000x64xf32, #tpu.memory_space<hbm>>
    tpu.enqueue_indirect_dma source(%dma_start3A_71 : memref<10000x64xf32, #tpu.memory_space<hbm>>) target(%arg13 : memref<80x64xf32, #tpu.memory_space<vmem>>) offsets(%dma_start3A_68 : memref<80xi32, #tpu.memory_space<vmem>>) semaphore(%arg19 : memref<!tpu.dma_semaphore, #tpu.memory_space<semaphore_mem>>)
    %scan3A = arith.constant 0 : i32
    %scan3A_72 = arith.constant 24 : i32
    %scan3A_73 = arith.addi %scan3A, %scan3A_72 : i32
    %scan3A_74 = arith.constant 1 : i32
    scf.for %scan3A_120 = %scan3A to %scan3A_73 step %scan3A_74  : i32 {
      %mul3A_121 = arith.constant 1 : i32
      %mul3A_122 = arith.muli %scan3A_120, %mul3A_121 : i32
      %add3A_123 = arith.constant 0 : i32
      %add3A_124 = arith.addi %add3A_123, %mul3A_122 : i32
      %mul3A_125 = arith.constant 5 : i32
      %mul3A_126 = arith.muli %add3A_124, %mul3A_125 : i32
      %add3A_127 = arith.constant 0 : i32
      %add3A_128 = arith.addi %mul3A_126, %add3A_127 : i32
      %dma_wait3A_129 = arith.constant 0 : i32
      %dma_wait3A_130 = tpu.memref_slice %arg7[%add3A_128, %dma_wait3A_129] : memref<125x80xi32, #tpu.memory_space<vmem>> -> memref<1x80xi32, #tpu.memory_space<vmem>>
      %dma_wait3A_131 = tpu.memref_squeeze %dma_wait3A_130 : memref<1x80xi32, #tpu.memory_space<vmem>> -> memref<80xi32, #tpu.memory_space<vmem>>
      %dma_wait3A_132 = arith.constant 0 : i32
      %dma_wait3A_133 = arith.constant 0 : i32
      %dma_wait3A_134 = tpu.memref_slice %arg2[%dma_wait3A_132, %dma_wait3A_133] : memref<10000x64xf32, #tpu.memory_space<hbm>> -> memref<10000x64xf32, #tpu.memory_space<hbm>>
      tpu.wait_indirect_dma semaphore(%arg15 : memref<!tpu.dma_semaphore, #tpu.memory_space<semaphore_mem>>) src(%dma_wait3A_134 : memref<10000x64xf32, #tpu.memory_space<hbm>>) dst(%arg9 : memref<80x64xf32, #tpu.memory_space<vmem>>)
      %add3A_135 = arith.constant 0 : i32
      %add3A_136 = arith.addi %mul3A_126, %add3A_135 : i32
      "tpu.region"() ({
        %run_scoped3A_227 = tpu.sem_alloc : memref<!tpu.dma_semaphore, #tpu.memory_space<semaphore_mem>>
        %dma_start3A_228 = arith.constant 0 : i32
        %dma_start3A_229 = tpu.memref_slice %arg8[%add3A_136, %dma_start3A_228] : memref<125x80xi32, #tpu.memory_space<vmem>> -> memref<1x80xi32, #tpu.memory_space<vmem>>
        %dma_start3A_230 = tpu.memref_squeeze %dma_start3A_229 : memref<1x80xi32, #tpu.memory_space<vmem>> -> memref<80xi32, #tpu.memory_space<vmem>>
        %dma_start3A_231 = arith.constant 0 : i32
        %dma_start3A_232 = arith.constant 0 : i32
        %dma_start3A_233 = tpu.memref_slice %arg14[%dma_start3A_231, %dma_start3A_232] : memref<10000x64xf32, #tpu.memory_space<vmem_shared>> -> memref<10000x64xf32, #tpu.memory_space<vmem_shared>>
        tpu.enqueue_indirect_dma source(%arg9 : memref<80x64xf32, #tpu.memory_space<vmem>>) target(%dma_start3A_233 : memref<10000x64xf32, #tpu.memory_space<vmem_shared>>) offsets(%dma_start3A_230 : memref<80xi32, #tpu.memory_space<vmem>>) semaphore(%run_scoped3A_227 : memref<!tpu.dma_semaphore, #tpu.memory_space<semaphore_mem>>) {add = true}
        %dma_wait3A_234 = arith.constant 0 : i32
        %dma_wait3A_235 = tpu.memref_slice %arg8[%add3A_136, %dma_wait3A_234] : memref<125x80xi32, #tpu.memory_space<vmem>> -> memref<1x80xi32, #tpu.memory_space<vmem>>
        %dma_wait3A_236 = tpu.memref_squeeze %dma_wait3A_235 : memref<1x80xi32, #tpu.memory_space<vmem>> -> memref<80xi32, #tpu.memory_space<vmem>>
        %dma_wait3A_237 = arith.constant 0 : i32
        %dma_wait3A_238 = arith.constant 0 : i32
        %dma_wait3A_239 = tpu.memref_slice %arg14[%dma_wait3A_237, %dma_wait3A_238] : memref<10000x64xf32, #tpu.memory_space<vmem_shared>> -> memref<10000x64xf32, #tpu.memory_space<vmem_shared>>
        tpu.wait_indirect_dma semaphore(%run_scoped3A_227 : memref<!tpu.dma_semaphore, #tpu.memory_space<semaphore_mem>>) src(%arg9 : memref<80x64xf32, #tpu.memory_space<vmem>>) dst(%dma_wait3A_239 : memref<10000x64xf32, #tpu.memory_space<vmem_shared>>)
        tpu.yield
      }) : () -> ()
      %add3A_137 = arith.constant 5 : i32
      %add3A_138 = arith.addi %mul3A_126, %add3A_137 : i32
      %add3A_139 = arith.constant 0 : i32
      %add3A_140 = arith.addi %add3A_138, %add3A_139 : i32
      %dma_start3A_141 = arith.constant 0 : i32
      %dma_start3A_142 = tpu.memref_slice %arg7[%add3A_140, %dma_start3A_141] : memref<125x80xi32, #tpu.memory_space<vmem>> -> memref<1x80xi32, #tpu.memory_space<vmem>>
      %dma_start3A_143 = tpu.memref_squeeze %dma_start3A_142 : memref<1x80xi32, #tpu.memory_space<vmem>> -> memref<80xi32, #tpu.memory_space<vmem>>
      %dma_start3A_144 = arith.constant 0 : i32
      %dma_start3A_145 = arith.constant 0 : i32
      %dma_start3A_146 = tpu.memref_slice %arg2[%dma_start3A_144, %dma_start3A_145] : memref<10000x64xf32, #tpu.memory_space<hbm>> -> memref<10000x64xf32, #tpu.memory_space<hbm>>
      tpu.enqueue_indirect_dma source(%dma_start3A_146 : memref<10000x64xf32, #tpu.memory_space<hbm>>) target(%arg9 : memref<80x64xf32, #tpu.memory_space<vmem>>) offsets(%dma_start3A_143 : memref<80xi32, #tpu.memory_space<vmem>>) semaphore(%arg15 : memref<!tpu.dma_semaphore, #tpu.memory_space<semaphore_mem>>)
      %add3A_147 = arith.constant 1 : i32
      %add3A_148 = arith.addi %mul3A_126, %add3A_147 : i32
      %dma_wait3A_149 = arith.constant 0 : i32
      %dma_wait3A_150 = tpu.memref_slice %arg7[%add3A_148, %dma_wait3A_149] : memref<125x80xi32, #tpu.memory_space<vmem>> -> memref<1x80xi32, #tpu.memory_space<vmem>>
      %dma_wait3A_151 = tpu.memref_squeeze %dma_wait3A_150 : memref<1x80xi32, #tpu.memory_space<vmem>> -> memref<80xi32, #tpu.memory_space<vmem>>
      %dma_wait3A_152 = arith.constant 0 : i32
      %dma_wait3A_153 = arith.constant 0 : i32
      %dma_wait3A_154 = tpu.memref_slice %arg2[%dma_wait3A_152, %dma_wait3A_153] : memref<10000x64xf32, #tpu.memory_space<hbm>> -> memref<10000x64xf32, #tpu.memory_space<hbm>>
      tpu.wait_indirect_dma semaphore(%arg16 : memref<!tpu.dma_semaphore, #tpu.memory_space<semaphore_mem>>) src(%dma_wait3A_154 : memref<10000x64xf32, #tpu.memory_space<hbm>>) dst(%arg10 : memref<80x64xf32, #tpu.memory_space<vmem>>)
      %add3A_155 = arith.constant 1 : i32
      %add3A_156 = arith.addi %mul3A_126, %add3A_155 : i32
      "tpu.region"() ({
        %run_scoped3A_227 = tpu.sem_alloc : memref<!tpu.dma_semaphore, #tpu.memory_space<semaphore_mem>>
        %dma_start3A_228 = arith.constant 0 : i32
        %dma_start3A_229 = tpu.memref_slice %arg8[%add3A_156, %dma_start3A_228] : memref<125x80xi32, #tpu.memory_space<vmem>> -> memref<1x80xi32, #tpu.memory_space<vmem>>
        %dma_start3A_230 = tpu.memref_squeeze %dma_start3A_229 : memref<1x80xi32, #tpu.memory_space<vmem>> -> memref<80xi32, #tpu.memory_space<vmem>>
        %dma_start3A_231 = arith.constant 0 : i32
        %dma_start3A_232 = arith.constant 0 : i32
        %dma_start3A_233 = tpu.memref_slice %arg14[%dma_start3A_231, %dma_start3A_232] : memref<10000x64xf32, #tpu.memory_space<vmem_shared>> -> memref<10000x64xf32, #tpu.memory_space<vmem_shared>>
        tpu.enqueue_indirect_dma source(%arg10 : memref<80x64xf32, #tpu.memory_space<vmem>>) target(%dma_start3A_233 : memref<10000x64xf32, #tpu.memory_space<vmem_shared>>) offsets(%dma_start3A_230 : memref<80xi32, #tpu.memory_space<vmem>>) semaphore(%run_scoped3A_227 : memref<!tpu.dma_semaphore, #tpu.memory_space<semaphore_mem>>) {add = true}
        %dma_wait3A_234 = arith.constant 0 : i32
        %dma_wait3A_235 = tpu.memref_slice %arg8[%add3A_156, %dma_wait3A_234] : memref<125x80xi32, #tpu.memory_space<vmem>> -> memref<1x80xi32, #tpu.memory_space<vmem>>
        %dma_wait3A_236 = tpu.memref_squeeze %dma_wait3A_235 : memref<1x80xi32, #tpu.memory_space<vmem>> -> memref<80xi32, #tpu.memory_space<vmem>>
        %dma_wait3A_237 = arith.constant 0 : i32
        %dma_wait3A_238 = arith.constant 0 : i32
        %dma_wait3A_239 = tpu.memref_slice %arg14[%dma_wait3A_237, %dma_wait3A_238] : memref<10000x64xf32, #tpu.memory_space<vmem_shared>> -> memref<10000x64xf32, #tpu.memory_space<vmem_shared>>
        tpu.wait_indirect_dma semaphore(%run_scoped3A_227 : memref<!tpu.dma_semaphore, #tpu.memory_space<semaphore_mem>>) src(%arg10 : memref<80x64xf32, #tpu.memory_space<vmem>>) dst(%dma_wait3A_239 : memref<10000x64xf32, #tpu.memory_space<vmem_shared>>)
        tpu.yield
      }) : () -> ()
      %add3A_157 = arith.constant 5 : i32
      %add3A_158 = arith.addi %mul3A_126, %add3A_157 : i32
      %add3A_159 = arith.constant 1 : i32
      %add3A_160 = arith.addi %add3A_158, %add3A_159 : i32
      %dma_start3A_161 = arith.constant 0 : i32
      %dma_start3A_162 = tpu.memref_slice %arg7[%add3A_160, %dma_start3A_161] : memref<125x80xi32, #tpu.memory_space<vmem>> -> memref<1x80xi32, #tpu.memory_space<vmem>>
      %dma_start3A_163 = tpu.memref_squeeze %dma_start3A_162 : memref<1x80xi32, #tpu.memory_space<vmem>> -> memref<80xi32, #tpu.memory_space<vmem>>
      %dma_start3A_164 = arith.constant 0 : i32
      %dma_start3A_165 = arith.constant 0 : i32
      %dma_start3A_166 = tpu.memref_slice %arg2[%dma_start3A_164, %dma_start3A_165] : memref<10000x64xf32, #tpu.memory_space<hbm>> -> memref<10000x64xf32, #tpu.memory_space<hbm>>
      tpu.enqueue_indirect_dma source(%dma_start3A_166 : memref<10000x64xf32, #tpu.memory_space<hbm>>) target(%arg10 : memref<80x64xf32, #tpu.memory_space<vmem>>) offsets(%dma_start3A_163 : memref<80xi32, #tpu.memory_space<vmem>>) semaphore(%arg16 : memref<!tpu.dma_semaphore, #tpu.memory_space<semaphore_mem>>)
      %add3A_167 = arith.constant 2 : i32
      %add3A_168 = arith.addi %mul3A_126, %add3A_167 : i32
      %dma_wait3A_169 = arith.constant 0 : i32
      %dma_wait3A_170 = tpu.memref_slice %arg7[%add3A_168, %dma_wait3A_169] : memref<125x80xi32, #tpu.memory_space<vmem>> -> memref<1x80xi32, #tpu.memory_space<vmem>>
      %dma_wait3A_171 = tpu.memref_squeeze %dma_wait3A_170 : memref<1x80xi32, #tpu.memory_space<vmem>> -> memref<80xi32, #tpu.memory_space<vmem>>
      %dma_wait3A_172 = arith.constant 0 : i32
      %dma_wait3A_173 = arith.constant 0 : i32
      %dma_wait3A_174 = tpu.memref_slice %arg2[%dma_wait3A_172, %dma_wait3A_173] : memref<10000x64xf32, #tpu.memory_space<hbm>> -> memref<10000x64xf32, #tpu.memory_space<hbm>>
      tpu.wait_indirect_dma semaphore(%arg17 : memref<!tpu.dma_semaphore, #tpu.memory_space<semaphore_mem>>) src(%dma_wait3A_174 : memref<10000x64xf32, #tpu.memory_space<hbm>>) dst(%arg11 : memref<80x64xf32, #tpu.memory_space<vmem>>)
      %add3A_175 = arith.constant 2 : i32
      %add3A_176 = arith.addi %mul3A_126, %add3A_175 : i32
      "tpu.region"() ({
        %run_scoped3A_227 = tpu.sem_alloc : memref<!tpu.dma_semaphore, #tpu.memory_space<semaphore_mem>>
        %dma_start3A_228 = arith.constant 0 : i32
        %dma_start3A_229 = tpu.memref_slice %arg8[%add3A_176, %dma_start3A_228] : memref<125x80xi32, #tpu.memory_space<vmem>> -> memref<1x80xi32, #tpu.memory_space<vmem>>
        %dma_start3A_230 = tpu.memref_squeeze %dma_start3A_229 : memref<1x80xi32, #tpu.memory_space<vmem>> -> memref<80xi32, #tpu.memory_space<vmem>>
        %dma_start3A_231 = arith.constant 0 : i32
        %dma_start3A_232 = arith.constant 0 : i32
        %dma_start3A_233 = tpu.memref_slice %arg14[%dma_start3A_231, %dma_start3A_232] : memref<10000x64xf32, #tpu.memory_space<vmem_shared>> -> memref<10000x64xf32, #tpu.memory_space<vmem_shared>>
        tpu.enqueue_indirect_dma source(%arg11 : memref<80x64xf32, #tpu.memory_space<vmem>>) target(%dma_start3A_233 : memref<10000x64xf32, #tpu.memory_space<vmem_shared>>) offsets(%dma_start3A_230 : memref<80xi32, #tpu.memory_space<vmem>>) semaphore(%run_scoped3A_227 : memref<!tpu.dma_semaphore, #tpu.memory_space<semaphore_mem>>) {add = true}
        %dma_wait3A_234 = arith.constant 0 : i32
        %dma_wait3A_235 = tpu.memref_slice %arg8[%add3A_176, %dma_wait3A_234] : memref<125x80xi32, #tpu.memory_space<vmem>> -> memref<1x80xi32, #tpu.memory_space<vmem>>
        %dma_wait3A_236 = tpu.memref_squeeze %dma_wait3A_235 : memref<1x80xi32, #tpu.memory_space<vmem>> -> memref<80xi32, #tpu.memory_space<vmem>>
        %dma_wait3A_237 = arith.constant 0 : i32
        %dma_wait3A_238 = arith.constant 0 : i32
        %dma_wait3A_239 = tpu.memref_slice %arg14[%dma_wait3A_237, %dma_wait3A_238] : memref<10000x64xf32, #tpu.memory_space<vmem_shared>> -> memref<10000x64xf32, #tpu.memory_space<vmem_shared>>
        tpu.wait_indirect_dma semaphore(%run_scoped3A_227 : memref<!tpu.dma_semaphore, #tpu.memory_space<semaphore_mem>>) src(%arg11 : memref<80x64xf32, #tpu.memory_space<vmem>>) dst(%dma_wait3A_239 : memref<10000x64xf32, #tpu.memory_space<vmem_shared>>)
        tpu.yield
      }) : () -> ()
      %add3A_177 = arith.constant 5 : i32
      %add3A_178 = arith.addi %mul3A_126, %add3A_177 : i32
      %add3A_179 = arith.constant 2 : i32
      %add3A_180 = arith.addi %add3A_178, %add3A_179 : i32
      %dma_start3A_181 = arith.constant 0 : i32
      %dma_start3A_182 = tpu.memref_slice %arg7[%add3A_180, %dma_start3A_181] : memref<125x80xi32, #tpu.memory_space<vmem>> -> memref<1x80xi32, #tpu.memory_space<vmem>>
      %dma_start3A_183 = tpu.memref_squeeze %dma_start3A_182 : memref<1x80xi32, #tpu.memory_space<vmem>> -> memref<80xi32, #tpu.memory_space<vmem>>
      %dma_start3A_184 = arith.constant 0 : i32
      %dma_start3A_185 = arith.constant 0 : i32
      %dma_start3A_186 = tpu.memref_slice %arg2[%dma_start3A_184, %dma_start3A_185] : memref<10000x64xf32, #tpu.memory_space<hbm>> -> memref<10000x64xf32, #tpu.memory_space<hbm>>
      tpu.enqueue_indirect_dma source(%dma_start3A_186 : memref<10000x64xf32, #tpu.memory_space<hbm>>) target(%arg11 : memref<80x64xf32, #tpu.memory_space<vmem>>) offsets(%dma_start3A_183 : memref<80xi32, #tpu.memory_space<vmem>>) semaphore(%arg17 : memref<!tpu.dma_semaphore, #tpu.memory_space<semaphore_mem>>)
      %add3A_187 = arith.constant 3 : i32
      %add3A_188 = arith.addi %mul3A_126, %add3A_187 : i32
      %dma_wait3A_189 = arith.constant 0 : i32
      %dma_wait3A_190 = tpu.memref_slice %arg7[%add3A_188, %dma_wait3A_189] : memref<125x80xi32, #tpu.memory_space<vmem>> -> memref<1x80xi32, #tpu.memory_space<vmem>>
      %dma_wait3A_191 = tpu.memref_squeeze %dma_wait3A_190 : memref<1x80xi32, #tpu.memory_space<vmem>> -> memref<80xi32, #tpu.memory_space<vmem>>
      %dma_wait3A_192 = arith.constant 0 : i32
      %dma_wait3A_193 = arith.constant 0 : i32
      %dma_wait3A_194 = tpu.memref_slice %arg2[%dma_wait3A_192, %dma_wait3A_193] : memref<10000x64xf32, #tpu.memory_space<hbm>> -> memref<10000x64xf32, #tpu.memory_space<hbm>>
      tpu.wait_indirect_dma semaphore(%arg18 : memref<!tpu.dma_semaphore, #tpu.memory_space<semaphore_mem>>) src(%dma_wait3A_194 : memref<10000x64xf32, #tpu.memory_space<hbm>>) dst(%arg12 : memref<80x64xf32, #tpu.memory_space<vmem>>)
      %add3A_195 = arith.constant 3 : i32
      %add3A_196 = arith.addi %mul3A_126, %add3A_195 : i32
      "tpu.region"() ({
        %run_scoped3A_227 = tpu.sem_alloc : memref<!tpu.dma_semaphore, #tpu.memory_space<semaphore_mem>>
        %dma_start3A_228 = arith.constant 0 : i32
        %dma_start3A_229 = tpu.memref_slice %arg8[%add3A_196, %dma_start3A_228] : memref<125x80xi32, #tpu.memory_space<vmem>> -> memref<1x80xi32, #tpu.memory_space<vmem>>
        %dma_start3A_230 = tpu.memref_squeeze %dma_start3A_229 : memref<1x80xi32, #tpu.memory_space<vmem>> -> memref<80xi32, #tpu.memory_space<vmem>>
        %dma_start3A_231 = arith.constant 0 : i32
        %dma_start3A_232 = arith.constant 0 : i32
        %dma_start3A_233 = tpu.memref_slice %arg14[%dma_start3A_231, %dma_start3A_232] : memref<10000x64xf32, #tpu.memory_space<vmem_shared>> -> memref<10000x64xf32, #tpu.memory_space<vmem_shared>>
        tpu.enqueue_indirect_dma source(%arg12 : memref<80x64xf32, #tpu.memory_space<vmem>>) target(%dma_start3A_233 : memref<10000x64xf32, #tpu.memory_space<vmem_shared>>) offsets(%dma_start3A_230 : memref<80xi32, #tpu.memory_space<vmem>>) semaphore(%run_scoped3A_227 : memref<!tpu.dma_semaphore, #tpu.memory_space<semaphore_mem>>) {add = true}
        %dma_wait3A_234 = arith.constant 0 : i32
        %dma_wait3A_235 = tpu.memref_slice %arg8[%add3A_196, %dma_wait3A_234] : memref<125x80xi32, #tpu.memory_space<vmem>> -> memref<1x80xi32, #tpu.memory_space<vmem>>
        %dma_wait3A_236 = tpu.memref_squeeze %dma_wait3A_235 : memref<1x80xi32, #tpu.memory_space<vmem>> -> memref<80xi32, #tpu.memory_space<vmem>>
        %dma_wait3A_237 = arith.constant 0 : i32
        %dma_wait3A_238 = arith.constant 0 : i32
        %dma_wait3A_239 = tpu.memref_slice %arg14[%dma_wait3A_237, %dma_wait3A_238] : memref<10000x64xf32, #tpu.memory_space<vmem_shared>> -> memref<10000x64xf32, #tpu.memory_space<vmem_shared>>
        tpu.wait_indirect_dma semaphore(%run_scoped3A_227 : memref<!tpu.dma_semaphore, #tpu.memory_space<semaphore_mem>>) src(%arg12 : memref<80x64xf32, #tpu.memory_space<vmem>>) dst(%dma_wait3A_239 : memref<10000x64xf32, #tpu.memory_space<vmem_shared>>)
        tpu.yield
      }) : () -> ()
      %add3A_197 = arith.constant 5 : i32
      %add3A_198 = arith.addi %mul3A_126, %add3A_197 : i32
      %add3A_199 = arith.constant 3 : i32
      %add3A_200 = arith.addi %add3A_198, %add3A_199 : i32
      %dma_start3A_201 = arith.constant 0 : i32
      %dma_start3A_202 = tpu.memref_slice %arg7[%add3A_200, %dma_start3A_201] : memref<125x80xi32, #tpu.memory_space<vmem>> -> memref<1x80xi32, #tpu.memory_space<vmem>>
      %dma_start3A_203 = tpu.memref_squeeze %dma_start3A_202 : memref<1x80xi32, #tpu.memory_space<vmem>> -> memref<80xi32, #tpu.memory_space<vmem>>
      %dma_start3A_204 = arith.constant 0 : i32
      %dma_start3A_205 = arith.constant 0 : i32
      %dma_start3A_206 = tpu.memref_slice %arg2[%dma_start3A_204, %dma_start3A_205] : memref<10000x64xf32, #tpu.memory_space<hbm>> -> memref<10000x64xf32, #tpu.memory_space<hbm>>
      tpu.enqueue_indirect_dma source(%dma_start3A_206 : memref<10000x64xf32, #tpu.memory_space<hbm>>) target(%arg12 : memref<80x64xf32, #tpu.memory_space<vmem>>) offsets(%dma_start3A_203 : memref<80xi32, #tpu.memory_space<vmem>>) semaphore(%arg18 : memref<!tpu.dma_semaphore, #tpu.memory_space<semaphore_mem>>)
      %add3A_207 = arith.constant 4 : i32
      %add3A_208 = arith.addi %mul3A_126, %add3A_207 : i32
      %dma_wait3A_209 = arith.constant 0 : i32
      %dma_wait3A_210 = tpu.memref_slice %arg7[%add3A_208, %dma_wait3A_209] : memref<125x80xi32, #tpu.memory_space<vmem>> -> memref<1x80xi32, #tpu.memory_space<vmem>>
      %dma_wait3A_211 = tpu.memref_squeeze %dma_wait3A_210 : memref<1x80xi32, #tpu.memory_space<vmem>> -> memref<80xi32, #tpu.memory_space<vmem>>
      %dma_wait3A_212 = arith.constant 0 : i32
      %dma_wait3A_213 = arith.constant 0 : i32
      %dma_wait3A_214 = tpu.memref_slice %arg2[%dma_wait3A_212, %dma_wait3A_213] : memref<10000x64xf32, #tpu.memory_space<hbm>> -> memref<10000x64xf32, #tpu.memory_space<hbm>>
      tpu.wait_indirect_dma semaphore(%arg19 : memref<!tpu.dma_semaphore, #tpu.memory_space<semaphore_mem>>) src(%dma_wait3A_214 : memref<10000x64xf32, #tpu.memory_space<hbm>>) dst(%arg13 : memref<80x64xf32, #tpu.memory_space<vmem>>)
      %add3A_215 = arith.constant 4 : i32
      %add3A_216 = arith.addi %mul3A_126, %add3A_215 : i32
      "tpu.region"() ({
        %run_scoped3A_227 = tpu.sem_alloc : memref<!tpu.dma_semaphore, #tpu.memory_space<semaphore_mem>>
        %dma_start3A_228 = arith.constant 0 : i32
        %dma_start3A_229 = tpu.memref_slice %arg8[%add3A_216, %dma_start3A_228] : memref<125x80xi32, #tpu.memory_space<vmem>> -> memref<1x80xi32, #tpu.memory_space<vmem>>
        %dma_start3A_230 = tpu.memref_squeeze %dma_start3A_229 : memref<1x80xi32, #tpu.memory_space<vmem>> -> memref<80xi32, #tpu.memory_space<vmem>>
        %dma_start3A_231 = arith.constant 0 : i32
        %dma_start3A_232 = arith.constant 0 : i32
        %dma_start3A_233 = tpu.memref_slice %arg14[%dma_start3A_231, %dma_start3A_232] : memref<10000x64xf32, #tpu.memory_space<vmem_shared>> -> memref<10000x64xf32, #tpu.memory_space<vmem_shared>>
        tpu.enqueue_indirect_dma source(%arg13 : memref<80x64xf32, #tpu.memory_space<vmem>>) target(%dma_start3A_233 : memref<10000x64xf32, #tpu.memory_space<vmem_shared>>) offsets(%dma_start3A_230 : memref<80xi32, #tpu.memory_space<vmem>>) semaphore(%run_scoped3A_227 : memref<!tpu.dma_semaphore, #tpu.memory_space<semaphore_mem>>) {add = true}
        %dma_wait3A_234 = arith.constant 0 : i32
        %dma_wait3A_235 = tpu.memref_slice %arg8[%add3A_216, %dma_wait3A_234] : memref<125x80xi32, #tpu.memory_space<vmem>> -> memref<1x80xi32, #tpu.memory_space<vmem>>
        %dma_wait3A_236 = tpu.memref_squeeze %dma_wait3A_235 : memref<1x80xi32, #tpu.memory_space<vmem>> -> memref<80xi32, #tpu.memory_space<vmem>>
        %dma_wait3A_237 = arith.constant 0 : i32
        %dma_wait3A_238 = arith.constant 0 : i32
        %dma_wait3A_239 = tpu.memref_slice %arg14[%dma_wait3A_237, %dma_wait3A_238] : memref<10000x64xf32, #tpu.memory_space<vmem_shared>> -> memref<10000x64xf32, #tpu.memory_space<vmem_shared>>
        tpu.wait_indirect_dma semaphore(%run_scoped3A_227 : memref<!tpu.dma_semaphore, #tpu.memory_space<semaphore_mem>>) src(%arg13 : memref<80x64xf32, #tpu.memory_space<vmem>>) dst(%dma_wait3A_239 : memref<10000x64xf32, #tpu.memory_space<vmem_shared>>)
        tpu.yield
      }) : () -> ()
      %add3A_217 = arith.constant 5 : i32
      %add3A_218 = arith.addi %mul3A_126, %add3A_217 : i32
      %add3A_219 = arith.constant 4 : i32
      %add3A_220 = arith.addi %add3A_218, %add3A_219 : i32
      %dma_start3A_221 = arith.constant 0 : i32
      %dma_start3A_222 = tpu.memref_slice %arg7[%add3A_220, %dma_start3A_221] : memref<125x80xi32, #tpu.memory_space<vmem>> -> memref<1x80xi32, #tpu.memory_space<vmem>>
      %dma_start3A_223 = tpu.memref_squeeze %dma_start3A_222 : memref<1x80xi32, #tpu.memory_space<vmem>> -> memref<80xi32, #tpu.memory_space<vmem>>
      %dma_start3A_224 = arith.constant 0 : i32
      %dma_start3A_225 = arith.constant 0 : i32
      %dma_start3A_226 = tpu.memref_slice %arg2[%dma_start3A_224, %dma_start3A_225] : memref<10000x64xf32, #tpu.memory_space<hbm>> -> memref<10000x64xf32, #tpu.memory_space<hbm>>
      tpu.enqueue_indirect_dma source(%dma_start3A_226 : memref<10000x64xf32, #tpu.memory_space<hbm>>) target(%arg13 : memref<80x64xf32, #tpu.memory_space<vmem>>) offsets(%dma_start3A_223 : memref<80xi32, #tpu.memory_space<vmem>>) semaphore(%arg19 : memref<!tpu.dma_semaphore, #tpu.memory_space<semaphore_mem>>)
    }
    %scan3A_75 = arith.constant 24 : i32
    %dma_wait3A_76 = arith.constant 120 : i32
    %dma_wait3A_77 = arith.constant 0 : i32
    %dma_wait3A_78 = tpu.memref_slice %arg7[%dma_wait3A_76, %dma_wait3A_77] : memref<125x80xi32, #tpu.memory_space<vmem>> -> memref<1x80xi32, #tpu.memory_space<vmem>>
    %dma_wait3A_79 = tpu.memref_squeeze %dma_wait3A_78 : memref<1x80xi32, #tpu.memory_space<vmem>> -> memref<80xi32, #tpu.memory_space<vmem>>
    %dma_wait3A_80 = arith.constant 0 : i32
    %dma_wait3A_81 = arith.constant 0 : i32
    %dma_wait3A_82 = tpu.memref_slice %arg2[%dma_wait3A_80, %dma_wait3A_81] : memref<10000x64xf32, #tpu.memory_space<hbm>> -> memref<10000x64xf32, #tpu.memory_space<hbm>>
    tpu.wait_indirect_dma semaphore(%arg15 : memref<!tpu.dma_semaphore, #tpu.memory_space<semaphore_mem>>) src(%dma_wait3A_82 : memref<10000x64xf32, #tpu.memory_space<hbm>>) dst(%arg9 : memref<80x64xf32, #tpu.memory_space<vmem>>)
    %run_scoped3A = arith.constant 120 : i32
    "tpu.region"() ({
      %run_scoped3A_120 = tpu.sem_alloc : memref<!tpu.dma_semaphore, #tpu.memory_space<semaphore_mem>>
      %dma_start3A_121 = arith.constant 0 : i32
      %dma_start3A_122 = tpu.memref_slice %arg8[%run_scoped3A, %dma_start3A_121] : memref<125x80xi32, #tpu.memory_space<vmem>> -> memref<1x80xi32, #tpu.memory_space<vmem>>
      %dma_start3A_123 = tpu.memref_squeeze %dma_start3A_122 : memref<1x80xi32, #tpu.memory_space<vmem>> -> memref<80xi32, #tpu.memory_space<vmem>>
      %dma_start3A_124 = arith.constant 0 : i32
      %dma_start3A_125 = arith.constant 0 : i32
      %dma_start3A_126 = tpu.memref_slice %arg14[%dma_start3A_124, %dma_start3A_125] : memref<10000x64xf32, #tpu.memory_space<vmem_shared>> -> memref<10000x64xf32, #tpu.memory_space<vmem_shared>>
      tpu.enqueue_indirect_dma source(%arg9 : memref<80x64xf32, #tpu.memory_space<vmem>>) target(%dma_start3A_126 : memref<10000x64xf32, #tpu.memory_space<vmem_shared>>) offsets(%dma_start3A_123 : memref<80xi32, #tpu.memory_space<vmem>>) semaphore(%run_scoped3A_120 : memref<!tpu.dma_semaphore, #tpu.memory_space<semaphore_mem>>) {add = true}
      %dma_wait3A_127 = arith.constant 0 : i32
      %dma_wait3A_128 = tpu.memref_slice %arg8[%run_scoped3A, %dma_wait3A_127] : memref<125x80xi32, #tpu.memory_space<vmem>> -> memref<1x80xi32, #tpu.memory_space<vmem>>
      %dma_wait3A_129 = tpu.memref_squeeze %dma_wait3A_128 : memref<1x80xi32, #tpu.memory_space<vmem>> -> memref<80xi32, #tpu.memory_space<vmem>>
      %dma_wait3A_130 = arith.constant 0 : i32
      %dma_wait3A_131 = arith.constant 0 : i32
      %dma_wait3A_132 = tpu.memref_slice %arg14[%dma_wait3A_130, %dma_wait3A_131] : memref<10000x64xf32, #tpu.memory_space<vmem_shared>> -> memref<10000x64xf32, #tpu.memory_space<vmem_shared>>
      tpu.wait_indirect_dma semaphore(%run_scoped3A_120 : memref<!tpu.dma_semaphore, #tpu.memory_space<semaphore_mem>>) src(%arg9 : memref<80x64xf32, #tpu.memory_space<vmem>>) dst(%dma_wait3A_132 : memref<10000x64xf32, #tpu.memory_space<vmem_shared>>)
      tpu.yield
    }) : () -> ()
    %dma_wait3A_83 = arith.constant 121 : i32
    %dma_wait3A_84 = arith.constant 0 : i32
    %dma_wait3A_85 = tpu.memref_slice %arg7[%dma_wait3A_83, %dma_wait3A_84] : memref<125x80xi32, #tpu.memory_space<vmem>> -> memref<1x80xi32, #tpu.memory_space<vmem>>
    %dma_wait3A_86 = tpu.memref_squeeze %dma_wait3A_85 : memref<1x80xi32, #tpu.memory_space<vmem>> -> memref<80xi32, #tpu.memory_space<vmem>>
    %dma_wait3A_87 = arith.constant 0 : i32
    %dma_wait3A_88 = arith.constant 0 : i32
    %dma_wait3A_89 = tpu.memref_slice %arg2[%dma_wait3A_87, %dma_wait3A_88] : memref<10000x64xf32, #tpu.memory_space<hbm>> -> memref<10000x64xf32, #tpu.memory_space<hbm>>
    tpu.wait_indirect_dma semaphore(%arg16 : memref<!tpu.dma_semaphore, #tpu.memory_space<semaphore_mem>>) src(%dma_wait3A_89 : memref<10000x64xf32, #tpu.memory_space<hbm>>) dst(%arg10 : memref<80x64xf32, #tpu.memory_space<vmem>>)
    %run_scoped3A_90 = arith.constant 121 : i32
    "tpu.region"() ({
      %run_scoped3A_120 = tpu.sem_alloc : memref<!tpu.dma_semaphore, #tpu.memory_space<semaphore_mem>>
      %dma_start3A_121 = arith.constant 0 : i32
      %dma_start3A_122 = tpu.memref_slice %arg8[%run_scoped3A_90, %dma_start3A_121] : memref<125x80xi32, #tpu.memory_space<vmem>> -> memref<1x80xi32, #tpu.memory_space<vmem>>
      %dma_start3A_123 = tpu.memref_squeeze %dma_start3A_122 : memref<1x80xi32, #tpu.memory_space<vmem>> -> memref<80xi32, #tpu.memory_space<vmem>>
      %dma_start3A_124 = arith.constant 0 : i32
      %dma_start3A_125 = arith.constant 0 : i32
      %dma_start3A_126 = tpu.memref_slice %arg14[%dma_start3A_124, %dma_start3A_125] : memref<10000x64xf32, #tpu.memory_space<vmem_shared>> -> memref<10000x64xf32, #tpu.memory_space<vmem_shared>>
      tpu.enqueue_indirect_dma source(%arg10 : memref<80x64xf32, #tpu.memory_space<vmem>>) target(%dma_start3A_126 : memref<10000x64xf32, #tpu.memory_space<vmem_shared>>) offsets(%dma_start3A_123 : memref<80xi32, #tpu.memory_space<vmem>>) semaphore(%run_scoped3A_120 : memref<!tpu.dma_semaphore, #tpu.memory_space<semaphore_mem>>) {add = true}
      %dma_wait3A_127 = arith.constant 0 : i32
      %dma_wait3A_128 = tpu.memref_slice %arg8[%run_scoped3A_90, %dma_wait3A_127] : memref<125x80xi32, #tpu.memory_space<vmem>> -> memref<1x80xi32, #tpu.memory_space<vmem>>
      %dma_wait3A_129 = tpu.memref_squeeze %dma_wait3A_128 : memref<1x80xi32, #tpu.memory_space<vmem>> -> memref<80xi32, #tpu.memory_space<vmem>>
      %dma_wait3A_130 = arith.constant 0 : i32
      %dma_wait3A_131 = arith.constant 0 : i32
      %dma_wait3A_132 = tpu.memref_slice %arg14[%dma_wait3A_130, %dma_wait3A_131] : memref<10000x64xf32, #tpu.memory_space<vmem_shared>> -> memref<10000x64xf32, #tpu.memory_space<vmem_shared>>
      tpu.wait_indirect_dma semaphore(%run_scoped3A_120 : memref<!tpu.dma_semaphore, #tpu.memory_space<semaphore_mem>>) src(%arg10 : memref<80x64xf32, #tpu.memory_space<vmem>>) dst(%dma_wait3A_132 : memref<10000x64xf32, #tpu.memory_space<vmem_shared>>)
      tpu.yield
    }) : () -> ()
    %dma_wait3A_91 = arith.constant 122 : i32
    %dma_wait3A_92 = arith.constant 0 : i32
    %dma_wait3A_93 = tpu.memref_slice %arg7[%dma_wait3A_91, %dma_wait3A_92] : memref<125x80xi32, #tpu.memory_space<vmem>> -> memref<1x80xi32, #tpu.memory_space<vmem>>
    %dma_wait3A_94 = tpu.memref_squeeze %dma_wait3A_93 : memref<1x80xi32, #tpu.memory_space<vmem>> -> memref<80xi32, #tpu.memory_space<vmem>>
    %dma_wait3A_95 = arith.constant 0 : i32
    %dma_wait3A_96 = arith.constant 0 : i32
    %dma_wait3A_97 = tpu.memref_slice %arg2[%dma_wait3A_95, %dma_wait3A_96] : memref<10000x64xf32, #tpu.memory_space<hbm>> -> memref<10000x64xf32, #tpu.memory_space<hbm>>
    tpu.wait_indirect_dma semaphore(%arg17 : memref<!tpu.dma_semaphore, #tpu.memory_space<semaphore_mem>>) src(%dma_wait3A_97 : memref<10000x64xf32, #tpu.memory_space<hbm>>) dst(%arg11 : memref<80x64xf32, #tpu.memory_space<vmem>>)
    %run_scoped3A_98 = arith.constant 122 : i32
    "tpu.region"() ({
      %run_scoped3A_120 = tpu.sem_alloc : memref<!tpu.dma_semaphore, #tpu.memory_space<semaphore_mem>>
      %dma_start3A_121 = arith.constant 0 : i32
      %dma_start3A_122 = tpu.memref_slice %arg8[%run_scoped3A_98, %dma_start3A_121] : memref<125x80xi32, #tpu.memory_space<vmem>> -> memref<1x80xi32, #tpu.memory_space<vmem>>
      %dma_start3A_123 = tpu.memref_squeeze %dma_start3A_122 : memref<1x80xi32, #tpu.memory_space<vmem>> -> memref<80xi32, #tpu.memory_space<vmem>>
      %dma_start3A_124 = arith.constant 0 : i32
      %dma_start3A_125 = arith.constant 0 : i32
      %dma_start3A_126 = tpu.memref_slice %arg14[%dma_start3A_124, %dma_start3A_125] : memref<10000x64xf32, #tpu.memory_space<vmem_shared>> -> memref<10000x64xf32, #tpu.memory_space<vmem_shared>>
      tpu.enqueue_indirect_dma source(%arg11 : memref<80x64xf32, #tpu.memory_space<vmem>>) target(%dma_start3A_126 : memref<10000x64xf32, #tpu.memory_space<vmem_shared>>) offsets(%dma_start3A_123 : memref<80xi32, #tpu.memory_space<vmem>>) semaphore(%run_scoped3A_120 : memref<!tpu.dma_semaphore, #tpu.memory_space<semaphore_mem>>) {add = true}
      %dma_wait3A_127 = arith.constant 0 : i32
      %dma_wait3A_128 = tpu.memref_slice %arg8[%run_scoped3A_98, %dma_wait3A_127] : memref<125x80xi32, #tpu.memory_space<vmem>> -> memref<1x80xi32, #tpu.memory_space<vmem>>
      %dma_wait3A_129 = tpu.memref_squeeze %dma_wait3A_128 : memref<1x80xi32, #tpu.memory_space<vmem>> -> memref<80xi32, #tpu.memory_space<vmem>>
      %dma_wait3A_130 = arith.constant 0 : i32
      %dma_wait3A_131 = arith.constant 0 : i32
      %dma_wait3A_132 = tpu.memref_slice %arg14[%dma_wait3A_130, %dma_wait3A_131] : memref<10000x64xf32, #tpu.memory_space<vmem_shared>> -> memref<10000x64xf32, #tpu.memory_space<vmem_shared>>
      tpu.wait_indirect_dma semaphore(%run_scoped3A_120 : memref<!tpu.dma_semaphore, #tpu.memory_space<semaphore_mem>>) src(%arg11 : memref<80x64xf32, #tpu.memory_space<vmem>>) dst(%dma_wait3A_132 : memref<10000x64xf32, #tpu.memory_space<vmem_shared>>)
      tpu.yield
    }) : () -> ()
    %dma_wait3A_99 = arith.constant 123 : i32
    %dma_wait3A_100 = arith.constant 0 : i32
    %dma_wait3A_101 = tpu.memref_slice %arg7[%dma_wait3A_99, %dma_wait3A_100] : memref<125x80xi32, #tpu.memory_space<vmem>> -> memref<1x80xi32, #tpu.memory_space<vmem>>
    %dma_wait3A_102 = tpu.memref_squeeze %dma_wait3A_101 : memref<1x80xi32, #tpu.memory_space<vmem>> -> memref<80xi32, #tpu.memory_space<vmem>>
    %dma_wait3A_103 = arith.constant 0 : i32
    %dma_wait3A_104 = arith.constant 0 : i32
    %dma_wait3A_105 = tpu.memref_slice %arg2[%dma_wait3A_103, %dma_wait3A_104] : memref<10000x64xf32, #tpu.memory_space<hbm>> -> memref<10000x64xf32, #tpu.memory_space<hbm>>
    tpu.wait_indirect_dma semaphore(%arg18 : memref<!tpu.dma_semaphore, #tpu.memory_space<semaphore_mem>>) src(%dma_wait3A_105 : memref<10000x64xf32, #tpu.memory_space<hbm>>) dst(%arg12 : memref<80x64xf32, #tpu.memory_space<vmem>>)
    %run_scoped3A_106 = arith.constant 123 : i32
    "tpu.region"() ({
      %run_scoped3A_120 = tpu.sem_alloc : memref<!tpu.dma_semaphore, #tpu.memory_space<semaphore_mem>>
      %dma_start3A_121 = arith.constant 0 : i32
      %dma_start3A_122 = tpu.memref_slice %arg8[%run_scoped3A_106, %dma_start3A_121] : memref<125x80xi32, #tpu.memory_space<vmem>> -> memref<1x80xi32, #tpu.memory_space<vmem>>
      %dma_start3A_123 = tpu.memref_squeeze %dma_start3A_122 : memref<1x80xi32, #tpu.memory_space<vmem>> -> memref<80xi32, #tpu.memory_space<vmem>>
      %dma_start3A_124 = arith.constant 0 : i32
      %dma_start3A_125 = arith.constant 0 : i32
      %dma_start3A_126 = tpu.memref_slice %arg14[%dma_start3A_124, %dma_start3A_125] : memref<10000x64xf32, #tpu.memory_space<vmem_shared>> -> memref<10000x64xf32, #tpu.memory_space<vmem_shared>>
      tpu.enqueue_indirect_dma source(%arg12 : memref<80x64xf32, #tpu.memory_space<vmem>>) target(%dma_start3A_126 : memref<10000x64xf32, #tpu.memory_space<vmem_shared>>) offsets(%dma_start3A_123 : memref<80xi32, #tpu.memory_space<vmem>>) semaphore(%run_scoped3A_120 : memref<!tpu.dma_semaphore, #tpu.memory_space<semaphore_mem>>) {add = true}
      %dma_wait3A_127 = arith.constant 0 : i32
      %dma_wait3A_128 = tpu.memref_slice %arg8[%run_scoped3A_106, %dma_wait3A_127] : memref<125x80xi32, #tpu.memory_space<vmem>> -> memref<1x80xi32, #tpu.memory_space<vmem>>
      %dma_wait3A_129 = tpu.memref_squeeze %dma_wait3A_128 : memref<1x80xi32, #tpu.memory_space<vmem>> -> memref<80xi32, #tpu.memory_space<vmem>>
      %dma_wait3A_130 = arith.constant 0 : i32
      %dma_wait3A_131 = arith.constant 0 : i32
      %dma_wait3A_132 = tpu.memref_slice %arg14[%dma_wait3A_130, %dma_wait3A_131] : memref<10000x64xf32, #tpu.memory_space<vmem_shared>> -> memref<10000x64xf32, #tpu.memory_space<vmem_shared>>
      tpu.wait_indirect_dma semaphore(%run_scoped3A_120 : memref<!tpu.dma_semaphore, #tpu.memory_space<semaphore_mem>>) src(%arg12 : memref<80x64xf32, #tpu.memory_space<vmem>>) dst(%dma_wait3A_132 : memref<10000x64xf32, #tpu.memory_space<vmem_shared>>)
      tpu.yield
    }) : () -> ()
    %dma_wait3A_107 = arith.constant 124 : i32
    %dma_wait3A_108 = arith.constant 0 : i32
    %dma_wait3A_109 = tpu.memref_slice %arg7[%dma_wait3A_107, %dma_wait3A_108] : memref<125x80xi32, #tpu.memory_space<vmem>> -> memref<1x80xi32, #tpu.memory_space<vmem>>
    %dma_wait3A_110 = tpu.memref_squeeze %dma_wait3A_109 : memref<1x80xi32, #tpu.memory_space<vmem>> -> memref<80xi32, #tpu.memory_space<vmem>>
    %dma_wait3A_111 = arith.constant 0 : i32
    %dma_wait3A_112 = arith.constant 0 : i32
    %dma_wait3A_113 = tpu.memref_slice %arg2[%dma_wait3A_111, %dma_wait3A_112] : memref<10000x64xf32, #tpu.memory_space<hbm>> -> memref<10000x64xf32, #tpu.memory_space<hbm>>
    tpu.wait_indirect_dma semaphore(%arg19 : memref<!tpu.dma_semaphore, #tpu.memory_space<semaphore_mem>>) src(%dma_wait3A_113 : memref<10000x64xf32, #tpu.memory_space<hbm>>) dst(%arg13 : memref<80x64xf32, #tpu.memory_space<vmem>>)
    %run_scoped3A_114 = arith.constant 124 : i32
    "tpu.region"() ({
      %run_scoped3A_120 = tpu.sem_alloc : memref<!tpu.dma_semaphore, #tpu.memory_space<semaphore_mem>>
      %dma_start3A_121 = arith.constant 0 : i32
      %dma_start3A_122 = tpu.memref_slice %arg8[%run_scoped3A_114, %dma_start3A_121] : memref<125x80xi32, #tpu.memory_space<vmem>> -> memref<1x80xi32, #tpu.memory_space<vmem>>
      %dma_start3A_123 = tpu.memref_squeeze %dma_start3A_122 : memref<1x80xi32, #tpu.memory_space<vmem>> -> memref<80xi32, #tpu.memory_space<vmem>>
      %dma_start3A_124 = arith.constant 0 : i32
      %dma_start3A_125 = arith.constant 0 : i32
      %dma_start3A_126 = tpu.memref_slice %arg14[%dma_start3A_124, %dma_start3A_125] : memref<10000x64xf32, #tpu.memory_space<vmem_shared>> -> memref<10000x64xf32, #tpu.memory_space<vmem_shared>>
      tpu.enqueue_indirect_dma source(%arg13 : memref<80x64xf32, #tpu.memory_space<vmem>>) target(%dma_start3A_126 : memref<10000x64xf32, #tpu.memory_space<vmem_shared>>) offsets(%dma_start3A_123 : memref<80xi32, #tpu.memory_space<vmem>>) semaphore(%run_scoped3A_120 : memref<!tpu.dma_semaphore, #tpu.memory_space<semaphore_mem>>) {add = true}
      %dma_wait3A_127 = arith.constant 0 : i32
      %dma_wait3A_128 = tpu.memref_slice %arg8[%run_scoped3A_114, %dma_wait3A_127] : memref<125x80xi32, #tpu.memory_space<vmem>> -> memref<1x80xi32, #tpu.memory_space<vmem>>
      %dma_wait3A_129 = tpu.memref_squeeze %dma_wait3A_128 : memref<1x80xi32, #tpu.memory_space<vmem>> -> memref<80xi32, #tpu.memory_space<vmem>>
      %dma_wait3A_130 = arith.constant 0 : i32
      %dma_wait3A_131 = arith.constant 0 : i32
      %dma_wait3A_132 = tpu.memref_slice %arg14[%dma_wait3A_130, %dma_wait3A_131] : memref<10000x64xf32, #tpu.memory_space<vmem_shared>> -> memref<10000x64xf32, #tpu.memory_space<vmem_shared>>
      tpu.wait_indirect_dma semaphore(%run_scoped3A_120 : memref<!tpu.dma_semaphore, #tpu.memory_space<semaphore_mem>>) src(%arg13 : memref<80x64xf32, #tpu.memory_space<vmem>>) dst(%dma_wait3A_132 : memref<10000x64xf32, #tpu.memory_space<vmem_shared>>)
      tpu.yield
    }) : () -> ()
    %barrier3A_115 = arith.constant 0 : index
    tpu.barrier barrier_id(%barrier3A_115)
    %mul3A_116 = arith.constant 625 : i32
    %mul3A_117 = arith.muli %arg1, %mul3A_116 : i32
    %mul3A_118 = arith.constant 625 : i32
    %mul3A_119 = arith.muli %arg1, %mul3A_118 : i32
    "tpu.region"() ({
      %run_scoped3A_120 = tpu.sem_alloc : memref<!tpu.dma_semaphore, #tpu.memory_space<semaphore_mem>>
      %dma_start3A_121 = arith.constant 0 : i32
      %dma_start3A_122 = tpu.memref_slice %arg6[%arg0, %mul3A_119, %dma_start3A_121] : memref<2x10000x64xf32, #tpu.memory_space<hbm>> -> memref<1x625x64xf32, #tpu.memory_space<hbm>>
      %dma_start3A_123 = tpu.memref_squeeze %dma_start3A_122 : memref<1x625x64xf32, #tpu.memory_space<hbm>> -> memref<625x64xf32, #tpu.memory_space<hbm>>
      %dma_start3A_124 = arith.constant 0 : i32
      %dma_start3A_125 = tpu.memref_slice %arg14[%mul3A_117, %dma_start3A_124] : memref<10000x64xf32, #tpu.memory_space<vmem_shared>> -> memref<625x64xf32, #tpu.memory_space<vmem_shared>>
      tpu.enqueue_dma source(%dma_start3A_125 : memref<625x64xf32, #tpu.memory_space<vmem_shared>>) target(%dma_start3A_123 : memref<625x64xf32, #tpu.memory_space<hbm>>) target_semaphore(%run_scoped3A_120 : memref<!tpu.dma_semaphore, #tpu.memory_space<semaphore_mem>>)
      %dma_wait3A_126 = arith.constant 0 : i32
      %dma_wait3A_127 = tpu.memref_slice %arg6[%arg0, %mul3A_119, %dma_wait3A_126] : memref<2x10000x64xf32, #tpu.memory_space<hbm>> -> memref<1x625x64xf32, #tpu.memory_space<hbm>>
      %dma_wait3A_128 = tpu.memref_squeeze %dma_wait3A_127 : memref<1x625x64xf32, #tpu.memory_space<hbm>> -> memref<625x64xf32, #tpu.memory_space<hbm>>
      %dma_wait3A_129 = arith.constant 0 : i32
      %dma_wait3A_130 = tpu.memref_slice %arg14[%mul3A_117, %dma_wait3A_129] : memref<10000x64xf32, #tpu.memory_space<vmem_shared>> -> memref<625x64xf32, #tpu.memory_space<vmem_shared>>
      tpu.wait_dma2 semaphore(%run_scoped3A_120 : memref<!tpu.dma_semaphore, #tpu.memory_space<semaphore_mem>>) src(%dma_wait3A_130 : memref<625x64xf32, #tpu.memory_space<vmem_shared>>) dst(%dma_wait3A_128 : memref<625x64xf32, #tpu.memory_space<hbm>>)
      tpu.yield
    }) : () -> ()
    return
  }
}

module attributes {stable_mosaic.version = 14 : i64} {
  func.func @_tc_mm_scale_body(%arg0: memref<10000x128xf32, #tpu.memory_space<vmem>>, %arg1: memref<128x64xf32, #tpu.memory_space<vmem>>, %arg2: memref<2x10000x16xf32, #tpu.memory_space<vmem>>, %arg3: memref<10000x64xf32, #tpu.memory_space<vmem>>, %arg4: memref<10000x1xf32, #tpu.memory_space<vmem>>) attributes {dimension_semantics = [], scalar_prefetch = 0 : i64, scratch_operands = 0 : i64, tpu.core_type = #tpu.core_type<tc>} {
    %get3A = arith.constant 0 : index
    %get3A_0 = arith.constant 0 : index
    %get3A_1 = arith.constant 0 : index
    %get3A_2 = vector.load %arg2[%get3A, %get3A_0, %get3A_1] : memref<2x10000x16xf32, #tpu.memory_space<vmem>>, vector<1x10000x1xf32>
    %get3A_3 = vector.shape_cast %get3A_2 : vector<1x10000x1xf32> to vector<10000x1xf32>
    %get3A_4 = arith.constant 1 : index
    %get3A_5 = arith.constant 0 : index
    %get3A_6 = arith.constant 0 : index
    %get3A_7 = vector.load %arg2[%get3A_4, %get3A_5, %get3A_6] : memref<2x10000x16xf32, #tpu.memory_space<vmem>>, vector<1x10000x1xf32>
    %get3A_8 = vector.shape_cast %get3A_7 : vector<1x10000x1xf32> to vector<10000x1xf32>
    %add3A = arith.addf %get3A_3, %get3A_8 : vector<10000x1xf32>
    %add3A_9 = arith.constant 1.000000e+00 : f32
    %add3A_10 = vector.broadcast %add3A_9 : f32 to vector<10000x1xf32>
    %add3A_11 = arith.addf %add3A, %add3A_10 : vector<10000x1xf32>
    %max3A = arith.constant 1.000000e+00 : f32
    %max3A_12 = vector.broadcast %max3A : f32 to vector<10000x1xf32>
    %max3A_13 = arith.maximumf %add3A_11, %max3A_12 : vector<10000x1xf32>
    %rsqrt3A = math.rsqrt %max3A_13 : vector<10000x1xf32>
    %swap3A = arith.constant 0 : index
    %swap3A_14 = arith.constant 0 : index
    %swap3A_15 = vector.load %arg4[%swap3A, %swap3A_14] : memref<10000x1xf32, #tpu.memory_space<vmem>>, vector<10000x1xf32>
    tpu.vector_store %arg4[%swap3A, %swap3A_14], %rsqrt3A {strides = array<i32>} : memref<10000x1xf32, #tpu.memory_space<vmem>>, vector<10000x1xf32>,
    %get3A_16 = arith.constant 0 : index
    %get3A_17 = arith.constant 0 : index
    %get3A_18 = vector.load %arg0[%get3A_16, %get3A_17] : memref<10000x128xf32, #tpu.memory_space<vmem>>, vector<10000x128xf32>
    %get3A_19 = arith.constant 0 : index
    %get3A_20 = arith.constant 0 : index
    %get3A_21 = vector.load %arg1[%get3A_19, %get3A_20] : memref<128x64xf32, #tpu.memory_space<vmem>>, vector<128x64xf32>
    %dot_general3A = arith.constant dense<0.000000e+00> : vector<10000x64xf32>
    %dot_general3A_22 = tpu.matmul %get3A_18, %get3A_21, %dot_general3A {dimension_numbers = #tpu.dot_dimension_numbers<[1], [0], [0], [1], [0, 0, 1, 1], [], []>, transpose_lhs_hint = false} : vector<10000x128xf32>, vector<128x64xf32>, vector<10000x64xf32> -> vector<10000x64xf32>
    %mul3A = vector.broadcast %rsqrt3A : vector<10000x1xf32> to vector<10000x64xf32>
    %mul3A_23 = arith.mulf %dot_general3A_22, %mul3A : vector<10000x64xf32>
    %swap3A_24 = arith.constant 0 : index
    %swap3A_25 = arith.constant 0 : index
    %swap3A_26 = vector.load %arg3[%swap3A_24, %swap3A_25] : memref<10000x64xf32, #tpu.memory_space<vmem>>, vector<10000x64xf32>
    tpu.vector_store %arg3[%swap3A_24, %swap3A_25], %mul3A_23 {strides = array<i32>} : memref<10000x64xf32, #tpu.memory_space<vmem>>, vector<10000x64xf32>,
    return
  }
}

module attributes {stable_mosaic.version = 14 : i64} {
  func.func @_tc_mid_body(%arg0: memref<2x10000x64xf32, #tpu.memory_space<vmem>>, %arg1: memref<10000x64xf32, #tpu.memory_space<vmem>>, %arg2: memref<10000x1xf32, #tpu.memory_space<vmem>>, %arg3: memref<1x64xf32, #tpu.memory_space<vmem>>, %arg4: memref<64x64xf32, #tpu.memory_space<vmem>>, %arg5: memref<10000x64xf32, #tpu.memory_space<vmem>>) attributes {dimension_semantics = [], scalar_prefetch = 0 : i64, scratch_operands = 0 : i64, tpu.core_type = #tpu.core_type<tc>} {
    %get3A = arith.constant 0 : index
    %get3A_0 = arith.constant 0 : index
    %get3A_1 = vector.load %arg2[%get3A, %get3A_0] : memref<10000x1xf32, #tpu.memory_space<vmem>>, vector<10000x1xf32>
    %get3A_2 = arith.constant 0 : index
    %get3A_3 = arith.constant 0 : index
    %get3A_4 = arith.constant 0 : index
    %get3A_5 = vector.load %arg0[%get3A_2, %get3A_3, %get3A_4] : memref<2x10000x64xf32, #tpu.memory_space<vmem>>, vector<1x10000x64xf32>
    %get3A_6 = vector.shape_cast %get3A_5 : vector<1x10000x64xf32> to vector<10000x64xf32>
    %get3A_7 = arith.constant 1 : index
    %get3A_8 = arith.constant 0 : index
    %get3A_9 = arith.constant 0 : index
    %get3A_10 = vector.load %arg0[%get3A_7, %get3A_8, %get3A_9] : memref<2x10000x64xf32, #tpu.memory_space<vmem>>, vector<1x10000x64xf32>
    %get3A_11 = vector.shape_cast %get3A_10 : vector<1x10000x64xf32> to vector<10000x64xf32>
    %add3A = arith.addf %get3A_6, %get3A_11 : vector<10000x64xf32>
    %get3A_12 = arith.constant 0 : index
    %get3A_13 = arith.constant 0 : index
    %get3A_14 = vector.load %arg1[%get3A_12, %get3A_13] : memref<10000x64xf32, #tpu.memory_space<vmem>>, vector<10000x64xf32>
    %add3A_15 = arith.addf %add3A, %get3A_14 : vector<10000x64xf32>
    %mul3A = vector.broadcast %get3A_1 : vector<10000x1xf32> to vector<10000x64xf32>
    %mul3A_16 = arith.mulf %add3A_15, %mul3A : vector<10000x64xf32>
    %get3A_17 = arith.constant 0 : index
    %get3A_18 = arith.constant 0 : index
    %get3A_19 = vector.load %arg3[%get3A_17, %get3A_18] : memref<1x64xf32, #tpu.memory_space<vmem>>, vector<1x64xf32>
    %add3A_20 = vector.broadcast %get3A_19 : vector<1x64xf32> to vector<10000x64xf32>
    %add3A_21 = arith.addf %mul3A_16, %add3A_20 : vector<10000x64xf32>
    %max3A = arith.constant 0.000000e+00 : f32
    %max3A_22 = vector.broadcast %max3A : f32 to vector<10000x64xf32>
    %max3A_23 = arith.maximumf %add3A_21, %max3A_22 : vector<10000x64xf32>
    %get3A_24 = arith.constant 0 : index
    %get3A_25 = arith.constant 0 : index
    %get3A_26 = vector.load %arg4[%get3A_24, %get3A_25] : memref<64x64xf32, #tpu.memory_space<vmem>>, vector<64x64xf32>
    %dot_general3A = arith.constant dense<0.000000e+00> : vector<10000x64xf32>
    %dot_general3A_27 = tpu.matmul %max3A_23, %get3A_26, %dot_general3A {dimension_numbers = #tpu.dot_dimension_numbers<[1], [0], [0], [1], [0, 0, 1, 1], [], []>, transpose_lhs_hint = false} : vector<10000x64xf32>, vector<64x64xf32>, vector<10000x64xf32> -> vector<10000x64xf32>
    %mul3A_28 = vector.broadcast %get3A_1 : vector<10000x1xf32> to vector<10000x64xf32>
    %mul3A_29 = arith.mulf %dot_general3A_27, %mul3A_28 : vector<10000x64xf32>
    %swap3A = arith.constant 0 : index
    %swap3A_30 = arith.constant 0 : index
    %swap3A_31 = vector.load %arg5[%swap3A, %swap3A_30] : memref<10000x64xf32, #tpu.memory_space<vmem>>, vector<10000x64xf32>
    tpu.vector_store %arg5[%swap3A, %swap3A_30], %mul3A_29 {strides = array<i32>} : memref<10000x64xf32, #tpu.memory_space<vmem>>, vector<10000x64xf32>,
    return
  }
}

module attributes {stable_mosaic.version = 14 : i64} {
  func.func @_tc_final_body(%arg0: memref<2x10000x64xf32, #tpu.memory_space<vmem>>, %arg1: memref<10000x64xf32, #tpu.memory_space<vmem>>, %arg2: memref<10000x1xf32, #tpu.memory_space<vmem>>, %arg3: memref<1x64xf32, #tpu.memory_space<vmem>>, %arg4: memref<1x10000xi32, #tpu.memory_space<vmem>>, %arg5: memref<64x2xf32, #tpu.memory_space<vmem>>, %arg6: memref<1x2xf32, #tpu.memory_space<vmem>>, %arg7: memref<64x2xf32, #tpu.memory_space<vmem>>) attributes {dimension_semantics = [], scalar_prefetch = 0 : i64, scratch_operands = 0 : i64, tpu.core_type = #tpu.core_type<tc>} {
    %get3A = arith.constant 0 : index
    %get3A_0 = arith.constant 0 : index
    %get3A_1 = arith.constant 0 : index
    %get3A_2 = vector.load %arg0[%get3A, %get3A_0, %get3A_1] : memref<2x10000x64xf32, #tpu.memory_space<vmem>>, vector<1x10000x64xf32>
    %get3A_3 = vector.shape_cast %get3A_2 : vector<1x10000x64xf32> to vector<10000x64xf32>
    %get3A_4 = arith.constant 1 : index
    %get3A_5 = arith.constant 0 : index
    %get3A_6 = arith.constant 0 : index
    %get3A_7 = vector.load %arg0[%get3A_4, %get3A_5, %get3A_6] : memref<2x10000x64xf32, #tpu.memory_space<vmem>>, vector<1x10000x64xf32>
    %get3A_8 = vector.shape_cast %get3A_7 : vector<1x10000x64xf32> to vector<10000x64xf32>
    %add3A = arith.addf %get3A_3, %get3A_8 : vector<10000x64xf32>
    %get3A_9 = arith.constant 0 : index
    %get3A_10 = arith.constant 0 : index
    %get3A_11 = vector.load %arg1[%get3A_9, %get3A_10] : memref<10000x64xf32, #tpu.memory_space<vmem>>, vector<10000x64xf32>
    %add3A_12 = arith.addf %add3A, %get3A_11 : vector<10000x64xf32>
    %get3A_13 = arith.constant 0 : index
    %get3A_14 = arith.constant 0 : index
    %get3A_15 = vector.load %arg2[%get3A_13, %get3A_14] : memref<10000x1xf32, #tpu.memory_space<vmem>>, vector<10000x1xf32>
    %mul3A = vector.broadcast %get3A_15 : vector<10000x1xf32> to vector<10000x64xf32>
    %mul3A_16 = arith.mulf %add3A_12, %mul3A : vector<10000x64xf32>
    %get3A_17 = arith.constant 0 : index
    %get3A_18 = arith.constant 0 : index
    %get3A_19 = vector.load %arg3[%get3A_17, %get3A_18] : memref<1x64xf32, #tpu.memory_space<vmem>>, vector<1x64xf32>
    %add3A_20 = vector.broadcast %get3A_19 : vector<1x64xf32> to vector<10000x64xf32>
    %add3A_21 = arith.addf %mul3A_16, %add3A_20 : vector<10000x64xf32>
    %max3A = arith.constant 0.000000e+00 : f32
    %max3A_22 = vector.broadcast %max3A : f32 to vector<10000x64xf32>
    %max3A_23 = arith.maximumf %add3A_21, %max3A_22 : vector<10000x64xf32>
    %iota3A = tpu.iota {dimensions = array<i32: 0>} : vector<64x10000xi32>
    %get3A_24 = arith.constant 0 : index
    %get3A_25 = arith.constant 0 : index
    %get3A_26 = vector.load %arg4[%get3A_24, %get3A_25] : memref<1x10000xi32, #tpu.memory_space<vmem>>, vector<1x10000xi32>
    %eq3A = vector.broadcast %get3A_26 : vector<1x10000xi32> to vector<64x10000xi32>
    %eq3A_27 = arith.cmpi eq, %eq3A, %iota3A : vector<64x10000xi32>
    %convert_element_type3A = arith.extui %eq3A_27 : vector<64x10000xi1> to vector<64x10000xi32>
    %convert_element_type3A_28 = arith.sitofp %convert_element_type3A : vector<64x10000xi32> to vector<64x10000xf32>
    %dot_general3A = arith.constant dense<0.000000e+00> : vector<64x64xf32>
    %dot_general3A_29 = tpu.matmul %convert_element_type3A_28, %max3A_23, %dot_general3A {dimension_numbers = #tpu.dot_dimension_numbers<[1], [0], [0], [1], [0, 0, 1, 1], [], []>, transpose_lhs_hint = false} : vector<64x10000xf32>, vector<10000x64xf32>, vector<64x64xf32> -> vector<64x64xf32>
    %reduce_sum3A = arith.constant dense<0.000000e+00> : vector<64xf32>
    %reduce_sum3A_30 = vector.multi_reduction <add>, %convert_element_type3A_28, %reduce_sum3A [1] : vector<64x10000xf32> to vector<64xf32>
    %broadcast_in_dim3A = vector.shape_cast %reduce_sum3A_30 : vector<64xf32> to vector<64x1xf32>
    %max3A_31 = arith.constant 1.000000e+00 : f32
    %max3A_32 = vector.broadcast %max3A_31 : f32 to vector<64x1xf32>
    %max3A_33 = arith.maximumf %broadcast_in_dim3A, %max3A_32 : vector<64x1xf32>
    %div3A = vector.broadcast %max3A_33 : vector<64x1xf32> to vector<64x64xf32>
    %div3A_34 = arith.divf %dot_general3A_29, %div3A : vector<64x64xf32>
    %get3A_35 = arith.constant 0 : index
    %get3A_36 = arith.constant 0 : index
    %get3A_37 = vector.load %arg5[%get3A_35, %get3A_36] : memref<64x2xf32, #tpu.memory_space<vmem>>, vector<64x2xf32>
    %dot_general3A_38 = arith.constant dense<0.000000e+00> : vector<64x2xf32>
    %dot_general3A_39 = tpu.matmul %div3A_34, %get3A_37, %dot_general3A_38 {dimension_numbers = #tpu.dot_dimension_numbers<[1], [0], [0], [1], [0, 0, 1, 1], [], []>, transpose_lhs_hint = false} : vector<64x64xf32>, vector<64x2xf32>, vector<64x2xf32> -> vector<64x2xf32>
    %get3A_40 = arith.constant 0 : index
    %get3A_41 = arith.constant 0 : index
    %get3A_42 = vector.load %arg6[%get3A_40, %get3A_41] : memref<1x2xf32, #tpu.memory_space<vmem>>, vector<1x2xf32>
    %add3A_43 = vector.broadcast %get3A_42 : vector<1x2xf32> to vector<64x2xf32>
    %add3A_44 = arith.addf %dot_general3A_39, %add3A_43 : vector<64x2xf32>
    %swap3A = arith.constant 0 : index
    %swap3A_45 = arith.constant 0 : index
    %swap3A_46 = vector.load %arg7[%swap3A, %swap3A_45] : memref<64x2xf32, #tpu.memory_space<vmem>>, vector<64x2xf32>
    tpu.vector_store %arg7[%swap3A, %swap3A_45], %add3A_44 {strides = array<i32>} : memref<64x2xf32, #tpu.memory_space<vmem>>, vector<64x2xf32>,
    return
  }
}

</mosaic_0001>

<sc_bundles>
// kernel: kernel.11.cloned.1.call-start
scs
__scs_entry_jumppad:
0x0: {  	(pc) =	sbr.rel $0x88, $3  }
0x1: {  	(tag) =	ssettag $0x0;
	lr =	simm.s32 $0x1  }
0x2: {  	[smem:$0x3F98] =	sst lr;
	_ =	strace $0xD0000000  }
0x3: {  	_ = 	snop  }
0x4: {  	_ = 	snop  }
0x5: {  	_ = 	snop  }
0x6: {  	_ = 	snop  }
0x7: {  	_ = 	snop  }
__scs_overlays_trampoline_lowered:
0x8: {  	[smem:$0x3FA7] =	sst s0  }
0x9: {  	[smem:$0x3FA8] =	sst s1  }
0xa: {  	[smem:$0x3FA9] =	sst s2  }
0xb: {  	[smem:$0x3FAA] =	sst s3  }
0xc: {  	[smem:$0x3FAB] =	sst s4  }
0xd: {  	[smem:$0x3FAC] =	sst s5  }
0xe: {  	[smem:$0x3FAD] =	sst s6  }
0xf: {  	[smem:$0x3FAE] =	sst s7  }
0x10: {  	[smem:$0x3FAF] =	sst s8  }
0x11: {  	[smem:$0x3FB0] =	sst s9;
	s0 =	simm.s32 @!p0 $0x0  }
0x12: {  	s1 =	sld [smem:$0x3F96];
	s0 =	simm.s32 @p0 $0x1  }
0x13: {  	[smem:$0x3FB1] =	sst s0;
	s0 =	simm.s32 @!p1 $0x0  }
0x14: {  	s2 =	sld [smem:$0x3F95];
	s0 =	simm.s32 @p1 $0x1  }
0x15: {  	[smem:$0x3FB2] =	sst s0;
	s0 =	simm.s32 @!p2 $0x0  }
0x16: {  	s3 =	sld [smem:$0x3FDB];
	s0 =	simm.s32 @p2 $0x1  }
0x17: {  	s4 =	simm.s32 $0x1BF5;
	[smem:$0x3FB4] =	sst s0  }
0x18: {  	s0 =	sld [smem:$0x3F97];
	_ =	swait.ge [sflag:s4], $0x0  }
0x19: {  	s7 =	sld [smem:$0x3F98]  }
0x1a: {  	s8 =	sadd.s32 $0xFFFFE003, lr  }
0x1b: {  	s9 =	sadd.s32 $0xFFFFFEF7, lr;
	s5 =	simm.s32 $0xFFFFFFFF;
	p2 =	slt.u32 s8, $0xFFFFF086  }
0x1c: {  	p1 =	slt.u32 s9, $0xF7A;
	s5 =	simm.s32 @!p2 $0x0  }
0x1d: {  	s5 =	simm.s32 @p1 $0x1;
	p0 =	seq.s32 s7, s2  }
0x1e: {  	s7 =	smul.u32 @!p0 $0xF7A, s2;
	p2 =	seq.s32 @!p0 s5, $0x0  }
0x1f: {  	s9 =	smul.u32 $0xF7A, s1;
	s8 =	simm.s32 @!p0 $0x1BF5;
	p2 =	por !p2, p0  }
0x20: {  	[sflag:s8] =	ssyncset.s32 @!p0 $0xFFFFF086;
	s6 =	sadd.s32 @!p0 s3, s7;
	s7 =	simm.s32 @!p0 $0x108  }
0x21: {  	s3 =	sadd.s32 s3, s9;
	s6 =	sadd.s32 @!p0 $0x88, s6;
	s7 =	simm.s32 @p2 $0x1082  }
0x22: {  	[simem:s7], [sflag:s8] =	dma.local @!p0 [hbm:s6], $0xF7A  }
0x23: {  	s9 =	sor.u32 $0xD0000000, s2;
	s6 =	simm.s32 $0x108;
	_ =	swait.ge @!p0 [sflag:s8], $0x0  }
0x24: {  	s3 =	sadd.s32 $0x88, s3;
	s6 =	simm.s32 @!p1 $0x1082;
	[sflag:s4] =	ssyncset.s32 $0xFFFFF086  }
0x25: {  	[simem:s6], [sflag:s4] =	dma.local [hbm:s3], $0xF7A  }
0x26: {  	[smem:$0x3F98] =	sst s1;
	(tag) =	ssettag s2;
	_ =	strace s9  }
0x27: {  	s1 =	sld [smem:$0x3FA8]  }
0x28: {  	s2 =	sld [smem:$0x3FA9]  }
0x29: {  	s4 =	sld [smem:$0x3FAB]  }
0x2a: {  	p0 =	seq.s32 s5, $0x0;
	s5 =	sld [smem:$0x3FAC]  }
0x2b: {  	s6 =	sld [smem:$0x3FAD]  }
0x2c: {  	s7 =	sld [smem:$0x3FAE]  }
0x2d: {  	s3 =	simm.s32 $0x108;
	s8 =	sld [smem:$0x3FAF]  }
0x2e: {  	s3 =	simm.s32 @!p0 $0x1082;
	s9 =	sld [smem:$0x3FB0]  }
0x2f: {  	lr =	sadd.s32 s0, s3;
	s0 =	sld [smem:$0x3FA7]  }
0x30: {  	s3 =	sld [smem:$0x3FAA]  }
0x31: {  	[smem:$0x3FB3] =	sst s10  }
0x32: {  	s10 =	sld [smem:$0x3FB1];
	_ =	sdelay $0x3  }
0x33: {  	p0 =	seq.s32 s10, $0x1;
	s10 =	sld [smem:$0x3FB3];
	_ =	sdelay $0x3  }
0x34: {  	[smem:$0x3FB3] =	sst s10  }
0x35: {  	s10 =	sld [smem:$0x3FB2];
	_ =	sdelay $0x3  }
0x36: {  	p1 =	seq.s32 s10, $0x1;
	s10 =	sld [smem:$0x3FB3];
	_ =	sdelay $0x3  }
0x37: {  	[smem:$0x3FB3] =	sst s10  }
0x38: {  	s10 =	sld [smem:$0x3FB4]  }
0x39: {  	_ = 	snop;
	(pc) =	sbr.ind lr, $3  }
0x3a: {  	_ = 	snop  }
0x3b: {  	_ = 	snop  }
0x3c: {  	p2 =	seq.s32 s10, $0x1;
	s10 =	sld [smem:$0x3FB3]  }
0x3d: {  	_ =	shalt  }
0x3e: {  	_ =	shalt  }
0x3f: {  	_ =	shalt  }
0x40: {  	_ =	shalt  }
0x41: {  	_ =	shalt  }
0x42: {  	_ =	shalt  }
0x43: {  	_ =	shalt  }
0x44: {  	_ =	shalt  }
0x45: {  	_ =	shalt  }
0x46: {  	_ =	shalt  }
0x47: {  	_ =	shalt  }
0x48: {  	_ =	shalt  }
0x49: {  	_ =	shalt  }
0x4a: {  	_ =	shalt  }
0x4b: {  	_ =	shalt  }
0x4c: {  	_ =	shalt  }
0x4d: {  	_ =	shalt  }
0x4e: {  	_ =	shalt  }
0x4f: {  	_ =	shalt  }
0x50: {  	_ =	shalt  }
0x51: {  	_ =	shalt  }
0x52: {  	_ =	shalt  }
0x53: {  	_ =	shalt  }
0x54: {  	_ =	shalt  }
0x55: {  	_ =	shalt  }
0x56: {  	_ =	shalt  }
0x57: {  	_ =	shalt  }
0x58: {  	_ =	shalt  }
0x59: {  	_ =	shalt  }
0x5a: {  	_ =	shalt  }
0x5b: {  	_ =	shalt  }
0x5c: {  	_ =	shalt  }
0x5d: {  	_ =	shalt  }
0x5e: {  	_ =	shalt  }
0x5f: {  	_ =	shalt  }
0x60: {  	_ =	shalt  }
0x61: {  	_ =	shalt  }
0x62: {  	_ =	shalt  }
0x63: {  	_ =	shalt  }
0x64: {  	_ =	shalt  }
0x65: {  	_ =	shalt  }
0x66: {  	_ =	shalt  }
0x67: {  	_ =	shalt  }
0x68: {  	_ =	shalt  }
0x69: {  	_ =	shalt  }
0x6a: {  	_ =	shalt  }
0x6b: {  	_ =	shalt  }
0x6c: {  	_ =	shalt  }
0x6d: {  	_ =	shalt  }
0x6e: {  	_ =	shalt  }
0x6f: {  	_ =	shalt  }
0x70: {  	_ =	shalt  }
0x71: {  	_ =	shalt  }
0x72: {  	_ =	shalt  }
0x73: {  	_ =	shalt  }
0x74: {  	_ =	shalt  }
0x75: {  	_ =	shalt  }
0x76: {  	_ =	shalt  }
0x77: {  	_ =	shalt  }
0x78: {  	_ =	shalt  }
0x79: {  	_ =	shalt  }
0x7a: {  	_ =	shalt  }
0x7b: {  	_ =	shalt  }
0x7c: {  	_ =	shalt  }
0x7d: {  	_ =	shalt  }
0x7e: {  	_ =	shalt  }
0x7f: {  	_ =	shalt  }
0x80: {  	_ =	shalt  }
0x81: {  	_ =	shalt  }
0x82: {  	_ =	shalt  }
0x83: {  	_ =	shalt  }
0x84: {  	_ =	shalt  }
0x85: {  	_ =	shalt  }
0x86: {  	_ =	shalt  }
0x87: {  	_ =	shalt  }
.Lfunc_end0:
.L_simem_size_0:
called_computation.1_lowered:
.L_overlay_start_0:
0x88: {  	s2 =	sld [smem:$0x3FD9]  }
0x89: {  	s3 =	sld [smem:$0x3FFE];
	_ =	sdelay $0x1  }
0x8a: {  	s1 =	srdreg.scid  }
0x8b: {  	s0 =	sand.u32 $0x1, s1  }
0x8c: {  	s16 =	sshll.u32 s0, $0xA;
	s2 =	sadd.s32 s3, s2  }
0x8d: {  	s2 =	sadd.s32 s2, s16  }
0x8e: {  	[smem:$0x3FBF] =	sst s2  }
0x8f: {  	_ = 	snop  }
0x90: {  	(tm) =	ssettm $0x1  }
0x91: {  	s17 =	sld [smem:$0x3FFB];
	_ =	sdelay $0x3  }
0x92: {  	_ =	strace s17  }
0x93: {  	s2 =	sld [smem:$0x3FFC];
	_ =	sdelay $0x3  }
0x94: {  	_ =	strace s2  }
0x95: {  	s2 =	sld [smem:$0x3FFD];
	_ =	sdelay $0x3  }
0x96: {  	_ =	strace s2  }
0x97: {  	_ =	strace $0x8FFFFFFF  }
0x98: {  	s18 =	sld [smem:$0x3FDB];
	_ =	sdelay $0x1  }
0x99: {  	s19 =	simm.s32 $_scs_section_size  }
0x9a: {  	s4 =	simm.s32 $_size__tile_overlayer_lowered;
	s5 =	simm.s32 $_tile_overlayer_lowered  }
0x9b: {  	s22 =	simm.s32 $0x1BFF;
	s21 =	sshll.u32 s5, $0x1;
	s2 =	sadd.s32 s19, s18  }
0x9c: {  	s6 =	simm.s32 $0x0;
	s20 =	sshll.u32 s4, $0x1;
	s4 =	sadd.s32 s21, s2  }
0x9d: {  	[timem:s6], [sflag:s22] =	dma.local [hbm:s4], s20  }
0x9e: {  	_ =	swait.ge [sflag:s22], s20  }
0x9f: {  	s3 =	ssub.s32 $0x0, s20;
	[sflag:s22] =	ssyncset.done $0x0  }
0xa0: {  	[sflag:s22] =	ssyncadd.s32 s3;
	_ =	sdelay $0x1  }
0xa1: {  	s23 =	simm.s32 $0x1B8B  }
0xa2: {  	_ =	swait.ge [sflag:s23], $0x1  }
0xa3: {  	[sflag:s23] =	ssyncset.done $0x0  }
0xa4: {  	s25 =	simm.s32 $0x1B8E;
	s24 =	sld [smem:$0x3FFE];
	[sflag:s23] =	ssyncadd.s32 $0xFFFFFFFF  }
0xa5: {  	s26 =	simm.s32 $execute0_lowered;
	[smem:$0x3FD2] =	sst s25  }
0xa6: {  	s4 =	sshll.u32 s26, $0x1;
	_ =	strace $0x80000049;
	[dreg:$0x1] =	wrdreg $0xFFFFFFFF  }
0xa7: {  	s28 =	simm.s32 $_size_execute0_lowered;
	s2 =	sadd.s32 s2, s4;
	[dreg:$0x0] =	wrdreg $0x0  }
0xa8: {  	s4 =	sshll.u32 s28, $0x1;
	[dreg:$0x2] =	wrdreg s2  }
0xa9: {  	[dreg:$0x3] =	wrdreg s4  }
0xaa: {  	[dreg:$0x4] =	wrdreg $0xC0  }
0xab: {  	_ =	task [dreg:s6], $0x5FFFF  }
0xac: {  	[dreg:$0x1] =	wrdreg $0xFFFFFFFF  }
0xad: {  	[dreg:$0x0] =	wrdreg $0x60  }
0xae: {  	[dreg:$0x2] =	wrdreg s24  }
0xaf: {  	[dreg:$0x3] =	wrdreg $0xB2200  }
0xb0: {  	[dreg:$0x4] =	wrdreg $0x9  }
0xb1: {  	_ =	task.clear_ibuf [dreg:s6], $0x5FFFF;
	_ =	strace $0x90000049  }
0xb2: {  	s29 =	simm.s32 $0x9;
	_ =	strace $0x8000004B  }
0xb3: {  	_ =	swait.ge [sflag:s29], $0x1  }
0xb4: {  	[sflag:s29] =	ssyncadd.s32 $0xFFFFFFFF  }
0xb5: {  	_ =	strace $0x9000004B  }
0xb6: {  	_ =	sfence  }
0xb7: {  	s30 =	sld [smem:$0x0];
	_ =	sdelay $0x2  }
0xb8: {  	s31 =	sshll.u32 s1, $0xD;
	s1 =	sshrl.u32 s1, $0x2  }
0xb9: {  	s3 =	sand.u32 $0x4000, s31;
	s1 =	sadd.s32 s1, s30  }
0xba: {  	s0 =	sor.u32 s3, s0;
	s1 =	sshll.u32 s1, $0x11  }
0xbb: {  	s0 =	sor.u32 s1, s0  }
0xbc: {  	s0 =	sadd.s32 $0x8F2B, s0  }
0xbd: {  	[sflag:s0] =	ssyncadd.remote.s32 $0x1  }
0xbe: {  	_ =	sfence.sel $0xFFFF  }
0xbf: {  	[dreg:$0x0] =	wrdreg $0xFFFFFFFF;
	(pc) =	sbr.abs _section_cstart, $3  }
0xc0: {  	[dreg:$0x1] =	wrdreg $0xFFFFFFFF  }
0xc1: {  	_ =	task.clear_ibuf [dreg:s6], $0x2FFFF;
	_ =	strace $0x9FFFFFFF  }
0xc2: {  	(tm) =	ssettm $0x7FFFFFFF  }
0xc3: {  	_ =	shalt  }
tec
execute0_lowered:
.L_overlay_start_1:
0x0: {  	(tag) =	ssettag $0x1  }
0x1: {  	s0 =	rddreg [dreg:$0x0]  }
0x2: {  	s2 =	rddreg [dreg:$0x1]  }
0x3: {  	s1 =	srdreg.scid;
	s10 =	stileid.u32;
	s3 =	simm.s32 $0x0  }
0x4: {  	s14 =	simm.s32 $0x1;
	s15 =	simm.s32 $0x2;
	s16 =	simm.s32 $0x3  }
0x5: {  	s17 =	simm.s32 $0x50;
	s18 =	simm.s32 $0x4E20;
	s19 =	simm.s32 $0x6220  }
0x6: {  	s21 =	simm.s32 $0x7620;
	s23 =	simm.s32 $0x8A20;
	s25 =	simm.s32 $0x9E20  }
0x7: {  	s26 =	simm.s32 $0x6;
	s28 =	simm.s32 $0x4;
	s29 =	simm.s32 $0x5  }
0x8: {  	s31 =	simm.s32 $0x4CE0;
	s20 =	simm.s32 $0x0;
	s1 =	sand.u32 $0x1, s1  }
0x9: {  	s9 =	smul.u32 $0x9C40, s10;
	[smem:$0x7FF] =	sst s3;
	s4 =	sshll.u32 s1, $0x4  }
0xa: {  	s5 =	smul.u32 $0x9C400, s1;
	_ =	strace $0x8000004A;
	s1 =	ssub.s32 $0x2, s1  }
0xb: {  	s4 =	sor.u32 s10, s4;
	s8 =	sshrl.u32 s1, $0x1;
	s12 =	sadd.s32 s9, s2  }
0xc: {  	s6 =	smul.u32 $0x4E2, s4;
	s4 =	sadd.s32 $0x15800, s0;
	s5 =	sadd.s32 s9, s5  }
0xd: {  	s1 =	ssub.s32 s1, s8;
	s8 =	sshll.u32 s10, $0x6;
	s13 =	sshrl.u32 s12, $0x3  }
0xe: {  	s12 =	simm.s32 $0x4DD0;
	s30 =	sshrl.u32 s5, $0x3;
	s5 =	sadd.s32 $0x29200, s0  }
0xf: {  	s9 =	sor.u32 $0x1C03, s8;
	s11 =	smax.u32 s1, $0x1;
	s7 =	sadd.s32 s6, s0  }
0x10: {  	s1 =	simm.s32 $0x4D80;
	s0 =	sadd.s32 s30, s0;
	s6 =	sadd.s32 $0x1C00, s7  }
0x11: {  	s7 =	sadd.s32 $0xBA00, s7;
	s10 =	sadd.s32 $0x2A600, s0;
	s0 =	simm.s32 $0x4D30  }
.LBB2_1:
0x12: {  	[tilespmem:s3], [sflag:$0x1] =	stream.linear.gather [hbm4b:s6+s3], $0x2710, $0x38;
	[tilespmem:$0x14E60] =	vst v63  }
0x13: {  	s22 =	simm.s32 $0x2710  }
0x14: {  	[tilespmem:s22], [sflag:$0x2] =	stream.linear.gather [hbm4b:s7+s3], $0x2710, $0x38;
	[tilespmem:$0x14E60] =	vst v63  }
0x15: {  	[spmem:s13], [sflag:s9] =	dma.local [hbm:s5], $0x1388  }
0x16: {  	_ =	swait.ge [sflag:s14], $0x2710  }
0x17: {  	[sflag:s14] =	ssyncset.done $0x0  }
0x18: {  	[sflag:s14] =	ssyncadd.s32 $0xFFFFD8F0  }
0x19: {  	_ =	swait.ge [sflag:s15], $0x2710  }
0x1a: {  	[sflag:s15] =	ssyncset.done $0x0  }
0x1b: {  	[sflag:s15] =	ssyncadd.s32 $0xFFFFD8F0  }
0x1c: {  	_ =	swait.ge [sflag:s16], $0x1388  }
0x1d: {  	[sflag:s16] =	ssyncset.done $0x0  }
0x1e: {  	[sflag:s16] =	ssyncadd.s32 $0xFFFFEC78  }
0x1f: {  	[bflag:$0x0] =	sbarrier.arrive $0xFFFF  }
0x20: {  	[tilespmem:s18], [sflag:$0x1] =	stream.indirect.gather [hbm4b:s4+s17], $0x40, s3, s17, $0xb8;
	[tilespmem:$0x14E60] =	vst v63  }
0x21: {  	_ = 	snop  }
0x22: {  	[tilespmem:s19], [sflag:$0x2] =	stream.indirect.gather [hbm4b:s4+s17], $0x40, s17, s17, $0xb8;
	[tilespmem:$0x14E60] =	vst v63  }
0x23: {  	s24 =	simm.s32 $0xA0  }
0x24: {  	[tilespmem:s21], [sflag:$0x3] =	stream.indirect.gather [hbm4b:s4+s17], $0x40, s24, s17, $0xb8;
	[tilespmem:$0x14E60] =	vst v63  }
0x25: {  	s30 =	simm.s32 $0xF0  }
0x26: {  	[tilespmem:s23], [sflag:$0x4] =	stream.indirect.gather [hbm4b:s4+s17], $0x40, s30, s17, $0xb8;
	[tilespmem:$0x14E60] =	vst v63  }
0x27: {  	s24 =	simm.s32 $0x140  }
0x28: {  	[tilespmem:s25], [sflag:$0x5] =	stream.indirect.gather [hbm4b:s4+s17], $0x40, s24, s17, $0xb8;
	[tilespmem:$0x14E60] =	vst v63  }
0x29: {  	_ =	swait.ge [sflag:s14], $0x1400  }
0x2a: {  	[sflag:s14] =	ssyncset.done $0x0  }
0x2b: {  	s30 =	simm.s32 $0x2710;
	[sflag:s14] =	ssyncadd.s32 $0xFFFFEC00  }
0x2c: {  	[spmem:s2] =	stream.indirect.scatter.add.f32 [tilespmem:s18], [sflag:$0x6], $0x40, s30, s17, $0xb8;
	[tilespmem:$0x14E60] =	vst v63  }
0x2d: {  	_ =	swait.ge [sflag:s26], $0x1400  }
0x2e: {  	[sflag:s26] =	ssyncset.done $0x0  }
0x2f: {  	s24 =	simm.s32 $0x190;
	[sflag:s26] =	ssyncadd.s32 $0xFFFFEC00  }
0x30: {  	[tilespmem:s18], [sflag:$0x1] =	stream.indirect.gather [hbm4b:s4+s17], $0x40, s24, s17, $0xb8;
	[tilespmem:$0x14E60] =	vst v63  }
0x31: {  	_ =	swait.ge [sflag:s15], $0x1400  }
0x32: {  	[sflag:s15] =	ssyncset.done $0x0  }
0x33: {  	s30 =	simm.s32 $0x2760;
	[sflag:s15] =	ssyncadd.s32 $0xFFFFEC00  }
0x34: {  	[spmem:s2] =	stream.indirect.scatter.add.f32 [tilespmem:s19], [sflag:$0x6], $0x40, s30, s17, $0xb8;
	[tilespmem:$0x14E60] =	vst v63  }
0x35: {  	_ =	swait.ge [sflag:s26], $0x1400  }
0x36: {  	[sflag:s26] =	ssyncset.done $0x0  }
0x37: {  	s24 =	simm.s32 $0x1E0;
	[sflag:s26] =	ssyncadd.s32 $0xFFFFEC00  }
0x38: {  	[tilespmem:s19], [sflag:$0x2] =	stream.indirect.gather [hbm4b:s4+s17], $0x40, s24, s17, $0xb8;
	[tilespmem:$0x14E60] =	vst v63  }
0x39: {  	_ =	swait.ge [sflag:s16], $0x1400  }
0x3a: {  	[sflag:s16] =	ssyncset.done $0x0  }
0x3b: {  	s30 =	simm.s32 $0x27B0;
	[sflag:s16] =	ssyncadd.s32 $0xFFFFEC00  }
0x3c: {  	[spmem:s2] =	stream.indirect.scatter.add.f32 [tilespmem:s21], [sflag:$0x6], $0x40, s30, s17, $0xb8;
	[tilespmem:$0x14E60] =	vst v63  }
0x3d: {  	_ =	swait.ge [sflag:s26], $0x1400  }
0x3e: {  	[sflag:s26] =	ssyncset.done $0x0  }
0x3f: {  	s24 =	simm.s32 $0x230;
	[sflag:s26] =	ssyncadd.s32 $0xFFFFEC00  }
0x40: {  	[tilespmem:s21], [sflag:$0x3] =	stream.indirect.gather [hbm4b:s4+s17], $0x40, s24, s17, $0xb8;
	[tilespmem:$0x14E60] =	vst v63  }
0x41: {  	_ =	swait.ge [sflag:s28], $0x1400  }
0x42: {  	[sflag:s28] =	ssyncset.done $0x0  }
0x43: {  	s30 =	simm.s32 $0x2800;
	[sflag:s28] =	ssyncadd.s32 $0xFFFFEC00  }
0x44: {  	[spmem:s2] =	stream.indirect.scatter.add.f32 [tilespmem:s23], [sflag:$0x6], $0x40, s30, s17, $0xb8;
	[tilespmem:$0x14E60] =	vst v63  }
0x45: {  	_ =	swait.ge [sflag:s26], $0x1400  }
0x46: {  	[sflag:s26] =	ssyncset.done $0x0  }
0x47: {  	s24 =	simm.s32 $0x280;
	[sflag:s26] =	ssyncadd.s32 $0xFFFFEC00  }
0x48: {  	[tilespmem:s23], [sflag:$0x4] =	stream.indirect.gather [hbm4b:s4+s17], $0x40, s24, s17, $0xb8;
	[tilespmem:$0x14E60] =	vst v63  }
0x49: {  	_ =	swait.ge [sflag:s29], $0x1400  }
0x4a: {  	[sflag:s29] =	ssyncset.done $0x0  }
0x4b: {  	s30 =	simm.s32 $0x2850;
	[sflag:s29] =	ssyncadd.s32 $0xFFFFEC00  }
0x4c: {  	[spmem:s2] =	stream.indirect.scatter.add.f32 [tilespmem:s25], [sflag:$0x6], $0x40, s30, s17, $0xb8;
	[tilespmem:$0x14E60] =	vst v63  }
0x4d: {  	_ =	swait.ge [sflag:s26], $0x1400  }
0x4e: {  	[sflag:s26] =	ssyncset.done $0x0  }
0x4f: {  	s22 =	simm.s32 $0x640;
	s24 =	simm.s32 $0x2D0;
	[sflag:s26] =	ssyncadd.s32 $0xFFFFEC00  }
.LBB2_2:
0x50: {  	[tilespmem:s25], [sflag:$0x5] =	stream.indirect.gather [hbm4b:s4+s17], $0x40, s24, s17, $0xb8;
	[tilespmem:$0x14E60] =	vst v63  }
0x51: {  	s24 =	smov.u32 s22  }
0x52: {  	p0 =	sne.s32 s22, $0x8FC0;
	s22 =	sadd.s32 $0x640, s22;
	_ =	swait.ge [sflag:s14], $0x1400  }
0x53: {  	s24 =	sshra.s32 s24, $0x2;
	[sflag:s14] =	ssyncset.done $0x0  }
0x54: {  	s30 =	sadd.s32 $0x2710, s24;
	[sflag:s14] =	ssyncadd.s32 $0xFFFFEC00  }
0x55: {  	[spmem:s2] =	stream.indirect.scatter.add.f32 [tilespmem:s18], [sflag:$0x6], $0x40, s30, s17, $0xb8;
	[tilespmem:$0x14E60] =	vst v63  }
0x56: {  	_ =	swait.ge [sflag:s26], $0x1400  }
0x57: {  	[sflag:s26] =	ssyncset.done $0x0  }
0x58: {  	s30 =	sadd.s32 $0x190, s24;
	[sflag:s26] =	ssyncadd.s32 $0xFFFFEC00  }
0x59: {  	[tilespmem:s18], [sflag:$0x1] =	stream.indirect.gather [hbm4b:s4+s17], $0x40, s30, s17, $0xb8;
	[tilespmem:$0x14E60] =	vst v63  }
0x5a: {  	_ =	swait.ge [sflag:s15], $0x1400  }
0x5b: {  	[sflag:s15] =	ssyncset.done $0x0  }
0x5c: {  	s30 =	sadd.s32 $0x2760, s24;
	[sflag:s15] =	ssyncadd.s32 $0xFFFFEC00  }
0x5d: {  	[spmem:s2] =	stream.indirect.scatter.add.f32 [tilespmem:s19], [sflag:$0x6], $0x40, s30, s17, $0xb8;
	[tilespmem:$0x14E60] =	vst v63  }
0x5e: {  	_ =	swait.ge [sflag:s26], $0x1400  }
0x5f: {  	[sflag:s26] =	ssyncset.done $0x0  }
0x60: {  	s30 =	sadd.s32 $0x1E0, s24;
	[sflag:s26] =	ssyncadd.s32 $0xFFFFEC00  }
0x61: {  	[tilespmem:s19], [sflag:$0x2] =	stream.indirect.gather [hbm4b:s4+s17], $0x40, s30, s17, $0xb8;
	[tilespmem:$0x14E60] =	vst v63  }
0x62: {  	_ =	swait.ge [sflag:s16], $0x1400  }
0x63: {  	[sflag:s16] =	ssyncset.done $0x0  }
0x64: {  	s30 =	sadd.s32 $0x27B0, s24;
	[sflag:s16] =	ssyncadd.s32 $0xFFFFEC00  }
0x65: {  	[spmem:s2] =	stream.indirect.scatter.add.f32 [tilespmem:s21], [sflag:$0x6], $0x40, s30, s17, $0xb8;
	[tilespmem:$0x14E60] =	vst v63  }
0x66: {  	_ =	swait.ge [sflag:s26], $0x1400  }
0x67: {  	[sflag:s26] =	ssyncset.done $0x0  }
0x68: {  	s30 =	sadd.s32 $0x230, s24;
	[sflag:s26] =	ssyncadd.s32 $0xFFFFEC00  }
0x69: {  	[tilespmem:s21], [sflag:$0x3] =	stream.indirect.gather [hbm4b:s4+s17], $0x40, s30, s17, $0xb8;
	[tilespmem:$0x14E60] =	vst v63  }
0x6a: {  	_ =	swait.ge [sflag:s28], $0x1400  }
0x6b: {  	[sflag:s28] =	ssyncset.done $0x0  }
0x6c: {  	s30 =	sadd.s32 $0x2800, s24;
	[sflag:s28] =	ssyncadd.s32 $0xFFFFEC00  }
0x6d: {  	[spmem:s2] =	stream.indirect.scatter.add.f32 [tilespmem:s23], [sflag:$0x6], $0x40, s30, s17, $0xb8;
	[tilespmem:$0x14E60] =	vst v63  }
0x6e: {  	_ =	swait.ge [sflag:s26], $0x1400  }
0x6f: {  	[sflag:s26] =	ssyncset.done $0x0  }
0x70: {  	s30 =	sadd.s32 $0x280, s24;
	[sflag:s26] =	ssyncadd.s32 $0xFFFFEC00  }
0x71: {  	[tilespmem:s23], [sflag:$0x4] =	stream.indirect.gather [hbm4b:s4+s17], $0x40, s30, s17, $0xb8;
	[tilespmem:$0x14E60] =	vst v63  }
0x72: {  	_ =	swait.ge [sflag:s29], $0x1400  }
0x73: {  	[sflag:s29] =	ssyncset.done $0x0  }
.Ltmp0:
0x74: {  	s30 =	sadd.s32 $0x2850, s24;
	[sflag:s29] =	ssyncadd.s32 $0xFFFFEC00;
	(pc) =	sbr.rel @p0 .LBB2_2-.Ltmp0, $4  }
0x75: {  	[spmem:s2] =	stream.indirect.scatter.add.f32 [tilespmem:s25], [sflag:$0x6], $0x40, s30, s17, $0xb8;
	[tilespmem:$0x14E60] =	vst v63  }
0x76: {  	_ =	swait.ge [sflag:s26], $0x1400  }
0x77: {  	[sflag:s26] =	ssyncset.done $0x0  }
0x78: {  	s24 =	sadd.s32 $0x2D0, s24;
	[sflag:s26] =	ssyncadd.s32 $0xFFFFEC00  }
0x79: {  	[tilespmem:s25], [sflag:$0x5] =	stream.indirect.gather [hbm4b:s4+s17], $0x40, s24, s17, $0xb8;
	[tilespmem:$0x14E60] =	vst v63  }
0x7a: {  	_ =	swait.ge [sflag:s14], $0x1400  }
0x7b: {  	[sflag:s14] =	ssyncset.done $0x0  }
0x7c: {  	s22 =	simm.s32 $0x4C90;
	[sflag:s14] =	ssyncadd.s32 $0xFFFFEC00  }
0x7d: {  	[spmem:s2] =	stream.indirect.scatter.add.f32 [tilespmem:s18], [sflag:$0x6], $0x40, s22, s17, $0xb8;
	[tilespmem:$0x14E60] =	vst v63  }
0x7e: {  	_ =	swait.ge [sflag:s26], $0x1400  }
0x7f: {  	[sflag:s26] =	ssyncset.done $0x0  }
0x80: {  	[sflag:s26] =	ssyncadd.s32 $0xFFFFEC00  }
0x81: {  	_ =	swait.ge [sflag:s15], $0x1400  }
0x82: {  	[sflag:s15] =	ssyncset.done $0x0  }
0x83: {  	[sflag:s15] =	ssyncadd.s32 $0xFFFFEC00  }
0x84: {  	[spmem:s2] =	stream.indirect.scatter.add.f32 [tilespmem:s19], [sflag:$0x6], $0x40, s31, s17, $0xb8;
	[tilespmem:$0x14E60] =	vst v63  }
0x85: {  	_ =	swait.ge [sflag:s26], $0x1400  }
0x86: {  	[sflag:s26] =	ssyncset.done $0x0  }
0x87: {  	[sflag:s26] =	ssyncadd.s32 $0xFFFFEC00  }
0x88: {  	_ =	swait.ge [sflag:s16], $0x1400  }
0x89: {  	[sflag:s16] =	ssyncset.done $0x0  }
0x8a: {  	[sflag:s16] =	ssyncadd.s32 $0xFFFFEC00  }
0x8b: {  	[spmem:s2] =	stream.indirect.scatter.add.f32 [tilespmem:s21], [sflag:$0x6], $0x40, s0, s17, $0xb8;
	[tilespmem:$0x14E60] =	vst v63  }
0x8c: {  	_ =	swait.ge [sflag:s26], $0x1400  }
0x8d: {  	[sflag:s26] =	ssyncset.done $0x0  }
0x8e: {  	[sflag:s26] =	ssyncadd.s32 $0xFFFFEC00  }
0x8f: {  	_ =	swait.ge [sflag:s28], $0x1400  }
0x90: {  	[sflag:s28] =	ssyncset.done $0x0  }
0x91: {  	[sflag:s28] =	ssyncadd.s32 $0xFFFFEC00  }
0x92: {  	[spmem:s2] =	stream.indirect.scatter.add.f32 [tilespmem:s23], [sflag:$0x6], $0x40, s1, s17, $0xb8;
	[tilespmem:$0x14E60] =	vst v63  }
0x93: {  	_ =	swait.ge [sflag:s26], $0x1400  }
0x94: {  	[sflag:s26] =	ssyncset.done $0x0  }
0x95: {  	[sflag:s26] =	ssyncadd.s32 $0xFFFFEC00  }
0x96: {  	_ =	swait.ge [sflag:s29], $0x1400  }
0x97: {  	[sflag:s29] =	ssyncset.done $0x0  }
0x98: {  	[sflag:s29] =	ssyncadd.s32 $0xFFFFEC00  }
0x99: {  	[spmem:s2] =	stream.indirect.scatter.add.f32 [tilespmem:s25], [sflag:$0x6], $0x40, s12, s17, $0xb8;
	[tilespmem:$0x14E60] =	vst v63  }
0x9a: {  	_ =	swait.ge [sflag:s26], $0x1400  }
0x9b: {  	s20 =	sadd.s32 $0x1, s20;
	[sflag:s26] =	ssyncset.done $0x0  }
0x9c: {  	p0 =	sne.s32 s20, s11;
	[sflag:s26] =	ssyncadd.s32 $0xFFFFEC00  }
.Ltmp1:
0x9d: {  	s30 =	sor.u32 $0x1C06, s8;
	[bflag:$0x0] =	sbarrier.arrive $0xFFFF;
	(pc) =	sbr.rel @p0 .LBB2_1-.Ltmp1, $4  }
0x9e: {  	[hbm:s10], [sflag:s30] =	dma.local [spmem:s13], $0x1388  }
0x9f: {  	_ =	swait.ge [sflag:s26], $0x1388  }
0xa0: {  	[sflag:s26] =	ssyncset.done $0x0  }
0xa1: {  	[sflag:s26] =	ssyncadd.s32 $0xFFFFEC78  }
0xa2: {  	_ =	sfence.sel $0x180000  }
0xa3: {  	[bflag:$0x0] =	sbarrier.arrive $0xFFFF  }
0xa4: {  	_ =	strace $0x9000004A  }
0xa5: {  	s0 =	stileid.u32;
	[bflag:$0x2] =	sbarrier.arrive $0xFFFF  }
0xa6: {  	p0 =	sne.s32 s0, $0x0;
	s0 =	rddreg [dreg:$0x2]  }
0xa7: {  	s0 =	sadd.s32 @!p0 $0x100000, s0  }
0xa8: {  	[sflag:s0] =	ssyncadd.tile.s32 @!p0 $0x1;
	_ =	shalt  }
.Lfunc_end2:
_tile_overlayer_lowered:
.L_overlay_start_2:
0xa9: {  	(tag) =	ssettag $0x2  }
0xaa: {  	s0 =	rddreg [dreg:$0x0];
	s2 =	stileid.u32  }
0xab: {  	s1 =	rddreg [dreg:$0x1];
	p0 =	sne.s32 s2, $0x0  }
0xac: {  	s3 =	rddreg [dreg:$0x2];
	[bflag:$0x3] =	sbarrier.arrive $0xFFFF;
	s2 =	simm.s32 @!p0 $0x1C06  }
0xad: {  	[timem:s3], [sflag:s2] =	dma.local @!p0 [hbm:s0], s1  }
0xae: {  	s0 =	simm.s32 @!p0 $0x6  }
0xaf: {  	_ =	swait.ge @!p0 [sflag:s0], s1  }
0xb0: {  	s1 =	ssub.s32 @!p0 $0x0, s1;
	[sflag:s0] =	ssyncset.done @!p0 $0x0  }
0xb1: {  	[sflag:s0] =	ssyncadd.s32 @!p0 s1  }
0xb2: {  	[bflag:$0x3] =	sbarrier.arrive $0xFFFF  }
0xb3: {  	_ =	shalt  }

// kernel: kernel.14.cloned.1.call-start
scs
__scs_entry_jumppad:
0x0: {  	(pc) =	sbr.rel $0x88, $3  }
0x1: {  	(tag) =	ssettag $0x0;
	lr =	simm.s32 $0x1  }
0x2: {  	[smem:$0x3F98] =	sst lr;
	_ =	strace $0xD0000000  }
0x3: {  	_ = 	snop  }
0x4: {  	_ = 	snop  }
0x5: {  	_ = 	snop  }
0x6: {  	_ = 	snop  }
0x7: {  	_ = 	snop  }
__scs_overlays_trampoline_lowered:
0x8: {  	[smem:$0x3FA7] =	sst s0  }
0x9: {  	[smem:$0x3FA8] =	sst s1  }
0xa: {  	[smem:$0x3FA9] =	sst s2  }
0xb: {  	[smem:$0x3FAA] =	sst s3  }
0xc: {  	[smem:$0x3FAB] =	sst s4  }
0xd: {  	[smem:$0x3FAC] =	sst s5  }
0xe: {  	[smem:$0x3FAD] =	sst s6  }
0xf: {  	[smem:$0x3FAE] =	sst s7  }
0x10: {  	[smem:$0x3FAF] =	sst s8  }
0x11: {  	[smem:$0x3FB0] =	sst s9;
	s0 =	simm.s32 @!p0 $0x0  }
0x12: {  	s1 =	sld [smem:$0x3F96];
	s0 =	simm.s32 @p0 $0x1  }
0x13: {  	[smem:$0x3FB1] =	sst s0;
	s0 =	simm.s32 @!p1 $0x0  }
0x14: {  	s2 =	sld [smem:$0x3F95];
	s0 =	simm.s32 @p1 $0x1  }
0x15: {  	[smem:$0x3FB2] =	sst s0;
	s0 =	simm.s32 @!p2 $0x0  }
0x16: {  	s3 =	sld [smem:$0x3FDB];
	s0 =	simm.s32 @p2 $0x1  }
0x17: {  	s4 =	simm.s32 $0x1BF5;
	[smem:$0x3FB4] =	sst s0  }
0x18: {  	s0 =	sld [smem:$0x3F97];
	_ =	swait.ge [sflag:s4], $0x0  }
0x19: {  	s7 =	sld [smem:$0x3F98]  }
0x1a: {  	s8 =	sadd.s32 $0xFFFFE003, lr  }
0x1b: {  	s9 =	sadd.s32 $0xFFFFFEF7, lr;
	s5 =	simm.s32 $0xFFFFFFFF;
	p2 =	slt.u32 s8, $0xFFFFF086  }
0x1c: {  	p1 =	slt.u32 s9, $0xF7A;
	s5 =	simm.s32 @!p2 $0x0  }
0x1d: {  	s5 =	simm.s32 @p1 $0x1;
	p0 =	seq.s32 s7, s2  }
0x1e: {  	s7 =	smul.u32 @!p0 $0xF7A, s2;
	p2 =	seq.s32 @!p0 s5, $0x0  }
0x1f: {  	s9 =	smul.u32 $0xF7A, s1;
	s8 =	simm.s32 @!p0 $0x1BF5;
	p2 =	por !p2, p0  }
0x20: {  	[sflag:s8] =	ssyncset.s32 @!p0 $0xFFFFF086;
	s6 =	sadd.s32 @!p0 s3, s7;
	s7 =	simm.s32 @!p0 $0x108  }
0x21: {  	s3 =	sadd.s32 s3, s9;
	s6 =	sadd.s32 @!p0 $0x88, s6;
	s7 =	simm.s32 @p2 $0x1082  }
0x22: {  	[simem:s7], [sflag:s8] =	dma.local @!p0 [hbm:s6], $0xF7A  }
0x23: {  	s9 =	sor.u32 $0xD0000000, s2;
	s6 =	simm.s32 $0x108;
	_ =	swait.ge @!p0 [sflag:s8], $0x0  }
0x24: {  	s3 =	sadd.s32 $0x88, s3;
	s6 =	simm.s32 @!p1 $0x1082;
	[sflag:s4] =	ssyncset.s32 $0xFFFFF086  }
0x25: {  	[simem:s6], [sflag:s4] =	dma.local [hbm:s3], $0xF7A  }
0x26: {  	[smem:$0x3F98] =	sst s1;
	(tag) =	ssettag s2;
	_ =	strace s9  }
0x27: {  	s1 =	sld [smem:$0x3FA8]  }
0x28: {  	s2 =	sld [smem:$0x3FA9]  }
0x29: {  	s4 =	sld [smem:$0x3FAB]  }
0x2a: {  	p0 =	seq.s32 s5, $0x0;
	s5 =	sld [smem:$0x3FAC]  }
0x2b: {  	s6 =	sld [smem:$0x3FAD]  }
0x2c: {  	s7 =	sld [smem:$0x3FAE]  }
0x2d: {  	s3 =	simm.s32 $0x108;
	s8 =	sld [smem:$0x3FAF]  }
0x2e: {  	s3 =	simm.s32 @!p0 $0x1082;
	s9 =	sld [smem:$0x3FB0]  }
0x2f: {  	lr =	sadd.s32 s0, s3;
	s0 =	sld [smem:$0x3FA7]  }
0x30: {  	s3 =	sld [smem:$0x3FAA]  }
0x31: {  	[smem:$0x3FB3] =	sst s10  }
0x32: {  	s10 =	sld [smem:$0x3FB1];
	_ =	sdelay $0x3  }
0x33: {  	p0 =	seq.s32 s10, $0x1;
	s10 =	sld [smem:$0x3FB3];
	_ =	sdelay $0x3  }
0x34: {  	[smem:$0x3FB3] =	sst s10  }
0x35: {  	s10 =	sld [smem:$0x3FB2];
	_ =	sdelay $0x3  }
0x36: {  	p1 =	seq.s32 s10, $0x1;
	s10 =	sld [smem:$0x3FB3];
	_ =	sdelay $0x3  }
0x37: {  	[smem:$0x3FB3] =	sst s10  }
0x38: {  	s10 =	sld [smem:$0x3FB4]  }
0x39: {  	_ = 	snop;
	(pc) =	sbr.ind lr, $3  }
0x3a: {  	_ = 	snop  }
0x3b: {  	_ = 	snop  }
0x3c: {  	p2 =	seq.s32 s10, $0x1;
	s10 =	sld [smem:$0x3FB3]  }
0x3d: {  	_ =	shalt  }
0x3e: {  	_ =	shalt  }
0x3f: {  	_ =	shalt  }
0x40: {  	_ =	shalt  }
0x41: {  	_ =	shalt  }
0x42: {  	_ =	shalt  }
0x43: {  	_ =	shalt  }
0x44: {  	_ =	shalt  }
0x45: {  	_ =	shalt  }
0x46: {  	_ =	shalt  }
0x47: {  	_ =	shalt  }
0x48: {  	_ =	shalt  }
0x49: {  	_ =	shalt  }
0x4a: {  	_ =	shalt  }
0x4b: {  	_ =	shalt  }
0x4c: {  	_ =	shalt  }
0x4d: {  	_ =	shalt  }
0x4e: {  	_ =	shalt  }
0x4f: {  	_ =	shalt  }
0x50: {  	_ =	shalt  }
0x51: {  	_ =	shalt  }
0x52: {  	_ =	shalt  }
0x53: {  	_ =	shalt  }
0x54: {  	_ =	shalt  }
0x55: {  	_ =	shalt  }
0x56: {  	_ =	shalt  }
0x57: {  	_ =	shalt  }
0x58: {  	_ =	shalt  }
0x59: {  	_ =	shalt  }
0x5a: {  	_ =	shalt  }
0x5b: {  	_ =	shalt  }
0x5c: {  	_ =	shalt  }
0x5d: {  	_ =	shalt  }
0x5e: {  	_ =	shalt  }
0x5f: {  	_ =	shalt  }
0x60: {  	_ =	shalt  }
0x61: {  	_ =	shalt  }
0x62: {  	_ =	shalt  }
0x63: {  	_ =	shalt  }
0x64: {  	_ =	shalt  }
0x65: {  	_ =	shalt  }
0x66: {  	_ =	shalt  }
0x67: {  	_ =	shalt  }
0x68: {  	_ =	shalt  }
0x69: {  	_ =	shalt  }
0x6a: {  	_ =	shalt  }
0x6b: {  	_ =	shalt  }
0x6c: {  	_ =	shalt  }
0x6d: {  	_ =	shalt  }
0x6e: {  	_ =	shalt  }
0x6f: {  	_ =	shalt  }
0x70: {  	_ =	shalt  }
0x71: {  	_ =	shalt  }
0x72: {  	_ =	shalt  }
0x73: {  	_ =	shalt  }
0x74: {  	_ =	shalt  }
0x75: {  	_ =	shalt  }
0x76: {  	_ =	shalt  }
0x77: {  	_ =	shalt  }
0x78: {  	_ =	shalt  }
0x79: {  	_ =	shalt  }
0x7a: {  	_ =	shalt  }
0x7b: {  	_ =	shalt  }
0x7c: {  	_ =	shalt  }
0x7d: {  	_ =	shalt  }
0x7e: {  	_ =	shalt  }
0x7f: {  	_ =	shalt  }
0x80: {  	_ =	shalt  }
0x81: {  	_ =	shalt  }
0x82: {  	_ =	shalt  }
0x83: {  	_ =	shalt  }
0x84: {  	_ =	shalt  }
0x85: {  	_ =	shalt  }
0x86: {  	_ =	shalt  }
0x87: {  	_ =	shalt  }
.Lfunc_end0:
.L_simem_size_0:
called_computation.2_lowered:
.L_overlay_start_0:
0x88: {  	s2 =	sld [smem:$0x3FD9]  }
0x89: {  	s3 =	sld [smem:$0x3FFE];
	_ =	sdelay $0x1  }
0x8a: {  	s1 =	srdreg.scid  }
0x8b: {  	s0 =	sand.u32 $0x1, s1  }
0x8c: {  	s16 =	sshll.u32 s0, $0xA;
	s2 =	sadd.s32 s3, s2  }
0x8d: {  	s2 =	sadd.s32 s2, s16  }
0x8e: {  	[smem:$0x3FBF] =	sst s2  }
0x8f: {  	_ = 	snop  }
0x90: {  	(tm) =	ssettm $0x1  }
0x91: {  	s17 =	sld [smem:$0x3FFB];
	_ =	sdelay $0x3  }
0x92: {  	_ =	strace s17  }
0x93: {  	s2 =	sld [smem:$0x3FFC];
	_ =	sdelay $0x3  }
0x94: {  	_ =	strace s2  }
0x95: {  	s2 =	sld [smem:$0x3FFD];
	_ =	sdelay $0x3  }
0x96: {  	_ =	strace s2  }
0x97: {  	_ =	strace $0x8FFFFFFF  }
0x98: {  	s18 =	sld [smem:$0x3FDB];
	_ =	sdelay $0x1  }
0x99: {  	s19 =	simm.s32 $_scs_section_size  }
0x9a: {  	s4 =	simm.s32 $_size__tile_overlayer_lowered;
	s5 =	simm.s32 $_tile_overlayer_lowered  }
0x9b: {  	s22 =	simm.s32 $0x1BFF;
	s21 =	sshll.u32 s5, $0x1;
	s2 =	sadd.s32 s19, s18  }
0x9c: {  	s6 =	simm.s32 $0x0;
	s20 =	sshll.u32 s4, $0x1;
	s4 =	sadd.s32 s21, s2  }
0x9d: {  	[timem:s6], [sflag:s22] =	dma.local [hbm:s4], s20  }
0x9e: {  	_ =	swait.ge [sflag:s22], s20  }
0x9f: {  	s3 =	ssub.s32 $0x0, s20;
	[sflag:s22] =	ssyncset.done $0x0  }
0xa0: {  	[sflag:s22] =	ssyncadd.s32 s3;
	_ =	sdelay $0x1  }
0xa1: {  	s23 =	simm.s32 $0x1B8B  }
0xa2: {  	_ =	swait.ge [sflag:s23], $0x1  }
0xa3: {  	[sflag:s23] =	ssyncset.done $0x0  }
0xa4: {  	s25 =	simm.s32 $0x1B8E;
	s24 =	sld [smem:$0x3FFE];
	[sflag:s23] =	ssyncadd.s32 $0xFFFFFFFF  }
0xa5: {  	s26 =	simm.s32 $execute0_lowered;
	[smem:$0x3FD2] =	sst s25  }
0xa6: {  	s4 =	sshll.u32 s26, $0x1;
	_ =	strace $0x8000004C;
	[dreg:$0x1] =	wrdreg $0xFFFFFFFF  }
0xa7: {  	s28 =	simm.s32 $_size_execute0_lowered;
	s2 =	sadd.s32 s2, s4;
	[dreg:$0x0] =	wrdreg $0x0  }
0xa8: {  	s4 =	sshll.u32 s28, $0x1;
	[dreg:$0x2] =	wrdreg s2  }
0xa9: {  	[dreg:$0x3] =	wrdreg s4  }
0xaa: {  	[dreg:$0x4] =	wrdreg $0xC0  }
0xab: {  	_ =	task [dreg:s6], $0x5FFFF  }
0xac: {  	[dreg:$0x1] =	wrdreg $0xFFFFFFFF  }
0xad: {  	[dreg:$0x0] =	wrdreg $0x60  }
0xae: {  	[dreg:$0x2] =	wrdreg s24  }
0xaf: {  	[dreg:$0x3] =	wrdreg $0xB2200  }
0xb0: {  	[dreg:$0x4] =	wrdreg $0x9  }
0xb1: {  	_ =	task.clear_ibuf [dreg:s6], $0x5FFFF;
	_ =	strace $0x9000004C  }
0xb2: {  	s29 =	simm.s32 $0x9;
	_ =	strace $0x8000004E  }
0xb3: {  	_ =	swait.ge [sflag:s29], $0x1  }
0xb4: {  	[sflag:s29] =	ssyncadd.s32 $0xFFFFFFFF  }
0xb5: {  	_ =	strace $0x9000004E  }
0xb6: {  	_ =	sfence  }
0xb7: {  	s30 =	sld [smem:$0x0];
	_ =	sdelay $0x2  }
0xb8: {  	s31 =	sshll.u32 s1, $0xD;
	s1 =	sshrl.u32 s1, $0x2  }
0xb9: {  	s3 =	sand.u32 $0x4000, s31;
	s1 =	sadd.s32 s1, s30  }
0xba: {  	s0 =	sor.u32 s3, s0;
	s1 =	sshll.u32 s1, $0x11  }
0xbb: {  	s0 =	sor.u32 s1, s0  }
0xbc: {  	s0 =	sadd.s32 $0x8F2B, s0  }
0xbd: {  	[sflag:s0] =	ssyncadd.remote.s32 $0x1  }
0xbe: {  	_ =	sfence.sel $0xFFFF  }
0xbf: {  	[dreg:$0x0] =	wrdreg $0xFFFFFFFF;
	(pc) =	sbr.abs _section_cstart, $3  }
0xc0: {  	[dreg:$0x1] =	wrdreg $0xFFFFFFFF  }
0xc1: {  	_ =	task.clear_ibuf [dreg:s6], $0x2FFFF;
	_ =	strace $0x9FFFFFFF  }
0xc2: {  	(tm) =	ssettm $0x7FFFFFFF  }
0xc3: {  	_ =	shalt  }
tec
execute0_lowered:
.L_overlay_start_1:
0x0: {  	(tag) =	ssettag $0x1  }
0x1: {  	s0 =	rddreg [dreg:$0x0]  }
0x2: {  	s2 =	rddreg [dreg:$0x1]  }
0x3: {  	s1 =	srdreg.scid;
	s10 =	stileid.u32;
	s3 =	simm.s32 $0x0  }
0x4: {  	s14 =	simm.s32 $0x1;
	s15 =	simm.s32 $0x2;
	s16 =	simm.s32 $0x3  }
0x5: {  	s17 =	simm.s32 $0x50;
	s18 =	simm.s32 $0x4E20;
	s19 =	simm.s32 $0x6220  }
0x6: {  	s21 =	simm.s32 $0x7620;
	s23 =	simm.s32 $0x8A20;
	s25 =	simm.s32 $0x9E20  }
0x7: {  	s26 =	simm.s32 $0x6;
	s28 =	simm.s32 $0x4;
	s29 =	simm.s32 $0x5  }
0x8: {  	s31 =	simm.s32 $0x4CE0;
	s20 =	simm.s32 $0x0;
	s1 =	sand.u32 $0x1, s1  }
0x9: {  	s9 =	smul.u32 $0x9C40, s10;
	[smem:$0x7FF] =	sst s3;
	s4 =	sshll.u32 s1, $0x4  }
0xa: {  	s5 =	smul.u32 $0x9C400, s1;
	_ =	strace $0x8000004D;
	s1 =	ssub.s32 $0x2, s1  }
0xb: {  	s4 =	sor.u32 s10, s4;
	s8 =	sshrl.u32 s1, $0x1;
	s12 =	sadd.s32 s9, s2  }
0xc: {  	s6 =	smul.u32 $0x4E2, s4;
	s4 =	sadd.s32 $0x15800, s0;
	s5 =	sadd.s32 s9, s5  }
0xd: {  	s1 =	ssub.s32 s1, s8;
	s8 =	sshll.u32 s10, $0x6;
	s13 =	sshrl.u32 s12, $0x3  }
0xe: {  	s12 =	simm.s32 $0x4DD0;
	s30 =	sshrl.u32 s5, $0x3;
	s5 =	sadd.s32 $0x29200, s0  }
0xf: {  	s9 =	sor.u32 $0x1C03, s8;
	s11 =	smax.u32 s1, $0x1;
	s7 =	sadd.s32 s6, s0  }
0x10: {  	s1 =	simm.s32 $0x4D80;
	s0 =	sadd.s32 s30, s0;
	s6 =	sadd.s32 $0x1C00, s7  }
0x11: {  	s7 =	sadd.s32 $0xBA00, s7;
	s10 =	sadd.s32 $0x2A600, s0;
	s0 =	simm.s32 $0x4D30  }
.LBB2_1:
0x12: {  	[tilespmem:s3], [sflag:$0x1] =	stream.linear.gather [hbm4b:s6+s3], $0x2710, $0x38;
	[tilespmem:$0x14E60] =	vst v63  }
0x13: {  	s22 =	simm.s32 $0x2710  }
0x14: {  	[tilespmem:s22], [sflag:$0x2] =	stream.linear.gather [hbm4b:s7+s3], $0x2710, $0x38;
	[tilespmem:$0x14E60] =	vst v63  }
0x15: {  	[spmem:s13], [sflag:s9] =	dma.local [hbm:s5], $0x1388  }
0x16: {  	_ =	swait.ge [sflag:s14], $0x2710  }
0x17: {  	[sflag:s14] =	ssyncset.done $0x0  }
0x18: {  	[sflag:s14] =	ssyncadd.s32 $0xFFFFD8F0  }
0x19: {  	_ =	swait.ge [sflag:s15], $0x2710  }
0x1a: {  	[sflag:s15] =	ssyncset.done $0x0  }
0x1b: {  	[sflag:s15] =	ssyncadd.s32 $0xFFFFD8F0  }
0x1c: {  	_ =	swait.ge [sflag:s16], $0x1388  }
0x1d: {  	[sflag:s16] =	ssyncset.done $0x0  }
0x1e: {  	[sflag:s16] =	ssyncadd.s32 $0xFFFFEC78  }
0x1f: {  	[bflag:$0x0] =	sbarrier.arrive $0xFFFF  }
0x20: {  	[tilespmem:s18], [sflag:$0x1] =	stream.indirect.gather [hbm4b:s4+s17], $0x40, s3, s17, $0xb8;
	[tilespmem:$0x14E60] =	vst v63  }
0x21: {  	_ = 	snop  }
0x22: {  	[tilespmem:s19], [sflag:$0x2] =	stream.indirect.gather [hbm4b:s4+s17], $0x40, s17, s17, $0xb8;
	[tilespmem:$0x14E60] =	vst v63  }
0x23: {  	s24 =	simm.s32 $0xA0  }
0x24: {  	[tilespmem:s21], [sflag:$0x3] =	stream.indirect.gather [hbm4b:s4+s17], $0x40, s24, s17, $0xb8;
	[tilespmem:$0x14E60] =	vst v63  }
0x25: {  	s30 =	simm.s32 $0xF0  }
0x26: {  	[tilespmem:s23], [sflag:$0x4] =	stream.indirect.gather [hbm4b:s4+s17], $0x40, s30, s17, $0xb8;
	[tilespmem:$0x14E60] =	vst v63  }
0x27: {  	s24 =	simm.s32 $0x140  }
0x28: {  	[tilespmem:s25], [sflag:$0x5] =	stream.indirect.gather [hbm4b:s4+s17], $0x40, s24, s17, $0xb8;
	[tilespmem:$0x14E60] =	vst v63  }
0x29: {  	_ =	swait.ge [sflag:s14], $0x1400  }
0x2a: {  	[sflag:s14] =	ssyncset.done $0x0  }
0x2b: {  	s30 =	simm.s32 $0x2710;
	[sflag:s14] =	ssyncadd.s32 $0xFFFFEC00  }
0x2c: {  	[spmem:s2] =	stream.indirect.scatter.add.f32 [tilespmem:s18], [sflag:$0x6], $0x40, s30, s17, $0xb8;
	[tilespmem:$0x14E60] =	vst v63  }
0x2d: {  	_ =	swait.ge [sflag:s26], $0x1400  }
0x2e: {  	[sflag:s26] =	ssyncset.done $0x0  }
0x2f: {  	s24 =	simm.s32 $0x190;
	[sflag:s26] =	ssyncadd.s32 $0xFFFFEC00  }
0x30: {  	[tilespmem:s18], [sflag:$0x1] =	stream.indirect.gather [hbm4b:s4+s17], $0x40, s24, s17, $0xb8;
	[tilespmem:$0x14E60] =	vst v63  }
0x31: {  	_ =	swait.ge [sflag:s15], $0x1400  }
0x32: {  	[sflag:s15] =	ssyncset.done $0x0  }
0x33: {  	s30 =	simm.s32 $0x2760;
	[sflag:s15] =	ssyncadd.s32 $0xFFFFEC00  }
0x34: {  	[spmem:s2] =	stream.indirect.scatter.add.f32 [tilespmem:s19], [sflag:$0x6], $0x40, s30, s17, $0xb8;
	[tilespmem:$0x14E60] =	vst v63  }
0x35: {  	_ =	swait.ge [sflag:s26], $0x1400  }
0x36: {  	[sflag:s26] =	ssyncset.done $0x0  }
0x37: {  	s24 =	simm.s32 $0x1E0;
	[sflag:s26] =	ssyncadd.s32 $0xFFFFEC00  }
0x38: {  	[tilespmem:s19], [sflag:$0x2] =	stream.indirect.gather [hbm4b:s4+s17], $0x40, s24, s17, $0xb8;
	[tilespmem:$0x14E60] =	vst v63  }
0x39: {  	_ =	swait.ge [sflag:s16], $0x1400  }
0x3a: {  	[sflag:s16] =	ssyncset.done $0x0  }
0x3b: {  	s30 =	simm.s32 $0x27B0;
	[sflag:s16] =	ssyncadd.s32 $0xFFFFEC00  }
0x3c: {  	[spmem:s2] =	stream.indirect.scatter.add.f32 [tilespmem:s21], [sflag:$0x6], $0x40, s30, s17, $0xb8;
	[tilespmem:$0x14E60] =	vst v63  }
0x3d: {  	_ =	swait.ge [sflag:s26], $0x1400  }
0x3e: {  	[sflag:s26] =	ssyncset.done $0x0  }
0x3f: {  	s24 =	simm.s32 $0x230;
	[sflag:s26] =	ssyncadd.s32 $0xFFFFEC00  }
0x40: {  	[tilespmem:s21], [sflag:$0x3] =	stream.indirect.gather [hbm4b:s4+s17], $0x40, s24, s17, $0xb8;
	[tilespmem:$0x14E60] =	vst v63  }
0x41: {  	_ =	swait.ge [sflag:s28], $0x1400  }
0x42: {  	[sflag:s28] =	ssyncset.done $0x0  }
0x43: {  	s30 =	simm.s32 $0x2800;
	[sflag:s28] =	ssyncadd.s32 $0xFFFFEC00  }
0x44: {  	[spmem:s2] =	stream.indirect.scatter.add.f32 [tilespmem:s23], [sflag:$0x6], $0x40, s30, s17, $0xb8;
	[tilespmem:$0x14E60] =	vst v63  }
0x45: {  	_ =	swait.ge [sflag:s26], $0x1400  }
0x46: {  	[sflag:s26] =	ssyncset.done $0x0  }
0x47: {  	s24 =	simm.s32 $0x280;
	[sflag:s26] =	ssyncadd.s32 $0xFFFFEC00  }
0x48: {  	[tilespmem:s23], [sflag:$0x4] =	stream.indirect.gather [hbm4b:s4+s17], $0x40, s24, s17, $0xb8;
	[tilespmem:$0x14E60] =	vst v63  }
0x49: {  	_ =	swait.ge [sflag:s29], $0x1400  }
0x4a: {  	[sflag:s29] =	ssyncset.done $0x0  }
0x4b: {  	s30 =	simm.s32 $0x2850;
	[sflag:s29] =	ssyncadd.s32 $0xFFFFEC00  }
0x4c: {  	[spmem:s2] =	stream.indirect.scatter.add.f32 [tilespmem:s25], [sflag:$0x6], $0x40, s30, s17, $0xb8;
	[tilespmem:$0x14E60] =	vst v63  }
0x4d: {  	_ =	swait.ge [sflag:s26], $0x1400  }
0x4e: {  	[sflag:s26] =	ssyncset.done $0x0  }
0x4f: {  	s22 =	simm.s32 $0x640;
	s24 =	simm.s32 $0x2D0;
	[sflag:s26] =	ssyncadd.s32 $0xFFFFEC00  }
.LBB2_2:
0x50: {  	[tilespmem:s25], [sflag:$0x5] =	stream.indirect.gather [hbm4b:s4+s17], $0x40, s24, s17, $0xb8;
	[tilespmem:$0x14E60] =	vst v63  }
0x51: {  	s24 =	smov.u32 s22  }
0x52: {  	p0 =	sne.s32 s22, $0x8FC0;
	s22 =	sadd.s32 $0x640, s22;
	_ =	swait.ge [sflag:s14], $0x1400  }
0x53: {  	s24 =	sshra.s32 s24, $0x2;
	[sflag:s14] =	ssyncset.done $0x0  }
0x54: {  	s30 =	sadd.s32 $0x2710, s24;
	[sflag:s14] =	ssyncadd.s32 $0xFFFFEC00  }
0x55: {  	[spmem:s2] =	stream.indirect.scatter.add.f32 [tilespmem:s18], [sflag:$0x6], $0x40, s30, s17, $0xb8;
	[tilespmem:$0x14E60] =	vst v63  }
0x56: {  	_ =	swait.ge [sflag:s26], $0x1400  }
0x57: {  	[sflag:s26] =	ssyncset.done $0x0  }
0x58: {  	s30 =	sadd.s32 $0x190, s24;
	[sflag:s26] =	ssyncadd.s32 $0xFFFFEC00  }
0x59: {  	[tilespmem:s18], [sflag:$0x1] =	stream.indirect.gather [hbm4b:s4+s17], $0x40, s30, s17, $0xb8;
	[tilespmem:$0x14E60] =	vst v63  }
0x5a: {  	_ =	swait.ge [sflag:s15], $0x1400  }
0x5b: {  	[sflag:s15] =	ssyncset.done $0x0  }
0x5c: {  	s30 =	sadd.s32 $0x2760, s24;
	[sflag:s15] =	ssyncadd.s32 $0xFFFFEC00  }
0x5d: {  	[spmem:s2] =	stream.indirect.scatter.add.f32 [tilespmem:s19], [sflag:$0x6], $0x40, s30, s17, $0xb8;
	[tilespmem:$0x14E60] =	vst v63  }
0x5e: {  	_ =	swait.ge [sflag:s26], $0x1400  }
0x5f: {  	[sflag:s26] =	ssyncset.done $0x0  }
0x60: {  	s30 =	sadd.s32 $0x1E0, s24;
	[sflag:s26] =	ssyncadd.s32 $0xFFFFEC00  }
0x61: {  	[tilespmem:s19], [sflag:$0x2] =	stream.indirect.gather [hbm4b:s4+s17], $0x40, s30, s17, $0xb8;
	[tilespmem:$0x14E60] =	vst v63  }
0x62: {  	_ =	swait.ge [sflag:s16], $0x1400  }
0x63: {  	[sflag:s16] =	ssyncset.done $0x0  }
0x64: {  	s30 =	sadd.s32 $0x27B0, s24;
	[sflag:s16] =	ssyncadd.s32 $0xFFFFEC00  }
0x65: {  	[spmem:s2] =	stream.indirect.scatter.add.f32 [tilespmem:s21], [sflag:$0x6], $0x40, s30, s17, $0xb8;
	[tilespmem:$0x14E60] =	vst v63  }
0x66: {  	_ =	swait.ge [sflag:s26], $0x1400  }
0x67: {  	[sflag:s26] =	ssyncset.done $0x0  }
0x68: {  	s30 =	sadd.s32 $0x230, s24;
	[sflag:s26] =	ssyncadd.s32 $0xFFFFEC00  }
0x69: {  	[tilespmem:s21], [sflag:$0x3] =	stream.indirect.gather [hbm4b:s4+s17], $0x40, s30, s17, $0xb8;
	[tilespmem:$0x14E60] =	vst v63  }
0x6a: {  	_ =	swait.ge [sflag:s28], $0x1400  }
0x6b: {  	[sflag:s28] =	ssyncset.done $0x0  }
0x6c: {  	s30 =	sadd.s32 $0x2800, s24;
	[sflag:s28] =	ssyncadd.s32 $0xFFFFEC00  }
0x6d: {  	[spmem:s2] =	stream.indirect.scatter.add.f32 [tilespmem:s23], [sflag:$0x6], $0x40, s30, s17, $0xb8;
	[tilespmem:$0x14E60] =	vst v63  }
0x6e: {  	_ =	swait.ge [sflag:s26], $0x1400  }
0x6f: {  	[sflag:s26] =	ssyncset.done $0x0  }
0x70: {  	s30 =	sadd.s32 $0x280, s24;
	[sflag:s26] =	ssyncadd.s32 $0xFFFFEC00  }
0x71: {  	[tilespmem:s23], [sflag:$0x4] =	stream.indirect.gather [hbm4b:s4+s17], $0x40, s30, s17, $0xb8;
	[tilespmem:$0x14E60] =	vst v63  }
0x72: {  	_ =	swait.ge [sflag:s29], $0x1400  }
0x73: {  	[sflag:s29] =	ssyncset.done $0x0  }
.Ltmp0:
0x74: {  	s30 =	sadd.s32 $0x2850, s24;
	[sflag:s29] =	ssyncadd.s32 $0xFFFFEC00;
	(pc) =	sbr.rel @p0 .LBB2_2-.Ltmp0, $4  }
0x75: {  	[spmem:s2] =	stream.indirect.scatter.add.f32 [tilespmem:s25], [sflag:$0x6], $0x40, s30, s17, $0xb8;
	[tilespmem:$0x14E60] =	vst v63  }
0x76: {  	_ =	swait.ge [sflag:s26], $0x1400  }
0x77: {  	[sflag:s26] =	ssyncset.done $0x0  }
0x78: {  	s24 =	sadd.s32 $0x2D0, s24;
	[sflag:s26] =	ssyncadd.s32 $0xFFFFEC00  }
0x79: {  	[tilespmem:s25], [sflag:$0x5] =	stream.indirect.gather [hbm4b:s4+s17], $0x40, s24, s17, $0xb8;
	[tilespmem:$0x14E60] =	vst v63  }
0x7a: {  	_ =	swait.ge [sflag:s14], $0x1400  }
0x7b: {  	[sflag:s14] =	ssyncset.done $0x0  }
0x7c: {  	s22 =	simm.s32 $0x4C90;
	[sflag:s14] =	ssyncadd.s32 $0xFFFFEC00  }
0x7d: {  	[spmem:s2] =	stream.indirect.scatter.add.f32 [tilespmem:s18], [sflag:$0x6], $0x40, s22, s17, $0xb8;
	[tilespmem:$0x14E60] =	vst v63  }
0x7e: {  	_ =	swait.ge [sflag:s26], $0x1400  }
0x7f: {  	[sflag:s26] =	ssyncset.done $0x0  }
0x80: {  	[sflag:s26] =	ssyncadd.s32 $0xFFFFEC00  }
0x81: {  	_ =	swait.ge [sflag:s15], $0x1400  }
0x82: {  	[sflag:s15] =	ssyncset.done $0x0  }
0x83: {  	[sflag:s15] =	ssyncadd.s32 $0xFFFFEC00  }
0x84: {  	[spmem:s2] =	stream.indirect.scatter.add.f32 [tilespmem:s19], [sflag:$0x6], $0x40, s31, s17, $0xb8;
	[tilespmem:$0x14E60] =	vst v63  }
0x85: {  	_ =	swait.ge [sflag:s26], $0x1400  }
0x86: {  	[sflag:s26] =	ssyncset.done $0x0  }
0x87: {  	[sflag:s26] =	ssyncadd.s32 $0xFFFFEC00  }
0x88: {  	_ =	swait.ge [sflag:s16], $0x1400  }
0x89: {  	[sflag:s16] =	ssyncset.done $0x0  }
0x8a: {  	[sflag:s16] =	ssyncadd.s32 $0xFFFFEC00  }
0x8b: {  	[spmem:s2] =	stream.indirect.scatter.add.f32 [tilespmem:s21], [sflag:$0x6], $0x40, s0, s17, $0xb8;
	[tilespmem:$0x14E60] =	vst v63  }
0x8c: {  	_ =	swait.ge [sflag:s26], $0x1400  }
0x8d: {  	[sflag:s26] =	ssyncset.done $0x0  }
0x8e: {  	[sflag:s26] =	ssyncadd.s32 $0xFFFFEC00  }
0x8f: {  	_ =	swait.ge [sflag:s28], $0x1400  }
0x90: {  	[sflag:s28] =	ssyncset.done $0x0  }
0x91: {  	[sflag:s28] =	ssyncadd.s32 $0xFFFFEC00  }
0x92: {  	[spmem:s2] =	stream.indirect.scatter.add.f32 [tilespmem:s23], [sflag:$0x6], $0x40, s1, s17, $0xb8;
	[tilespmem:$0x14E60] =	vst v63  }
0x93: {  	_ =	swait.ge [sflag:s26], $0x1400  }
0x94: {  	[sflag:s26] =	ssyncset.done $0x0  }
0x95: {  	[sflag:s26] =	ssyncadd.s32 $0xFFFFEC00  }
0x96: {  	_ =	swait.ge [sflag:s29], $0x1400  }
0x97: {  	[sflag:s29] =	ssyncset.done $0x0  }
0x98: {  	[sflag:s29] =	ssyncadd.s32 $0xFFFFEC00  }
0x99: {  	[spmem:s2] =	stream.indirect.scatter.add.f32 [tilespmem:s25], [sflag:$0x6], $0x40, s12, s17, $0xb8;
	[tilespmem:$0x14E60] =	vst v63  }
0x9a: {  	_ =	swait.ge [sflag:s26], $0x1400  }
0x9b: {  	s20 =	sadd.s32 $0x1, s20;
	[sflag:s26] =	ssyncset.done $0x0  }
0x9c: {  	p0 =	sne.s32 s20, s11;
	[sflag:s26] =	ssyncadd.s32 $0xFFFFEC00  }
.Ltmp1:
0x9d: {  	s30 =	sor.u32 $0x1C06, s8;
	[bflag:$0x0] =	sbarrier.arrive $0xFFFF;
	(pc) =	sbr.rel @p0 .LBB2_1-.Ltmp1, $4  }
0x9e: {  	[hbm:s10], [sflag:s30] =	dma.local [spmem:s13], $0x1388  }
0x9f: {  	_ =	swait.ge [sflag:s26], $0x1388  }
0xa0: {  	[sflag:s26] =	ssyncset.done $0x0  }
0xa1: {  	[sflag:s26] =	ssyncadd.s32 $0xFFFFEC78  }
0xa2: {  	_ =	sfence.sel $0x180000  }
0xa3: {  	[bflag:$0x0] =	sbarrier.arrive $0xFFFF  }
0xa4: {  	_ =	strace $0x9000004D  }
0xa5: {  	s0 =	stileid.u32;
	[bflag:$0x2] =	sbarrier.arrive $0xFFFF  }
0xa6: {  	p0 =	sne.s32 s0, $0x0;
	s0 =	rddreg [dreg:$0x2]  }
0xa7: {  	s0 =	sadd.s32 @!p0 $0x100000, s0  }
0xa8: {  	[sflag:s0] =	ssyncadd.tile.s32 @!p0 $0x1;
	_ =	shalt  }
.Lfunc_end2:
_tile_overlayer_lowered:
.L_overlay_start_2:
0xa9: {  	(tag) =	ssettag $0x2  }
0xaa: {  	s0 =	rddreg [dreg:$0x0];
	s2 =	stileid.u32  }
0xab: {  	s1 =	rddreg [dreg:$0x1];
	p0 =	sne.s32 s2, $0x0  }
0xac: {  	s3 =	rddreg [dreg:$0x2];
	[bflag:$0x3] =	sbarrier.arrive $0xFFFF;
	s2 =	simm.s32 @!p0 $0x1C06  }
0xad: {  	[timem:s3], [sflag:s2] =	dma.local @!p0 [hbm:s0], s1  }
0xae: {  	s0 =	simm.s32 @!p0 $0x6  }
0xaf: {  	_ =	swait.ge @!p0 [sflag:s0], s1  }
0xb0: {  	s1 =	ssub.s32 @!p0 $0x0, s1;
	[sflag:s0] =	ssyncset.done @!p0 $0x0  }
0xb1: {  	[sflag:s0] =	ssyncadd.s32 @!p0 s1  }
0xb2: {  	[bflag:$0x3] =	sbarrier.arrive $0xFFFF  }
0xb3: {  	_ =	shalt  }

// kernel: kernel.8.cloned.1.call-start
scs
__scs_entry_jumppad:
0x0: {  	(pc) =	sbr.rel $0x88, $3  }
0x1: {  	(tag) =	ssettag $0x0;
	lr =	simm.s32 $0x1  }
0x2: {  	[smem:$0x3F98] =	sst lr;
	_ =	strace $0xD0000000  }
0x3: {  	_ = 	snop  }
0x4: {  	_ = 	snop  }
0x5: {  	_ = 	snop  }
0x6: {  	_ = 	snop  }
0x7: {  	_ = 	snop  }
__scs_overlays_trampoline_lowered:
0x8: {  	[smem:$0x3FA7] =	sst s0  }
0x9: {  	[smem:$0x3FA8] =	sst s1  }
0xa: {  	[smem:$0x3FA9] =	sst s2  }
0xb: {  	[smem:$0x3FAA] =	sst s3  }
0xc: {  	[smem:$0x3FAB] =	sst s4  }
0xd: {  	[smem:$0x3FAC] =	sst s5  }
0xe: {  	[smem:$0x3FAD] =	sst s6  }
0xf: {  	[smem:$0x3FAE] =	sst s7  }
0x10: {  	[smem:$0x3FAF] =	sst s8  }
0x11: {  	[smem:$0x3FB0] =	sst s9;
	s0 =	simm.s32 @!p0 $0x0  }
0x12: {  	s1 =	sld [smem:$0x3F96];
	s0 =	simm.s32 @p0 $0x1  }
0x13: {  	[smem:$0x3FB1] =	sst s0;
	s0 =	simm.s32 @!p1 $0x0  }
0x14: {  	s2 =	sld [smem:$0x3F95];
	s0 =	simm.s32 @p1 $0x1  }
0x15: {  	[smem:$0x3FB2] =	sst s0;
	s0 =	simm.s32 @!p2 $0x0  }
0x16: {  	s3 =	sld [smem:$0x3FDB];
	s0 =	simm.s32 @p2 $0x1  }
0x17: {  	s4 =	simm.s32 $0x1BF5;
	[smem:$0x3FB4] =	sst s0  }
0x18: {  	s0 =	sld [smem:$0x3F97];
	_ =	swait.ge [sflag:s4], $0x0  }
0x19: {  	s7 =	sld [smem:$0x3F98]  }
0x1a: {  	s8 =	sadd.s32 $0xFFFFE003, lr  }
0x1b: {  	s9 =	sadd.s32 $0xFFFFFEF7, lr;
	s5 =	simm.s32 $0xFFFFFFFF;
	p2 =	slt.u32 s8, $0xFFFFF086  }
0x1c: {  	p1 =	slt.u32 s9, $0xF7A;
	s5 =	simm.s32 @!p2 $0x0  }
0x1d: {  	s5 =	simm.s32 @p1 $0x1;
	p0 =	seq.s32 s7, s2  }
0x1e: {  	s7 =	smul.u32 @!p0 $0xF7A, s2;
	p2 =	seq.s32 @!p0 s5, $0x0  }
0x1f: {  	s9 =	smul.u32 $0xF7A, s1;
	s8 =	simm.s32 @!p0 $0x1BF5;
	p2 =	por !p2, p0  }
0x20: {  	[sflag:s8] =	ssyncset.s32 @!p0 $0xFFFFF086;
	s6 =	sadd.s32 @!p0 s3, s7;
	s7 =	simm.s32 @!p0 $0x108  }
0x21: {  	s3 =	sadd.s32 s3, s9;
	s6 =	sadd.s32 @!p0 $0x88, s6;
	s7 =	simm.s32 @p2 $0x1082  }
0x22: {  	[simem:s7], [sflag:s8] =	dma.local @!p0 [hbm:s6], $0xF7A  }
0x23: {  	s9 =	sor.u32 $0xD0000000, s2;
	s6 =	simm.s32 $0x108;
	_ =	swait.ge @!p0 [sflag:s8], $0x0  }
0x24: {  	s3 =	sadd.s32 $0x88, s3;
	s6 =	simm.s32 @!p1 $0x1082;
	[sflag:s4] =	ssyncset.s32 $0xFFFFF086  }
0x25: {  	[simem:s6], [sflag:s4] =	dma.local [hbm:s3], $0xF7A  }
0x26: {  	[smem:$0x3F98] =	sst s1;
	(tag) =	ssettag s2;
	_ =	strace s9  }
0x27: {  	s1 =	sld [smem:$0x3FA8]  }
0x28: {  	s2 =	sld [smem:$0x3FA9]  }
0x29: {  	s4 =	sld [smem:$0x3FAB]  }
0x2a: {  	p0 =	seq.s32 s5, $0x0;
	s5 =	sld [smem:$0x3FAC]  }
0x2b: {  	s6 =	sld [smem:$0x3FAD]  }
0x2c: {  	s7 =	sld [smem:$0x3FAE]  }
0x2d: {  	s3 =	simm.s32 $0x108;
	s8 =	sld [smem:$0x3FAF]  }
0x2e: {  	s3 =	simm.s32 @!p0 $0x1082;
	s9 =	sld [smem:$0x3FB0]  }
0x2f: {  	lr =	sadd.s32 s0, s3;
	s0 =	sld [smem:$0x3FA7]  }
0x30: {  	s3 =	sld [smem:$0x3FAA]  }
0x31: {  	[smem:$0x3FB3] =	sst s10  }
0x32: {  	s10 =	sld [smem:$0x3FB1];
	_ =	sdelay $0x3  }
0x33: {  	p0 =	seq.s32 s10, $0x1;
	s10 =	sld [smem:$0x3FB3];
	_ =	sdelay $0x3  }
0x34: {  	[smem:$0x3FB3] =	sst s10  }
0x35: {  	s10 =	sld [smem:$0x3FB2];
	_ =	sdelay $0x3  }
0x36: {  	p1 =	seq.s32 s10, $0x1;
	s10 =	sld [smem:$0x3FB3];
	_ =	sdelay $0x3  }
0x37: {  	[smem:$0x3FB3] =	sst s10  }
0x38: {  	s10 =	sld [smem:$0x3FB4]  }
0x39: {  	_ = 	snop;
	(pc) =	sbr.ind lr, $3  }
0x3a: {  	_ = 	snop  }
0x3b: {  	_ = 	snop  }
0x3c: {  	p2 =	seq.s32 s10, $0x1;
	s10 =	sld [smem:$0x3FB3]  }
0x3d: {  	_ =	shalt  }
0x3e: {  	_ =	shalt  }
0x3f: {  	_ =	shalt  }
0x40: {  	_ =	shalt  }
0x41: {  	_ =	shalt  }
0x42: {  	_ =	shalt  }
0x43: {  	_ =	shalt  }
0x44: {  	_ =	shalt  }
0x45: {  	_ =	shalt  }
0x46: {  	_ =	shalt  }
0x47: {  	_ =	shalt  }
0x48: {  	_ =	shalt  }
0x49: {  	_ =	shalt  }
0x4a: {  	_ =	shalt  }
0x4b: {  	_ =	shalt  }
0x4c: {  	_ =	shalt  }
0x4d: {  	_ =	shalt  }
0x4e: {  	_ =	shalt  }
0x4f: {  	_ =	shalt  }
0x50: {  	_ =	shalt  }
0x51: {  	_ =	shalt  }
0x52: {  	_ =	shalt  }
0x53: {  	_ =	shalt  }
0x54: {  	_ =	shalt  }
0x55: {  	_ =	shalt  }
0x56: {  	_ =	shalt  }
0x57: {  	_ =	shalt  }
0x58: {  	_ =	shalt  }
0x59: {  	_ =	shalt  }
0x5a: {  	_ =	shalt  }
0x5b: {  	_ =	shalt  }
0x5c: {  	_ =	shalt  }
0x5d: {  	_ =	shalt  }
0x5e: {  	_ =	shalt  }
0x5f: {  	_ =	shalt  }
0x60: {  	_ =	shalt  }
0x61: {  	_ =	shalt  }
0x62: {  	_ =	shalt  }
0x63: {  	_ =	shalt  }
0x64: {  	_ =	shalt  }
0x65: {  	_ =	shalt  }
0x66: {  	_ =	shalt  }
0x67: {  	_ =	shalt  }
0x68: {  	_ =	shalt  }
0x69: {  	_ =	shalt  }
0x6a: {  	_ =	shalt  }
0x6b: {  	_ =	shalt  }
0x6c: {  	_ =	shalt  }
0x6d: {  	_ =	shalt  }
0x6e: {  	_ =	shalt  }
0x6f: {  	_ =	shalt  }
0x70: {  	_ =	shalt  }
0x71: {  	_ =	shalt  }
0x72: {  	_ =	shalt  }
0x73: {  	_ =	shalt  }
0x74: {  	_ =	shalt  }
0x75: {  	_ =	shalt  }
0x76: {  	_ =	shalt  }
0x77: {  	_ =	shalt  }
0x78: {  	_ =	shalt  }
0x79: {  	_ =	shalt  }
0x7a: {  	_ =	shalt  }
0x7b: {  	_ =	shalt  }
0x7c: {  	_ =	shalt  }
0x7d: {  	_ =	shalt  }
0x7e: {  	_ =	shalt  }
0x7f: {  	_ =	shalt  }
0x80: {  	_ =	shalt  }
0x81: {  	_ =	shalt  }
0x82: {  	_ =	shalt  }
0x83: {  	_ =	shalt  }
0x84: {  	_ =	shalt  }
0x85: {  	_ =	shalt  }
0x86: {  	_ =	shalt  }
0x87: {  	_ =	shalt  }
.Lfunc_end0:
.L_simem_size_0:
called_computation_lowered:
.L_overlay_start_0:
0x88: {  	s2 =	sld [smem:$0x3FD9]  }
0x89: {  	s3 =	sld [smem:$0x3FFE];
	_ =	sdelay $0x1  }
0x8a: {  	s1 =	srdreg.scid  }
0x8b: {  	s0 =	sand.u32 $0x1, s1  }
0x8c: {  	s16 =	sshll.u32 s0, $0xA;
	s2 =	sadd.s32 s3, s2  }
0x8d: {  	s2 =	sadd.s32 s2, s16  }
0x8e: {  	[smem:$0x3FBF] =	sst s2  }
0x8f: {  	_ = 	snop  }
0x90: {  	(tm) =	ssettm $0x1  }
0x91: {  	s17 =	sld [smem:$0x3FFB];
	_ =	sdelay $0x3  }
0x92: {  	_ =	strace s17  }
0x93: {  	s2 =	sld [smem:$0x3FFC];
	_ =	sdelay $0x3  }
0x94: {  	_ =	strace s2  }
0x95: {  	s2 =	sld [smem:$0x3FFD];
	_ =	sdelay $0x3  }
0x96: {  	_ =	strace s2  }
0x97: {  	_ =	strace $0x8FFFFFFF  }
0x98: {  	s18 =	sld [smem:$0x3FDB];
	_ =	sdelay $0x1  }
0x99: {  	s19 =	simm.s32 $_scs_section_size  }
0x9a: {  	s4 =	simm.s32 $_size__tile_overlayer_lowered;
	s5 =	simm.s32 $_tile_overlayer_lowered  }
0x9b: {  	s22 =	simm.s32 $0x1BFF;
	s21 =	sshll.u32 s5, $0x1;
	s2 =	sadd.s32 s19, s18  }
0x9c: {  	s6 =	simm.s32 $0x0;
	s20 =	sshll.u32 s4, $0x1;
	s4 =	sadd.s32 s21, s2  }
0x9d: {  	[timem:s6], [sflag:s22] =	dma.local [hbm:s4], s20  }
0x9e: {  	_ =	swait.ge [sflag:s22], s20  }
0x9f: {  	s3 =	ssub.s32 $0x0, s20;
	[sflag:s22] =	ssyncset.done $0x0  }
0xa0: {  	[sflag:s22] =	ssyncadd.s32 s3;
	_ =	sdelay $0x1  }
0xa1: {  	s23 =	simm.s32 $0x1B8B  }
0xa2: {  	_ =	swait.ge [sflag:s23], $0x1  }
0xa3: {  	[sflag:s23] =	ssyncset.done $0x0  }
0xa4: {  	s25 =	simm.s32 $0x1B8E;
	s24 =	sld [smem:$0x3FFE];
	[sflag:s23] =	ssyncadd.s32 $0xFFFFFFFF  }
0xa5: {  	s26 =	simm.s32 $execute0_lowered;
	[smem:$0x3FD2] =	sst s25  }
0xa6: {  	s4 =	sshll.u32 s26, $0x1;
	_ =	strace $0x80000046;
	[dreg:$0x1] =	wrdreg $0xFFFFFFFF  }
0xa7: {  	s28 =	simm.s32 $_size_execute0_lowered;
	s2 =	sadd.s32 s2, s4;
	[dreg:$0x0] =	wrdreg $0x0  }
0xa8: {  	s4 =	sshll.u32 s28, $0x1;
	[dreg:$0x2] =	wrdreg s2  }
0xa9: {  	[dreg:$0x3] =	wrdreg s4  }
0xaa: {  	[dreg:$0x4] =	wrdreg $0xC0  }
0xab: {  	_ =	task [dreg:s6], $0x5FFFF  }
0xac: {  	[dreg:$0x1] =	wrdreg $0xFFFFFFFF  }
0xad: {  	[dreg:$0x0] =	wrdreg $0x60  }
0xae: {  	[dreg:$0x2] =	wrdreg s24  }
0xaf: {  	[dreg:$0x3] =	wrdreg $0x2C100  }
0xb0: {  	[dreg:$0x4] =	wrdreg $0x9  }
0xb1: {  	_ =	task.clear_ibuf [dreg:s6], $0x5FFFF;
	_ =	strace $0x90000046  }
0xb2: {  	s29 =	simm.s32 $0x9;
	_ =	strace $0x80000048  }
0xb3: {  	_ =	swait.ge [sflag:s29], $0x1  }
0xb4: {  	[sflag:s29] =	ssyncadd.s32 $0xFFFFFFFF  }
0xb5: {  	_ =	strace $0x90000048  }
0xb6: {  	_ =	sfence  }
0xb7: {  	s30 =	sld [smem:$0x0];
	_ =	sdelay $0x2  }
0xb8: {  	s31 =	sshll.u32 s1, $0xD;
	s1 =	sshrl.u32 s1, $0x2  }
0xb9: {  	s3 =	sand.u32 $0x4000, s31;
	s1 =	sadd.s32 s1, s30  }
0xba: {  	s0 =	sor.u32 s3, s0;
	s1 =	sshll.u32 s1, $0x11  }
0xbb: {  	s0 =	sor.u32 s1, s0  }
0xbc: {  	s0 =	sadd.s32 $0x8F2B, s0  }
0xbd: {  	[sflag:s0] =	ssyncadd.remote.s32 $0x1  }
0xbe: {  	_ =	sfence.sel $0xFFFF  }
0xbf: {  	[dreg:$0x0] =	wrdreg $0xFFFFFFFF;
	(pc) =	sbr.abs _section_cstart, $3  }
0xc0: {  	[dreg:$0x1] =	wrdreg $0xFFFFFFFF  }
0xc1: {  	_ =	task.clear_ibuf [dreg:s6], $0x2FFFF;
	_ =	strace $0x9FFFFFFF  }
0xc2: {  	(tm) =	ssettm $0x7FFFFFFF  }
0xc3: {  	_ =	shalt  }
tec
execute0_lowered:
.L_overlay_start_1:
0x0: {  	(tag) =	ssettag $0x1  }
0x1: {  	s6 =	rddreg [dreg:$0x0]  }
0x2: {  	s0 =	srdreg.scid;
	s2 =	rddreg [dreg:$0x1]  }
0x3: {  	s3 =	simm.s32 $0x0;
	s12 =	simm.s32 $0x1;
	s13 =	simm.s32 $0x50  }
0x4: {  	s15 =	simm.s32 $0x2;
	s5 =	sand.u32 $0x1, s0;
	s0 =	stileid.u32  }
0x5: {  	s16 =	simm.s32 $0x0;
	[smem:$0x7FF] =	sst s3;
	s7 =	smul.u32 $0x2710, s0  }
0x6: {  	s1 =	sshll.u32 s5, $0x4;
	s8 =	smul.u32 $0x27100, s5;
	s10 =	ssub.s32 $0x2, s5  }
0x7: {  	s5 =	sadd.s32 $0x15800, s6;
	s14 =	sshll.u32 s0, $0x6;
	s1 =	sor.u32 s0, s1  }
0x8: {  	s11 =	sshrl.u32 s10, $0x1;
	s4 =	smul.u32 $0x4E2, s1;
	s1 =	rddreg [dreg:$0x2]  }
0x9: {  	_ =	strace $0x80000047;
	s8 =	sadd.s32 s7, s8;
	s10 =	ssub.s32 s10, s11  }
0xa: {  	s31 =	sadd.s32 s7, s2;
	s7 =	sor.u32 $0x1C01, s14;
	s14 =	sor.u32 $0x1C02, s14  }
0xb: {  	s8 =	sshrl.u32 s8, $0x3;
	s11 =	sshrl.u32 s31, $0x3;
	s9 =	sadd.s32 s4, s6  }
0xc: {  	s4 =	sadd.s32 $0x15E00, s6;
	s8 =	sadd.s32 s8, s6;
	s6 =	sadd.s32 $0xBA00, s9  }
0xd: {  	s8 =	sadd.s32 $0x16000, s8;
	s9 =	smax.u32 s10, $0x1;
	s10 =	simm.s32 $0x2710  }
.LBB2_1:
0xe: {  	[tilespmem:s3], [sflag:$0x1] =	stream.linear.gather [hbm4b:s6+s3], $0x2710, $0x38;
	[tilespmem:$0x5320] =	vst v63  }
0xf: {  	_ = 	snop  }
0x10: {  	[tilespmem:s10], [sflag:$0x1] =	stream.linear.gather [hbm4b:s4+s3], $0x500, $0x38;
	[tilespmem:$0x5320] =	vst v63  }
0x11: {  	[spmem:s11], [sflag:s7] =	dma.local [hbm:s5], $0x4E2  }
0x12: {  	_ =	swait.ge [sflag:s12], $0x2710  }
0x13: {  	[sflag:s12] =	ssyncset.done $0x0  }
0x14: {  	[sflag:s12] =	ssyncadd.s32 $0xFFFFD8F0  }
0x15: {  	_ =	swait.ge [sflag:s12], $0x500  }
0x16: {  	[sflag:s12] =	ssyncset.done $0x0  }
0x17: {  	[sflag:s12] =	ssyncadd.s32 $0xFFFFFB00  }
0x18: {  	_ =	swait.ge [sflag:s12], $0x4E2  }
0x19: {  	[sflag:s12] =	ssyncset.done $0x0  }
0x1a: {  	[sflag:s12] =	ssyncadd.s32 $0xFFFFFB1E  }
0x1b: {  	s17 =	simm.s32 $0x0;
	[bflag:$0x0] =	sbarrier.arrive $0xFFFF  }
0x1c: {  	[spmem:s2] =	stream.indirect.scatter.add.f32 [tilespmem:s10], [sflag:$0x1], $0x10, s17, s13, $0xb8;
	[tilespmem:$0x5320] =	vst v63  }
0x1d: {  	s20 =	simm.s32 $0x50  }
0x1e: {  	[spmem:s2] =	stream.indirect.scatter.add.f32 [tilespmem:s10], [sflag:$0x1], $0x10, s20, s13, $0xb8;
	[tilespmem:$0x5320] =	vst v63  }
0x1f: {  	s21 =	simm.s32 $0xA0  }
0x20: {  	[spmem:s2] =	stream.indirect.scatter.add.f32 [tilespmem:s10], [sflag:$0x1], $0x10, s21, s13, $0xb8;
	[tilespmem:$0x5320] =	vst v63  }
0x21: {  	s22 =	simm.s32 $0xF0  }
0x22: {  	[spmem:s2] =	stream.indirect.scatter.add.f32 [tilespmem:s10], [sflag:$0x1], $0x10, s22, s13, $0xb8;
	[tilespmem:$0x5320] =	vst v63  }
0x23: {  	s23 =	simm.s32 $0x140  }
0x24: {  	[spmem:s2] =	stream.indirect.scatter.add.f32 [tilespmem:s10], [sflag:$0x1], $0x10, s23, s13, $0xb8;
	[tilespmem:$0x5320] =	vst v63  }
0x25: {  	s24 =	simm.s32 $0x190  }
0x26: {  	[spmem:s2] =	stream.indirect.scatter.add.f32 [tilespmem:s10], [sflag:$0x1], $0x10, s24, s13, $0xb8;
	[tilespmem:$0x5320] =	vst v63  }
0x27: {  	s25 =	simm.s32 $0x1E0  }
0x28: {  	[spmem:s2] =	stream.indirect.scatter.add.f32 [tilespmem:s10], [sflag:$0x1], $0x10, s25, s13, $0xb8;
	[tilespmem:$0x5320] =	vst v63  }
0x29: {  	s26 =	simm.s32 $0x230  }
0x2a: {  	[spmem:s2] =	stream.indirect.scatter.add.f32 [tilespmem:s10], [sflag:$0x1], $0x10, s26, s13, $0xb8;
	[tilespmem:$0x5320] =	vst v63  }
0x2b: {  	s28 =	simm.s32 $0x280  }
0x2c: {  	[spmem:s2] =	stream.indirect.scatter.add.f32 [tilespmem:s10], [sflag:$0x1], $0x10, s28, s13, $0xb8;
	[tilespmem:$0x5320] =	vst v63  }
0x2d: {  	s29 =	simm.s32 $0x2D0  }
0x2e: {  	[spmem:s2] =	stream.indirect.scatter.add.f32 [tilespmem:s10], [sflag:$0x1], $0x10, s29, s13, $0xb8;
	[tilespmem:$0x5320] =	vst v63  }
0x2f: {  	s30 =	simm.s32 $0x320  }
0x30: {  	[spmem:s2] =	stream.indirect.scatter.add.f32 [tilespmem:s10], [sflag:$0x1], $0x10, s30, s13, $0xb8;
	[tilespmem:$0x5320] =	vst v63  }
0x31: {  	s31 =	simm.s32 $0x370  }
0x32: {  	[spmem:s2] =	stream.indirect.scatter.add.f32 [tilespmem:s10], [sflag:$0x1], $0x10, s31, s13, $0xb8;
	[tilespmem:$0x5320] =	vst v63  }
0x33: {  	s18 =	simm.s32 $0x3C0  }
0x34: {  	[spmem:s2] =	stream.indirect.scatter.add.f32 [tilespmem:s10], [sflag:$0x1], $0x10, s18, s13, $0xb8;
	[tilespmem:$0x5320] =	vst v63  }
0x35: {  	s19 =	simm.s32 $0x410  }
0x36: {  	[spmem:s2] =	stream.indirect.scatter.add.f32 [tilespmem:s10], [sflag:$0x1], $0x10, s19, s13, $0xb8;
	[tilespmem:$0x5320] =	vst v63  }
0x37: {  	s20 =	simm.s32 $0x460  }
0x38: {  	[spmem:s2] =	stream.indirect.scatter.add.f32 [tilespmem:s10], [sflag:$0x1], $0x10, s20, s13, $0xb8;
	[tilespmem:$0x5320] =	vst v63  }
0x39: {  	s21 =	simm.s32 $0x4B0  }
0x3a: {  	[spmem:s2] =	stream.indirect.scatter.add.f32 [tilespmem:s10], [sflag:$0x1], $0x10, s21, s13, $0xb8;
	[tilespmem:$0x5320] =	vst v63  }
0x3b: {  	s22 =	simm.s32 $0x500  }
0x3c: {  	[spmem:s2] =	stream.indirect.scatter.add.f32 [tilespmem:s10], [sflag:$0x1], $0x10, s22, s13, $0xb8;
	[tilespmem:$0x5320] =	vst v63  }
0x3d: {  	s23 =	simm.s32 $0x550  }
0x3e: {  	[spmem:s2] =	stream.indirect.scatter.add.f32 [tilespmem:s10], [sflag:$0x1], $0x10, s23, s13, $0xb8;
	[tilespmem:$0x5320] =	vst v63  }
0x3f: {  	s24 =	simm.s32 $0x5A0  }
0x40: {  	[spmem:s2] =	stream.indirect.scatter.add.f32 [tilespmem:s10], [sflag:$0x1], $0x10, s24, s13, $0xb8;
	[tilespmem:$0x5320] =	vst v63  }
0x41: {  	s25 =	simm.s32 $0x5F0  }
0x42: {  	[spmem:s2] =	stream.indirect.scatter.add.f32 [tilespmem:s10], [sflag:$0x1], $0x10, s25, s13, $0xb8;
	[tilespmem:$0x5320] =	vst v63  }
0x43: {  	s26 =	simm.s32 $0x640  }
0x44: {  	[spmem:s2] =	stream.indirect.scatter.add.f32 [tilespmem:s10], [sflag:$0x1], $0x10, s26, s13, $0xb8;
	[tilespmem:$0x5320] =	vst v63  }
0x45: {  	s28 =	simm.s32 $0x690  }
0x46: {  	[spmem:s2] =	stream.indirect.scatter.add.f32 [tilespmem:s10], [sflag:$0x1], $0x10, s28, s13, $0xb8;
	[tilespmem:$0x5320] =	vst v63  }
0x47: {  	s29 =	simm.s32 $0x6E0  }
0x48: {  	[spmem:s2] =	stream.indirect.scatter.add.f32 [tilespmem:s10], [sflag:$0x1], $0x10, s29, s13, $0xb8;
	[tilespmem:$0x5320] =	vst v63  }
0x49: {  	s30 =	simm.s32 $0x730  }
0x4a: {  	[spmem:s2] =	stream.indirect.scatter.add.f32 [tilespmem:s10], [sflag:$0x1], $0x10, s30, s13, $0xb8;
	[tilespmem:$0x5320] =	vst v63  }
0x4b: {  	s31 =	simm.s32 $0x780  }
0x4c: {  	[spmem:s2] =	stream.indirect.scatter.add.f32 [tilespmem:s10], [sflag:$0x1], $0x10, s31, s13, $0xb8;
	[tilespmem:$0x5320] =	vst v63  }
0x4d: {  	_ =	swait.ge [sflag:s12], $0x500  }
0x4e: {  	[sflag:s12] =	ssyncset.done $0x0  }
0x4f: {  	[sflag:s12] =	ssyncadd.s32 $0xFFFFFB00  }
0x50: {  	_ =	swait.ge [sflag:s12], $0x500  }
0x51: {  	[sflag:s12] =	ssyncset.done $0x0  }
0x52: {  	[sflag:s12] =	ssyncadd.s32 $0xFFFFFB00  }
0x53: {  	_ =	swait.ge [sflag:s12], $0x500  }
0x54: {  	[sflag:s12] =	ssyncset.done $0x0  }
0x55: {  	[sflag:s12] =	ssyncadd.s32 $0xFFFFFB00  }
0x56: {  	_ =	swait.ge [sflag:s12], $0x500  }
0x57: {  	[sflag:s12] =	ssyncset.done $0x0  }
0x58: {  	[sflag:s12] =	ssyncadd.s32 $0xFFFFFB00  }
0x59: {  	_ =	swait.ge [sflag:s12], $0x500  }
0x5a: {  	[sflag:s12] =	ssyncset.done $0x0  }
0x5b: {  	[sflag:s12] =	ssyncadd.s32 $0xFFFFFB00  }
0x5c: {  	_ =	swait.ge [sflag:s12], $0x500  }
0x5d: {  	[sflag:s12] =	ssyncset.done $0x0  }
0x5e: {  	[sflag:s12] =	ssyncadd.s32 $0xFFFFFB00  }
0x5f: {  	_ =	swait.ge [sflag:s12], $0x500  }
0x60: {  	[sflag:s12] =	ssyncset.done $0x0  }
0x61: {  	[sflag:s12] =	ssyncadd.s32 $0xFFFFFB00  }
0x62: {  	_ =	swait.ge [sflag:s12], $0x500  }
0x63: {  	[sflag:s12] =	ssyncset.done $0x0  }
0x64: {  	[sflag:s12] =	ssyncadd.s32 $0xFFFFFB00  }
0x65: {  	_ =	swait.ge [sflag:s12], $0x500  }
0x66: {  	[sflag:s12] =	ssyncset.done $0x0  }
0x67: {  	[sflag:s12] =	ssyncadd.s32 $0xFFFFFB00  }
0x68: {  	_ =	swait.ge [sflag:s12], $0x500  }
0x69: {  	[sflag:s12] =	ssyncset.done $0x0  }
0x6a: {  	[sflag:s12] =	ssyncadd.s32 $0xFFFFFB00  }
0x6b: {  	_ =	swait.ge [sflag:s12], $0x500  }
0x6c: {  	[sflag:s12] =	ssyncset.done $0x0  }
0x6d: {  	[sflag:s12] =	ssyncadd.s32 $0xFFFFFB00  }
0x6e: {  	_ =	swait.ge [sflag:s12], $0x500  }
0x6f: {  	[sflag:s12] =	ssyncset.done $0x0  }
0x70: {  	[sflag:s12] =	ssyncadd.s32 $0xFFFFFB00  }
0x71: {  	_ =	swait.ge [sflag:s12], $0x500  }
0x72: {  	[sflag:s12] =	ssyncset.done $0x0  }
0x73: {  	[sflag:s12] =	ssyncadd.s32 $0xFFFFFB00  }
0x74: {  	_ =	swait.ge [sflag:s12], $0x500  }
0x75: {  	[sflag:s12] =	ssyncset.done $0x0  }
0x76: {  	[sflag:s12] =	ssyncadd.s32 $0xFFFFFB00  }
0x77: {  	_ =	swait.ge [sflag:s12], $0x500  }
0x78: {  	[sflag:s12] =	ssyncset.done $0x0  }
0x79: {  	[sflag:s12] =	ssyncadd.s32 $0xFFFFFB00  }
0x7a: {  	_ =	swait.ge [sflag:s12], $0x500  }
0x7b: {  	[sflag:s12] =	ssyncset.done $0x0  }
0x7c: {  	[sflag:s12] =	ssyncadd.s32 $0xFFFFFB00  }
0x7d: {  	_ =	swait.ge [sflag:s12], $0x500  }
0x7e: {  	[sflag:s12] =	ssyncset.done $0x0  }
0x7f: {  	[sflag:s12] =	ssyncadd.s32 $0xFFFFFB00  }
0x80: {  	_ =	swait.ge [sflag:s12], $0x500  }
0x81: {  	[sflag:s12] =	ssyncset.done $0x0  }
0x82: {  	[sflag:s12] =	ssyncadd.s32 $0xFFFFFB00  }
0x83: {  	_ =	swait.ge [sflag:s12], $0x500  }
0x84: {  	[sflag:s12] =	ssyncset.done $0x0  }
0x85: {  	[sflag:s12] =	ssyncadd.s32 $0xFFFFFB00  }
0x86: {  	_ =	swait.ge [sflag:s12], $0x500  }
0x87: {  	[sflag:s12] =	ssyncset.done $0x0  }
0x88: {  	[sflag:s12] =	ssyncadd.s32 $0xFFFFFB00  }
0x89: {  	_ =	swait.ge [sflag:s12], $0x500  }
0x8a: {  	[sflag:s12] =	ssyncset.done $0x0  }
0x8b: {  	[sflag:s12] =	ssyncadd.s32 $0xFFFFFB00  }
0x8c: {  	_ =	swait.ge [sflag:s12], $0x500  }
0x8d: {  	[sflag:s12] =	ssyncset.done $0x0  }
0x8e: {  	[sflag:s12] =	ssyncadd.s32 $0xFFFFFB00  }
0x8f: {  	_ =	swait.ge [sflag:s12], $0x500  }
0x90: {  	[sflag:s12] =	ssyncset.done $0x0  }
0x91: {  	[sflag:s12] =	ssyncadd.s32 $0xFFFFFB00  }
0x92: {  	_ =	swait.ge [sflag:s12], $0x500  }
0x93: {  	[sflag:s12] =	ssyncset.done $0x0  }
0x94: {  	[sflag:s12] =	ssyncadd.s32 $0xFFFFFB00  }
0x95: {  	_ =	swait.ge [sflag:s12], $0x500  }
0x96: {  	s17 =	simm.s32 $0x1F40;
	s20 =	simm.s32 $0x3E80;
	[sflag:s12] =	ssyncset.done $0x0  }
.LBB2_2:
0x97: {  	s19 =	sshra.s32 s17, $0x2  }
0x98: {  	[sflag:s12] =	ssyncadd.s32 $0xFFFFFB00;
	s17 =	smov.u32 s20;
	s18 =	sadd.s32 $0x1F40, s20  }
0x99: {  	[spmem:s2] =	stream.indirect.scatter.add.f32 [tilespmem:s10], [sflag:$0x1], $0x10, s19, s13, $0xb8;
	[tilespmem:$0x5320] =	vst v63  }
0x9a: {  	p0 =	sne.s32 s20, $0x7D00;
	s20 =	sadd.s32 $0x50, s19  }
0x9b: {  	[spmem:s2] =	stream.indirect.scatter.add.f32 [tilespmem:s10], [sflag:$0x1], $0x10, s20, s13, $0xb8;
	[tilespmem:$0x5320] =	vst v63  }
0x9c: {  	s20 =	sadd.s32 $0xA0, s19  }
0x9d: {  	[spmem:s2] =	stream.indirect.scatter.add.f32 [tilespmem:s10], [sflag:$0x1], $0x10, s20, s13, $0xb8;
	[tilespmem:$0x5320] =	vst v63  }
0x9e: {  	s20 =	sadd.s32 $0xF0, s19  }
0x9f: {  	[spmem:s2] =	stream.indirect.scatter.add.f32 [tilespmem:s10], [sflag:$0x1], $0x10, s20, s13, $0xb8;
	[tilespmem:$0x5320] =	vst v63  }
0xa0: {  	s20 =	sadd.s32 $0x140, s19  }
0xa1: {  	[spmem:s2] =	stream.indirect.scatter.add.f32 [tilespmem:s10], [sflag:$0x1], $0x10, s20, s13, $0xb8;
	[tilespmem:$0x5320] =	vst v63  }
0xa2: {  	s20 =	sadd.s32 $0x190, s19  }
0xa3: {  	[spmem:s2] =	stream.indirect.scatter.add.f32 [tilespmem:s10], [sflag:$0x1], $0x10, s20, s13, $0xb8;
	[tilespmem:$0x5320] =	vst v63  }
0xa4: {  	s20 =	sadd.s32 $0x1E0, s19  }
0xa5: {  	[spmem:s2] =	stream.indirect.scatter.add.f32 [tilespmem:s10], [sflag:$0x1], $0x10, s20, s13, $0xb8;
	[tilespmem:$0x5320] =	vst v63  }
0xa6: {  	s20 =	sadd.s32 $0x230, s19  }
0xa7: {  	[spmem:s2] =	stream.indirect.scatter.add.f32 [tilespmem:s10], [sflag:$0x1], $0x10, s20, s13, $0xb8;
	[tilespmem:$0x5320] =	vst v63  }
0xa8: {  	s20 =	sadd.s32 $0x280, s19  }
0xa9: {  	[spmem:s2] =	stream.indirect.scatter.add.f32 [tilespmem:s10], [sflag:$0x1], $0x10, s20, s13, $0xb8;
	[tilespmem:$0x5320] =	vst v63  }
0xaa: {  	s20 =	sadd.s32 $0x2D0, s19  }
0xab: {  	[spmem:s2] =	stream.indirect.scatter.add.f32 [tilespmem:s10], [sflag:$0x1], $0x10, s20, s13, $0xb8;
	[tilespmem:$0x5320] =	vst v63  }
0xac: {  	s20 =	sadd.s32 $0x320, s19  }
0xad: {  	[spmem:s2] =	stream.indirect.scatter.add.f32 [tilespmem:s10], [sflag:$0x1], $0x10, s20, s13, $0xb8;
	[tilespmem:$0x5320] =	vst v63  }
0xae: {  	s20 =	sadd.s32 $0x370, s19  }
0xaf: {  	[spmem:s2] =	stream.indirect.scatter.add.f32 [tilespmem:s10], [sflag:$0x1], $0x10, s20, s13, $0xb8;
	[tilespmem:$0x5320] =	vst v63  }
0xb0: {  	s20 =	sadd.s32 $0x3C0, s19  }
0xb1: {  	[spmem:s2] =	stream.indirect.scatter.add.f32 [tilespmem:s10], [sflag:$0x1], $0x10, s20, s13, $0xb8;
	[tilespmem:$0x5320] =	vst v63  }
0xb2: {  	s20 =	sadd.s32 $0x410, s19  }
0xb3: {  	[spmem:s2] =	stream.indirect.scatter.add.f32 [tilespmem:s10], [sflag:$0x1], $0x10, s20, s13, $0xb8;
	[tilespmem:$0x5320] =	vst v63  }
0xb4: {  	s20 =	sadd.s32 $0x460, s19  }
0xb5: {  	[spmem:s2] =	stream.indirect.scatter.add.f32 [tilespmem:s10], [sflag:$0x1], $0x10, s20, s13, $0xb8;
	[tilespmem:$0x5320] =	vst v63  }
0xb6: {  	s20 =	sadd.s32 $0x4B0, s19  }
0xb7: {  	[spmem:s2] =	stream.indirect.scatter.add.f32 [tilespmem:s10], [sflag:$0x1], $0x10, s20, s13, $0xb8;
	[tilespmem:$0x5320] =	vst v63  }
0xb8: {  	s20 =	sadd.s32 $0x500, s19  }
0xb9: {  	[spmem:s2] =	stream.indirect.scatter.add.f32 [tilespmem:s10], [sflag:$0x1], $0x10, s20, s13, $0xb8;
	[tilespmem:$0x5320] =	vst v63  }
0xba: {  	s20 =	sadd.s32 $0x550, s19  }
0xbb: {  	[spmem:s2] =	stream.indirect.scatter.add.f32 [tilespmem:s10], [sflag:$0x1], $0x10, s20, s13, $0xb8;
	[tilespmem:$0x5320] =	vst v63  }
0xbc: {  	s20 =	sadd.s32 $0x5A0, s19  }
0xbd: {  	[spmem:s2] =	stream.indirect.scatter.add.f32 [tilespmem:s10], [sflag:$0x1], $0x10, s20, s13, $0xb8;
	[tilespmem:$0x5320] =	vst v63  }
0xbe: {  	s20 =	sadd.s32 $0x5F0, s19  }
0xbf: {  	[spmem:s2] =	stream.indirect.scatter.add.f32 [tilespmem:s10], [sflag:$0x1], $0x10, s20, s13, $0xb8;
	[tilespmem:$0x5320] =	vst v63  }
0xc0: {  	s20 =	sadd.s32 $0x640, s19  }
0xc1: {  	[spmem:s2] =	stream.indirect.scatter.add.f32 [tilespmem:s10], [sflag:$0x1], $0x10, s20, s13, $0xb8;
	[tilespmem:$0x5320] =	vst v63  }
0xc2: {  	s20 =	sadd.s32 $0x690, s19  }
0xc3: {  	[spmem:s2] =	stream.indirect.scatter.add.f32 [tilespmem:s10], [sflag:$0x1], $0x10, s20, s13, $0xb8;
	[tilespmem:$0x5320] =	vst v63  }
0xc4: {  	s20 =	sadd.s32 $0x6E0, s19  }
0xc5: {  	[spmem:s2] =	stream.indirect.scatter.add.f32 [tilespmem:s10], [sflag:$0x1], $0x10, s20, s13, $0xb8;
	[tilespmem:$0x5320] =	vst v63  }
0xc6: {  	s20 =	sadd.s32 $0x730, s19  }
0xc7: {  	[spmem:s2] =	stream.indirect.scatter.add.f32 [tilespmem:s10], [sflag:$0x1], $0x10, s20, s13, $0xb8;
	[tilespmem:$0x5320] =	vst v63  }
0xc8: {  	s19 =	sadd.s32 $0x780, s19  }
0xc9: {  	[spmem:s2] =	stream.indirect.scatter.add.f32 [tilespmem:s10], [sflag:$0x1], $0x10, s19, s13, $0xb8;
	[tilespmem:$0x5320] =	vst v63  }
0xca: {  	_ =	swait.ge [sflag:s12], $0x500  }
0xcb: {  	[sflag:s12] =	ssyncset.done $0x0  }
0xcc: {  	[sflag:s12] =	ssyncadd.s32 $0xFFFFFB00  }
0xcd: {  	_ =	swait.ge [sflag:s12], $0x500  }
0xce: {  	[sflag:s12] =	ssyncset.done $0x0  }
0xcf: {  	[sflag:s12] =	ssyncadd.s32 $0xFFFFFB00  }
0xd0: {  	_ =	swait.ge [sflag:s12], $0x500  }
0xd1: {  	[sflag:s12] =	ssyncset.done $0x0  }
0xd2: {  	[sflag:s12] =	ssyncadd.s32 $0xFFFFFB00  }
0xd3: {  	_ =	swait.ge [sflag:s12], $0x500  }
0xd4: {  	[sflag:s12] =	ssyncset.done $0x0  }
0xd5: {  	[sflag:s12] =	ssyncadd.s32 $0xFFFFFB00  }
0xd6: {  	_ =	swait.ge [sflag:s12], $0x500  }
0xd7: {  	[sflag:s12] =	ssyncset.done $0x0  }
0xd8: {  	[sflag:s12] =	ssyncadd.s32 $0xFFFFFB00  }
0xd9: {  	_ =	swait.ge [sflag:s12], $0x500  }
0xda: {  	[sflag:s12] =	ssyncset.done $0x0  }
0xdb: {  	[sflag:s12] =	ssyncadd.s32 $0xFFFFFB00  }
0xdc: {  	_ =	swait.ge [sflag:s12], $0x500  }
0xdd: {  	[sflag:s12] =	ssyncset.done $0x0  }
0xde: {  	[sflag:s12] =	ssyncadd.s32 $0xFFFFFB00  }
0xdf: {  	_ =	swait.ge [sflag:s12], $0x500  }
0xe0: {  	[sflag:s12] =	ssyncset.done $0x0  }
0xe1: {  	[sflag:s12] =	ssyncadd.s32 $0xFFFFFB00  }
0xe2: {  	_ =	swait.ge [sflag:s12], $0x500  }
0xe3: {  	[sflag:s12] =	ssyncset.done $0x0  }
0xe4: {  	[sflag:s12] =	ssyncadd.s32 $0xFFFFFB00  }
0xe5: {  	_ =	swait.ge [sflag:s12], $0x500  }
0xe6: {  	[sflag:s12] =	ssyncset.done $0x0  }
0xe7: {  	[sflag:s12] =	ssyncadd.s32 $0xFFFFFB00  }
0xe8: {  	_ =	swait.ge [sflag:s12], $0x500  }
0xe9: {  	[sflag:s12] =	ssyncset.done $0x0  }
0xea: {  	[sflag:s12] =	ssyncadd.s32 $0xFFFFFB00  }
0xeb: {  	_ =	swait.ge [sflag:s12], $0x500  }
0xec: {  	[sflag:s12] =	ssyncset.done $0x0  }
0xed: {  	[sflag:s12] =	ssyncadd.s32 $0xFFFFFB00  }
0xee: {  	_ =	swait.ge [sflag:s12], $0x500  }
0xef: {  	[sflag:s12] =	ssyncset.done $0x0  }
0xf0: {  	[sflag:s12] =	ssyncadd.s32 $0xFFFFFB00  }
0xf1: {  	_ =	swait.ge [sflag:s12], $0x500  }
0xf2: {  	[sflag:s12] =	ssyncset.done $0x0  }
0xf3: {  	[sflag:s12] =	ssyncadd.s32 $0xFFFFFB00  }
0xf4: {  	_ =	swait.ge [sflag:s12], $0x500  }
0xf5: {  	[sflag:s12] =	ssyncset.done $0x0  }
0xf6: {  	[sflag:s12] =	ssyncadd.s32 $0xFFFFFB00  }
0xf7: {  	_ =	swait.ge [sflag:s12], $0x500  }
0xf8: {  	[sflag:s12] =	ssyncset.done $0x0  }
0xf9: {  	[sflag:s12] =	ssyncadd.s32 $0xFFFFFB00  }
0xfa: {  	_ =	swait.ge [sflag:s12], $0x500  }
0xfb: {  	[sflag:s12] =	ssyncset.done $0x0  }
0xfc: {  	[sflag:s12] =	ssyncadd.s32 $0xFFFFFB00  }
0xfd: {  	_ =	swait.ge [sflag:s12], $0x500  }
0xfe: {  	[sflag:s12] =	ssyncset.done $0x0  }
0xff: {  	[sflag:s12] =	ssyncadd.s32 $0xFFFFFB00  }
0x100: {  	_ =	swait.ge [sflag:s12], $0x500  }
0x101: {  	[sflag:s12] =	ssyncset.done $0x0  }
0x102: {  	[sflag:s12] =	ssyncadd.s32 $0xFFFFFB00  }
0x103: {  	_ =	swait.ge [sflag:s12], $0x500  }
0x104: {  	[sflag:s12] =	ssyncset.done $0x0  }
0x105: {  	[sflag:s12] =	ssyncadd.s32 $0xFFFFFB00  }
0x106: {  	_ =	swait.ge [sflag:s12], $0x500  }
0x107: {  	[sflag:s12] =	ssyncset.done $0x0  }
0x108: {  	[sflag:s12] =	ssyncadd.s32 $0xFFFFFB00  }
0x109: {  	_ =	swait.ge [sflag:s12], $0x500  }
0x10a: {  	[sflag:s12] =	ssyncset.done $0x0  }
0x10b: {  	[sflag:s12] =	ssyncadd.s32 $0xFFFFFB00  }
0x10c: {  	_ =	swait.ge [sflag:s12], $0x500  }
0x10d: {  	[sflag:s12] =	ssyncset.done $0x0  }
0x10e: {  	[sflag:s12] =	ssyncadd.s32 $0xFFFFFB00  }
.Ltmp0:
0x10f: {  	_ =	swait.ge [sflag:s12], $0x500;
	(pc) =	sbr.rel @p0 .LBB2_2-.Ltmp0, $4  }
0x110: {  	[sflag:s12] =	ssyncset.done $0x0  }
0x111: {  	[sflag:s12] =	ssyncadd.s32 $0xFFFFFB00  }
0x112: {  	_ =	swait.ge [sflag:s12], $0x500  }
0x113: {  	s20 =	smov.u32 s18;
	[sflag:s12] =	ssyncset.done $0x0  }
0x114: {  	s17 =	sshra.s32 s17, $0x2;
	[sflag:s12] =	ssyncadd.s32 $0xFFFFFB00  }
0x115: {  	[spmem:s2] =	stream.indirect.scatter.add.f32 [tilespmem:s10], [sflag:$0x1], $0x10, s17, s13, $0xb8;
	[tilespmem:$0x5320] =	vst v63  }
0x116: {  	s18 =	sadd.s32 $0x50, s17  }
0x117: {  	[spmem:s2] =	stream.indirect.scatter.add.f32 [tilespmem:s10], [sflag:$0x1], $0x10, s18, s13, $0xb8;
	[tilespmem:$0x5320] =	vst v63  }
0x118: {  	s21 =	sadd.s32 $0xA0, s17  }
0x119: {  	[spmem:s2] =	stream.indirect.scatter.add.f32 [tilespmem:s10], [sflag:$0x1], $0x10, s21, s13, $0xb8;
	[tilespmem:$0x5320] =	vst v63  }
0x11a: {  	s22 =	sadd.s32 $0xF0, s17  }
0x11b: {  	[spmem:s2] =	stream.indirect.scatter.add.f32 [tilespmem:s10], [sflag:$0x1], $0x10, s22, s13, $0xb8;
	[tilespmem:$0x5320] =	vst v63  }
0x11c: {  	s23 =	sadd.s32 $0x140, s17  }
0x11d: {  	[spmem:s2] =	stream.indirect.scatter.add.f32 [tilespmem:s10], [sflag:$0x1], $0x10, s23, s13, $0xb8;
	[tilespmem:$0x5320] =	vst v63  }
0x11e: {  	s24 =	sadd.s32 $0x190, s17  }
0x11f: {  	[spmem:s2] =	stream.indirect.scatter.add.f32 [tilespmem:s10], [sflag:$0x1], $0x10, s24, s13, $0xb8;
	[tilespmem:$0x5320] =	vst v63  }
0x120: {  	s25 =	sadd.s32 $0x1E0, s17  }
0x121: {  	[spmem:s2] =	stream.indirect.scatter.add.f32 [tilespmem:s10], [sflag:$0x1], $0x10, s25, s13, $0xb8;
	[tilespmem:$0x5320] =	vst v63  }
0x122: {  	s26 =	sadd.s32 $0x230, s17  }
0x123: {  	[spmem:s2] =	stream.indirect.scatter.add.f32 [tilespmem:s10], [sflag:$0x1], $0x10, s26, s13, $0xb8;
	[tilespmem:$0x5320] =	vst v63  }
0x124: {  	s28 =	sadd.s32 $0x280, s17  }
0x125: {  	[spmem:s2] =	stream.indirect.scatter.add.f32 [tilespmem:s10], [sflag:$0x1], $0x10, s28, s13, $0xb8;
	[tilespmem:$0x5320] =	vst v63  }
0x126: {  	s29 =	sadd.s32 $0x2D0, s17  }
0x127: {  	[spmem:s2] =	stream.indirect.scatter.add.f32 [tilespmem:s10], [sflag:$0x1], $0x10, s29, s13, $0xb8;
	[tilespmem:$0x5320] =	vst v63  }
0x128: {  	s30 =	sadd.s32 $0x320, s17  }
0x129: {  	[spmem:s2] =	stream.indirect.scatter.add.f32 [tilespmem:s10], [sflag:$0x1], $0x10, s30, s13, $0xb8;
	[tilespmem:$0x5320] =	vst v63  }
0x12a: {  	s31 =	sadd.s32 $0x370, s17  }
0x12b: {  	[spmem:s2] =	stream.indirect.scatter.add.f32 [tilespmem:s10], [sflag:$0x1], $0x10, s31, s13, $0xb8;
	[tilespmem:$0x5320] =	vst v63  }
0x12c: {  	s19 =	sadd.s32 $0x3C0, s17  }
0x12d: {  	[spmem:s2] =	stream.indirect.scatter.add.f32 [tilespmem:s10], [sflag:$0x1], $0x10, s19, s13, $0xb8;
	[tilespmem:$0x5320] =	vst v63  }
0x12e: {  	s20 =	sadd.s32 $0x410, s17  }
0x12f: {  	[spmem:s2] =	stream.indirect.scatter.add.f32 [tilespmem:s10], [sflag:$0x1], $0x10, s20, s13, $0xb8;
	[tilespmem:$0x5320] =	vst v63  }
0x130: {  	s21 =	sadd.s32 $0x460, s17  }
0x131: {  	[spmem:s2] =	stream.indirect.scatter.add.f32 [tilespmem:s10], [sflag:$0x1], $0x10, s21, s13, $0xb8;
	[tilespmem:$0x5320] =	vst v63  }
0x132: {  	s22 =	sadd.s32 $0x4B0, s17  }
0x133: {  	[spmem:s2] =	stream.indirect.scatter.add.f32 [tilespmem:s10], [sflag:$0x1], $0x10, s22, s13, $0xb8;
	[tilespmem:$0x5320] =	vst v63  }
0x134: {  	s23 =	sadd.s32 $0x500, s17  }
0x135: {  	[spmem:s2] =	stream.indirect.scatter.add.f32 [tilespmem:s10], [sflag:$0x1], $0x10, s23, s13, $0xb8;
	[tilespmem:$0x5320] =	vst v63  }
0x136: {  	s24 =	sadd.s32 $0x550, s17  }
0x137: {  	[spmem:s2] =	stream.indirect.scatter.add.f32 [tilespmem:s10], [sflag:$0x1], $0x10, s24, s13, $0xb8;
	[tilespmem:$0x5320] =	vst v63  }
0x138: {  	s25 =	sadd.s32 $0x5A0, s17  }
0x139: {  	[spmem:s2] =	stream.indirect.scatter.add.f32 [tilespmem:s10], [sflag:$0x1], $0x10, s25, s13, $0xb8;
	[tilespmem:$0x5320] =	vst v63  }
0x13a: {  	s26 =	sadd.s32 $0x5F0, s17  }
0x13b: {  	[spmem:s2] =	stream.indirect.scatter.add.f32 [tilespmem:s10], [sflag:$0x1], $0x10, s26, s13, $0xb8;
	[tilespmem:$0x5320] =	vst v63  }
0x13c: {  	s28 =	sadd.s32 $0x640, s17  }
0x13d: {  	[spmem:s2] =	stream.indirect.scatter.add.f32 [tilespmem:s10], [sflag:$0x1], $0x10, s28, s13, $0xb8;
	[tilespmem:$0x5320] =	vst v63  }
0x13e: {  	s29 =	sadd.s32 $0x690, s17  }
0x13f: {  	[spmem:s2] =	stream.indirect.scatter.add.f32 [tilespmem:s10], [sflag:$0x1], $0x10, s29, s13, $0xb8;
	[tilespmem:$0x5320] =	vst v63  }
0x140: {  	s30 =	sadd.s32 $0x6E0, s17  }
0x141: {  	[spmem:s2] =	stream.indirect.scatter.add.f32 [tilespmem:s10], [sflag:$0x1], $0x10, s30, s13, $0xb8;
	[tilespmem:$0x5320] =	vst v63  }
0x142: {  	s31 =	sadd.s32 $0x730, s17  }
0x143: {  	[spmem:s2] =	stream.indirect.scatter.add.f32 [tilespmem:s10], [sflag:$0x1], $0x10, s31, s13, $0xb8;
	[tilespmem:$0x5320] =	vst v63  }
0x144: {  	s17 =	sadd.s32 $0x780, s17  }
0x145: {  	[spmem:s2] =	stream.indirect.scatter.add.f32 [tilespmem:s10], [sflag:$0x1], $0x10, s17, s13, $0xb8;
	[tilespmem:$0x5320] =	vst v63  }
0x146: {  	_ =	swait.ge [sflag:s12], $0x500  }
0x147: {  	[sflag:s12] =	ssyncset.done $0x0  }
0x148: {  	[sflag:s12] =	ssyncadd.s32 $0xFFFFFB00  }
0x149: {  	_ =	swait.ge [sflag:s12], $0x500  }
0x14a: {  	[sflag:s12] =	ssyncset.done $0x0  }
0x14b: {  	[sflag:s12] =	ssyncadd.s32 $0xFFFFFB00  }
0x14c: {  	_ =	swait.ge [sflag:s12], $0x500  }
0x14d: {  	[sflag:s12] =	ssyncset.done $0x0  }
0x14e: {  	[sflag:s12] =	ssyncadd.s32 $0xFFFFFB00  }
0x14f: {  	_ =	swait.ge [sflag:s12], $0x500  }
0x150: {  	[sflag:s12] =	ssyncset.done $0x0  }
0x151: {  	[sflag:s12] =	ssyncadd.s32 $0xFFFFFB00  }
0x152: {  	_ =	swait.ge [sflag:s12], $0x500  }
0x153: {  	[sflag:s12] =	ssyncset.done $0x0  }
0x154: {  	[sflag:s12] =	ssyncadd.s32 $0xFFFFFB00  }
0x155: {  	_ =	swait.ge [sflag:s12], $0x500  }
0x156: {  	[sflag:s12] =	ssyncset.done $0x0  }
0x157: {  	[sflag:s12] =	ssyncadd.s32 $0xFFFFFB00  }
0x158: {  	_ =	swait.ge [sflag:s12], $0x500  }
0x159: {  	[sflag:s12] =	ssyncset.done $0x0  }
0x15a: {  	[sflag:s12] =	ssyncadd.s32 $0xFFFFFB00  }
0x15b: {  	_ =	swait.ge [sflag:s12], $0x500  }
0x15c: {  	[sflag:s12] =	ssyncset.done $0x0  }
0x15d: {  	[sflag:s12] =	ssyncadd.s32 $0xFFFFFB00  }
0x15e: {  	_ =	swait.ge [sflag:s12], $0x500  }
0x15f: {  	[sflag:s12] =	ssyncset.done $0x0  }
0x160: {  	[sflag:s12] =	ssyncadd.s32 $0xFFFFFB00  }
0x161: {  	_ =	swait.ge [sflag:s12], $0x500  }
0x162: {  	[sflag:s12] =	ssyncset.done $0x0  }
0x163: {  	[sflag:s12] =	ssyncadd.s32 $0xFFFFFB00  }
0x164: {  	_ =	swait.ge [sflag:s12], $0x500  }
0x165: {  	[sflag:s12] =	ssyncset.done $0x0  }
0x166: {  	[sflag:s12] =	ssyncadd.s32 $0xFFFFFB00  }
0x167: {  	_ =	swait.ge [sflag:s12], $0x500  }
0x168: {  	[sflag:s12] =	ssyncset.done $0x0  }
0x169: {  	[sflag:s12] =	ssyncadd.s32 $0xFFFFFB00  }
0x16a: {  	_ =	swait.ge [sflag:s12], $0x500  }
0x16b: {  	[sflag:s12] =	ssyncset.done $0x0  }
0x16c: {  	[sflag:s12] =	ssyncadd.s32 $0xFFFFFB00  }
0x16d: {  	_ =	swait.ge [sflag:s12], $0x500  }
0x16e: {  	[sflag:s12] =	ssyncset.done $0x0  }
0x16f: {  	[sflag:s12] =	ssyncadd.s32 $0xFFFFFB00  }
0x170: {  	_ =	swait.ge [sflag:s12], $0x500  }
0x171: {  	[sflag:s12] =	ssyncset.done $0x0  }
0x172: {  	[sflag:s12] =	ssyncadd.s32 $0xFFFFFB00  }
0x173: {  	_ =	swait.ge [sflag:s12], $0x500  }
0x174: {  	[sflag:s12] =	ssyncset.done $0x0  }
0x175: {  	[sflag:s12] =	ssyncadd.s32 $0xFFFFFB00  }
0x176: {  	_ =	swait.ge [sflag:s12], $0x500  }
0x177: {  	[sflag:s12] =	ssyncset.done $0x0  }
0x178: {  	[sflag:s12] =	ssyncadd.s32 $0xFFFFFB00  }
0x179: {  	_ =	swait.ge [sflag:s12], $0x500  }
0x17a: {  	[sflag:s12] =	ssyncset.done $0x0  }
0x17b: {  	[sflag:s12] =	ssyncadd.s32 $0xFFFFFB00  }
0x17c: {  	_ =	swait.ge [sflag:s12], $0x500  }
0x17d: {  	[sflag:s12] =	ssyncset.done $0x0  }
0x17e: {  	[sflag:s12] =	ssyncadd.s32 $0xFFFFFB00  }
0x17f: {  	_ =	swait.ge [sflag:s12], $0x500  }
0x180: {  	[sflag:s12] =	ssyncset.done $0x0  }
0x181: {  	[sflag:s12] =	ssyncadd.s32 $0xFFFFFB00  }
0x182: {  	_ =	swait.ge [sflag:s12], $0x500  }
0x183: {  	[sflag:s12] =	ssyncset.done $0x0  }
0x184: {  	[sflag:s12] =	ssyncadd.s32 $0xFFFFFB00  }
0x185: {  	_ =	swait.ge [sflag:s12], $0x500  }
0x186: {  	[sflag:s12] =	ssyncset.done $0x0  }
0x187: {  	[sflag:s12] =	ssyncadd.s32 $0xFFFFFB00  }
0x188: {  	_ =	swait.ge [sflag:s12], $0x500  }
0x189: {  	[sflag:s12] =	ssyncset.done $0x0  }
0x18a: {  	[sflag:s12] =	ssyncadd.s32 $0xFFFFFB00  }
0x18b: {  	_ =	swait.ge [sflag:s12], $0x500  }
0x18c: {  	[sflag:s12] =	ssyncset.done $0x0  }
0x18d: {  	[sflag:s12] =	ssyncadd.s32 $0xFFFFFB00  }
0x18e: {  	_ =	swait.ge [sflag:s12], $0x500  }
0x18f: {  	s16 =	sadd.s32 $0x1, s16;
	[sflag:s12] =	ssyncset.done $0x0  }
0x190: {  	p0 =	sne.s32 s16, s9;
	[sflag:s12] =	ssyncadd.s32 $0xFFFFFB00  }
.Ltmp1:
0x191: {  	[bflag:$0x0] =	sbarrier.arrive $0xFFFF;
	(pc) =	sbr.rel @p0 .LBB2_1-.Ltmp1, $4  }
0x192: {  	[hbm:s8], [sflag:s14] =	dma.local [spmem:s11], $0x4E2  }
0x193: {  	_ =	swait.ge [sflag:s15], $0x4E2  }
0x194: {  	[sflag:s15] =	ssyncset.done $0x0  }
0x195: {  	[sflag:s15] =	ssyncadd.s32 $0xFFFFFB1E  }
0x196: {  	_ =	sfence.sel $0x180000  }
0x197: {  	[bflag:$0x0] =	sbarrier.arrive $0xFFFF  }
0x198: {  	p0 =	sne.s32 s0, $0x0;
	_ =	strace $0x90000047  }
0x199: {  	s0 =	sadd.s32 @!p0 $0x100000, s1;
	[bflag:$0x2] =	sbarrier.arrive $0xFFFF  }
0x19a: {  	[sflag:s0] =	ssyncadd.tile.s32 @!p0 $0x1;
	_ =	shalt  }
.Lfunc_end2:
_tile_overlayer_lowered:
.L_overlay_start_2:
0x19b: {  	(tag) =	ssettag $0x2  }
0x19c: {  	s0 =	rddreg [dreg:$0x0];
	s2 =	stileid.u32  }
0x19d: {  	s1 =	rddreg [dreg:$0x1];
	p0 =	sne.s32 s2, $0x0  }
0x19e: {  	s3 =	rddreg [dreg:$0x2];
	[bflag:$0x3] =	sbarrier.arrive $0xFFFF;
	s2 =	simm.s32 @!p0 $0x1C02  }
0x19f: {  	[timem:s3], [sflag:s2] =	dma.local @!p0 [hbm:s0], s1  }
0x1a0: {  	s0 =	simm.s32 @!p0 $0x2  }
0x1a1: {  	_ =	swait.ge @!p0 [sflag:s0], s1  }
0x1a2: {  	s1 =	ssub.s32 @!p0 $0x0, s1;
	[sflag:s0] =	ssyncset.done @!p0 $0x0  }
0x1a3: {  	[sflag:s0] =	ssyncadd.s32 @!p0 s1  }
0x1a4: {  	[bflag:$0x3] =	sbarrier.arrive $0xFFFF  }
0x1a5: {  	_ =	shalt  }

</sc_bundles>
